<compile_context>
chip_gen: v7x
topology: tpu7x:2x2x1
jax: 0.10.2.dev20260603
libtpu: 0.0.44.dev20260713+nightly
codegen_flags: <defaults>
</compile_context>

<pallas_src>
import functools

import jax
import jax.numpy as jnp
from jax import lax
from jax.experimental import pallas as pl
from jax.experimental.pallas import tpu as pltpu
from jax.experimental.pallas import tpu_sc as plsc

NC = 2
NS = 16
LANES = 16
NW = NC * NS

B = 16384
K = 32
BPW = B // NW
PASS = 256
NPASS = BPW // PASS
NGRP = PASS // LANES

_mesh = plsc.VectorSubcoreMesh(core_axis_name="c", subcore_axis_name="s")


@functools.partial(
    pl.kernel,
    out_type=jax.ShapeDtypeStruct((B,), jnp.float32),
    mesh=_mesh,
    scratch_types=[
        pltpu.VMEM((BPW,), jnp.int32),
        pltpu.VMEM((BPW,), jnp.int32),
        pltpu.VMEM((PASS, K), jnp.float32),
        pltpu.VMEM((PASS, K), jnp.float32),
        pltpu.VMEM((BPW,), jnp.float32),
        pltpu.SemaphoreType.DMA,
        pltpu.SemaphoreType.DMA,
    ],
    compiler_params=pltpu.CompilerParams(
        needs_layout_passes=False, use_tc_tiling_on_sc=True),
)
def _policy_lr_sc(rows_hbm, cols_hbm, l_hbm, rt_hbm, out_hbm,
                  rows_v, cols_v, lg_v, rg_v, res_v, sem_l, sem_r):
    wid = lax.axis_index("s") * NC + lax.axis_index("c")
    base = wid * BPW

    pltpu.sync_copy(rows_hbm.at[pl.ds(base, BPW)], rows_v)
    pltpu.sync_copy(cols_hbm.at[pl.ds(base, BPW)], cols_v)

    iota = lax.iota(jnp.int32, LANES)

    for p in range(NPASS):
        def fire(j, carry):
            r16 = rows_v[pl.ds(p * PASS + j * LANES, LANES)]
            c16 = cols_v[pl.ds(p * PASS + j * LANES, LANES)]
            for lane in range(LANES):
                brow = j * LANES + lane
                pltpu.async_copy(
                    l_hbm.at[pl.ds(r16[lane], 1), :],
                    lg_v.at[pl.ds(brow, 1), :],
                    sem_l,
                )
                pltpu.async_copy(
                    rt_hbm.at[pl.ds(c16[lane], 1), :],
                    rg_v.at[pl.ds(brow, 1), :],
                    sem_r,
                )
            return carry

        lax.fori_loop(0, NGRP, fire, 0)

        def drain(i, carry):
            pltpu.make_async_copy(
                l_hbm.at[pl.ds(0, 1), :], lg_v.at[pl.ds(0, 1), :],
                sem_l).wait()
            pltpu.make_async_copy(
                rt_hbm.at[pl.ds(0, 1), :], rg_v.at[pl.ds(0, 1), :],
                sem_r).wait()
            return carry

        lax.fori_loop(0, PASS, drain, 0)

        def dot_group(g, carry):
            b16 = g * LANES + iota
            acc = jnp.zeros((LANES,), jnp.float32)
            for k in range(K):
                kvec = jnp.full((LANES,), k, jnp.int32)
                lv = plsc.load_gather(lg_v, [b16, kvec])
                rv = plsc.load_gather(rg_v, [b16, kvec])
                acc = acc + lv * rv
            res_v[pl.ds(p * PASS + g * LANES, LANES)] = acc
            return carry

        lax.fori_loop(0, NGRP, dot_group, 0)

    pltpu.sync_copy(res_v, out_hbm.at[pl.ds(base, BPW)])


def kernel(rows, cols, L, R, log_sigma):
    res = _policy_lr_sc(
        rows.astype(jnp.int32),
        cols.astype(jnp.int32),
        L,
        R.T,
    )
    return res, jnp.clip(log_sigma, -2.5, 0.0)

# --- scband reference (transcript-rebuilt; emitter-appended) ---
"""Pipeline reference for scband-policy-lr-5841155523050 (READ-ONLY COPY).

The authoritative reference and input builder live on the scoring server;
editing this copy changes nothing except your own understanding.
"""

import jax, jax.numpy as jnp
import numpy as np

N = 1000000
M = 100000
K = 32
B = 16384
SCALE = 1.0

def setup_inputs(seed: int = 0) -> dict:
    key = jax.random.key(seed)
    k1, k2, k3, k4 = jax.random.split(key, 4)
    rows = jax.random.randint(k1, (B,), 0, N, dtype=jnp.int64) if jax.config.jax_enable_x64 else jax.random.randint(k1, (B,), 0, N, dtype=jnp.int32)
    cols = jax.random.randint(k2, (B,), 0, M, dtype=jnp.int64) if jax.config.jax_enable_x64 else jax.random.randint(k2, (B,), 0, M, dtype=jnp.int32)
    L = SCALE * jax.random.normal(k3, (N, K), dtype=jnp.float32)
    R = SCALE * jax.random.normal(k4, (K, M), dtype=jnp.float32)
    log_sigma = jnp.zeros((1,), dtype=jnp.float32)
    return {"rows": rows, "cols": cols, "L": L, "R": R, "log_sigma": log_sigma}

def reference(rows, cols, L, R, log_sigma):
    # PolicyLR.forward with indices=(rows, cols), cols is not None branch
    Lg = jnp.take(L, rows, axis=0)            # gather rows of L: [B, K]
    Rg = jnp.take(R, cols, axis=1).T           # gather cols of R, transposed: [B, K]
    prod = Lg * Rg
    res = jnp.sum(prod, axis=-1)               # [B]
    return (res, jnp.clip(log_sigma, -2.5, 0.0))

if __name__ == "__main__":
    import jax
    _d = setup_inputs()
    print(jax.jit(kernel)(*tuple(_d.values())))

</pallas_src>

<mosaic_0001>
#map = affine_map<(d0, d1) -> (0)>
#map1 = affine_map<(d0, d1) -> (0, 0)>
module attributes {stable_mosaic.version = 14 : i64} {
  func.func @_policy_lr_sc(%arg0: i32, %arg1: i32, %arg2: memref<16384xi32, #tpu.memory_space<hbm>>, %arg3: memref<16384xi32, #tpu.memory_space<hbm>>, %arg4: memref<1000000x32xf32, #tpu.memory_space<hbm>>, %arg5: memref<100000x32xf32, #tpu.memory_space<hbm>>, %arg6: memref<16384xf32, #tpu.memory_space<hbm>>, %arg7: memref<512xi32, #tpu.memory_space<vmem>>, %arg8: memref<512xi32, #tpu.memory_space<vmem>>, %arg9: memref<256x32xf32, #tpu.memory_space<vmem>>, %arg10: memref<256x32xf32, #tpu.memory_space<vmem>>, %arg11: memref<512xf32, #tpu.memory_space<vmem>>, %arg12: memref<!tpu.dma_semaphore, #tpu.memory_space<semaphore_mem>>, %arg13: memref<!tpu.dma_semaphore, #tpu.memory_space<semaphore_mem>>) attributes {dimension_semantics = [#tpu.dimension_semantics<core_parallel>, #tpu.dimension_semantics<subcore_parallel>], iteration_bounds = array<i64: 2, 16>, scalar_prefetch = 0 : i64, scratch_operands = 7 : i64, tpu.core_type = #tpu.core_type<sc_vector_subcore>, window_params = [{transform_indices = #map}, {transform_indices = #map}, {transform_indices = #map1}, {transform_indices = #map1}, {transform_indices = #map}]} {
    %mul3A = arith.constant 2 : i32
    %mul3A_0 = arith.muli %arg1, %mul3A : i32
    %add3A = arith.addi %mul3A_0, %arg0 : i32
    %mul3A_1 = arith.constant 512 : i32
    %mul3A_2 = arith.muli %add3A, %mul3A_1 : i32
    "tpu.region"() ({
      %run_scoped3A = tpu.sem_alloc : memref<!tpu.dma_semaphore, #tpu.memory_space<semaphore_mem>>
      %dma_start3A = tpu.memref_slice %arg2[%mul3A_2] : memref<16384xi32, #tpu.memory_space<hbm>> -> memref<512xi32, #tpu.memory_space<hbm>>
      %dma_start3A_38 = tpu.memref_slice %arg2[%mul3A_2] : memref<16384xi32, #tpu.memory_space<hbm>> -> memref<512xi32, #tpu.memory_space<hbm>>
      tpu.enqueue_dma source(%dma_start3A_38 : memref<512xi32, #tpu.memory_space<hbm>>) target(%arg7 : memref<512xi32, #tpu.memory_space<vmem>>) target_semaphore(%run_scoped3A : memref<!tpu.dma_semaphore, #tpu.memory_space<semaphore_mem>>)
      %dma_wait3A = tpu.memref_slice %arg2[%mul3A_2] : memref<16384xi32, #tpu.memory_space<hbm>> -> memref<512xi32, #tpu.memory_space<hbm>>
      %dma_wait3A_39 = tpu.memref_slice %arg2[%mul3A_2] : memref<16384xi32, #tpu.memory_space<hbm>> -> memref<512xi32, #tpu.memory_space<hbm>>
      tpu.wait_dma2 semaphore(%run_scoped3A : memref<!tpu.dma_semaphore, #tpu.memory_space<semaphore_mem>>) src(%dma_wait3A_39 : memref<512xi32, #tpu.memory_space<hbm>>) dst(%arg7 : memref<512xi32, #tpu.memory_space<vmem>>)
      tpu.yield
    }) : () -> ()
    "tpu.region"() ({
      %run_scoped3A = tpu.sem_alloc : memref<!tpu.dma_semaphore, #tpu.memory_space<semaphore_mem>>
      %dma_start3A = tpu.memref_slice %arg3[%mul3A_2] : memref<16384xi32, #tpu.memory_space<hbm>> -> memref<512xi32, #tpu.memory_space<hbm>>
      %dma_start3A_38 = tpu.memref_slice %arg3[%mul3A_2] : memref<16384xi32, #tpu.memory_space<hbm>> -> memref<512xi32, #tpu.memory_space<hbm>>
      tpu.enqueue_dma source(%dma_start3A_38 : memref<512xi32, #tpu.memory_space<hbm>>) target(%arg8 : memref<512xi32, #tpu.memory_space<vmem>>) target_semaphore(%run_scoped3A : memref<!tpu.dma_semaphore, #tpu.memory_space<semaphore_mem>>)
      %dma_wait3A = tpu.memref_slice %arg3[%mul3A_2] : memref<16384xi32, #tpu.memory_space<hbm>> -> memref<512xi32, #tpu.memory_space<hbm>>
      %dma_wait3A_39 = tpu.memref_slice %arg3[%mul3A_2] : memref<16384xi32, #tpu.memory_space<hbm>> -> memref<512xi32, #tpu.memory_space<hbm>>
      tpu.wait_dma2 semaphore(%run_scoped3A : memref<!tpu.dma_semaphore, #tpu.memory_space<semaphore_mem>>) src(%dma_wait3A_39 : memref<512xi32, #tpu.memory_space<hbm>>) dst(%arg8 : memref<512xi32, #tpu.memory_space<vmem>>)
      tpu.yield
    }) : () -> ()
    %iota3A = tpu.iota {dimensions = array<i32: 0>} : vector<16xi32>
    %scan3A = arith.constant 0 : i32
    %scan3A_3 = arith.constant 0 : i32
    %scan3A_4 = arith.constant 16 : i32
    %scan3A_5 = arith.addi %scan3A_3, %scan3A_4 : i32
    %scan3A_6 = arith.constant 1 : i32
    scf.for %scan3A_38 = %scan3A_3 to %scan3A_5 step %scan3A_6  : i32 {
      %mul3A_39 = arith.constant 16 : i32
      %mul3A_40 = arith.muli %scan3A_38, %mul3A_39 : i32
      %add3A_41 = arith.constant 0 : i32
      %add3A_42 = arith.addi %add3A_41, %mul3A_40 : i32
      %get3A = arith.index_cast %add3A_42 : i32 to index
      %get3A_43 = tpu.vector_load %arg7[%get3A] {strides = array<i32>} : memref<512xi32, #tpu.memory_space<vmem>>, vector<16xi32>,
      %mul3A_44 = arith.constant 16 : i32
      %mul3A_45 = arith.muli %scan3A_38, %mul3A_44 : i32
      %add3A_46 = arith.constant 0 : i32
      %add3A_47 = arith.addi %add3A_46, %mul3A_45 : i32
      %get3A_48 = arith.index_cast %add3A_47 : i32 to index
      %get3A_49 = tpu.vector_load %arg8[%get3A_48] {strides = array<i32>} : memref<512xi32, #tpu.memory_space<vmem>>, vector<16xi32>,
      %mul3A_50 = arith.constant 16 : i32
      %mul3A_51 = arith.muli %scan3A_38, %mul3A_50 : i32
      %add3A_52 = arith.constant 0 : i32
      %add3A_53 = arith.addi %mul3A_51, %add3A_52 : i32
      %slice3A = vector.extract_strided_slice %get3A_43 {offsets = [0], sizes = [1], strides = [1]} : vector<16xi32> to vector<1xi32>
      %squeeze3A = vector.extract %slice3A[0] : i32 from vector<1xi32>
      %dma_start3A = arith.constant 0 : i32
      %dma_start3A_54 = tpu.memref_slice %arg9[%add3A_53, %dma_start3A] : memref<256x32xf32, #tpu.memory_space<vmem>> -> memref<1x32xf32, #tpu.memory_space<vmem>>
      %dma_start3A_55 = arith.constant 0 : i32
      %dma_start3A_56 = tpu.memref_slice %arg4[%squeeze3A, %dma_start3A_55] : memref<1000000x32xf32, #tpu.memory_space<hbm>> -> memref<1x32xf32, #tpu.memory_space<hbm>>
      %dma_start3A_57 = arith.constant 0 : i32
      %dma_start3A_58 = tpu.memref_slice %arg9[%add3A_53, %dma_start3A_57] : memref<256x32xf32, #tpu.memory_space<vmem>> -> memref<1x32xf32, #tpu.memory_space<vmem>>
      %dma_start3A_59 = arith.constant 0 : i32
      %dma_start3A_60 = tpu.memref_slice %arg4[%squeeze3A, %dma_start3A_59] : memref<1000000x32xf32, #tpu.memory_space<hbm>> -> memref<1x32xf32, #tpu.memory_space<hbm>>
      tpu.enqueue_dma source(%dma_start3A_60 : memref<1x32xf32, #tpu.memory_space<hbm>>) target(%dma_start3A_58 : memref<1x32xf32, #tpu.memory_space<vmem>>) target_semaphore(%arg12 : memref<!tpu.dma_semaphore, #tpu.memory_space<semaphore_mem>>)
      %slice3A_61 = vector.extract_strided_slice %get3A_49 {offsets = [0], sizes = [1], strides = [1]} : vector<16xi32> to vector<1xi32>
      %squeeze3A_62 = vector.extract %slice3A_61[0] : i32 from vector<1xi32>
      %dma_start3A_63 = arith.constant 0 : i32
      %dma_start3A_64 = tpu.memref_slice %arg10[%add3A_53, %dma_start3A_63] : memref<256x32xf32, #tpu.memory_space<vmem>> -> memref<1x32xf32, #tpu.memory_space<vmem>>
      %dma_start3A_65 = arith.constant 0 : i32
      %dma_start3A_66 = tpu.memref_slice %arg5[%squeeze3A_62, %dma_start3A_65] : memref<100000x32xf32, #tpu.memory_space<hbm>> -> memref<1x32xf32, #tpu.memory_space<hbm>>
      %dma_start3A_67 = arith.constant 0 : i32
      %dma_start3A_68 = tpu.memref_slice %arg10[%add3A_53, %dma_start3A_67] : memref<256x32xf32, #tpu.memory_space<vmem>> -> memref<1x32xf32, #tpu.memory_space<vmem>>
      %dma_start3A_69 = arith.constant 0 : i32
      %dma_start3A_70 = tpu.memref_slice %arg5[%squeeze3A_62, %dma_start3A_69] : memref<100000x32xf32, #tpu.memory_space<hbm>> -> memref<1x32xf32, #tpu.memory_space<hbm>>
      tpu.enqueue_dma source(%dma_start3A_70 : memref<1x32xf32, #tpu.memory_space<hbm>>) target(%dma_start3A_68 : memref<1x32xf32, #tpu.memory_space<vmem>>) target_semaphore(%arg13 : memref<!tpu.dma_semaphore, #tpu.memory_space<semaphore_mem>>)
      %mul3A_71 = arith.constant 16 : i32
      %mul3A_72 = arith.muli %scan3A_38, %mul3A_71 : i32
      %add3A_73 = arith.constant 1 : i32
      %add3A_74 = arith.addi %mul3A_72, %add3A_73 : i32
      %slice3A_75 = vector.extract_strided_slice %get3A_43 {offsets = [1], sizes = [1], strides = [1]} : vector<16xi32> to vector<1xi32>
      %squeeze3A_76 = vector.extract %slice3A_75[0] : i32 from vector<1xi32>
      %dma_start3A_77 = arith.constant 0 : i32
      %dma_start3A_78 = tpu.memref_slice %arg9[%add3A_74, %dma_start3A_77] : memref<256x32xf32, #tpu.memory_space<vmem>> -> memref<1x32xf32, #tpu.memory_space<vmem>>
      %dma_start3A_79 = arith.constant 0 : i32
      %dma_start3A_80 = tpu.memref_slice %arg4[%squeeze3A_76, %dma_start3A_79] : memref<1000000x32xf32, #tpu.memory_space<hbm>> -> memref<1x32xf32, #tpu.memory_space<hbm>>
      %dma_start3A_81 = arith.constant 0 : i32
      %dma_start3A_82 = tpu.memref_slice %arg9[%add3A_74, %dma_start3A_81] : memref<256x32xf32, #tpu.memory_space<vmem>> -> memref<1x32xf32, #tpu.memory_space<vmem>>
      %dma_start3A_83 = arith.constant 0 : i32
      %dma_start3A_84 = tpu.memref_slice %arg4[%squeeze3A_76, %dma_start3A_83] : memref<1000000x32xf32, #tpu.memory_space<hbm>> -> memref<1x32xf32, #tpu.memory_space<hbm>>
      tpu.enqueue_dma source(%dma_start3A_84 : memref<1x32xf32, #tpu.memory_space<hbm>>) target(%dma_start3A_82 : memref<1x32xf32, #tpu.memory_space<vmem>>) target_semaphore(%arg12 : memref<!tpu.dma_semaphore, #tpu.memory_space<semaphore_mem>>)
      %slice3A_85 = vector.extract_strided_slice %get3A_49 {offsets = [1], sizes = [1], strides = [1]} : vector<16xi32> to vector<1xi32>
      %squeeze3A_86 = vector.extract %slice3A_85[0] : i32 from vector<1xi32>
      %dma_start3A_87 = arith.constant 0 : i32
      %dma_start3A_88 = tpu.memref_slice %arg10[%add3A_74, %dma_start3A_87] : memref<256x32xf32, #tpu.memory_space<vmem>> -> memref<1x32xf32, #tpu.memory_space<vmem>>
      %dma_start3A_89 = arith.constant 0 : i32
      %dma_start3A_90 = tpu.memref_slice %arg5[%squeeze3A_86, %dma_start3A_89] : memref<100000x32xf32, #tpu.memory_space<hbm>> -> memref<1x32xf32, #tpu.memory_space<hbm>>
      %dma_start3A_91 = arith.constant 0 : i32
      %dma_start3A_92 = tpu.memref_slice %arg10[%add3A_74, %dma_start3A_91] : memref<256x32xf32, #tpu.memory_space<vmem>> -> memref<1x32xf32, #tpu.memory_space<vmem>>
      %dma_start3A_93 = arith.constant 0 : i32
      %dma_start3A_94 = tpu.memref_slice %arg5[%squeeze3A_86, %dma_start3A_93] : memref<100000x32xf32, #tpu.memory_space<hbm>> -> memref<1x32xf32, #tpu.memory_space<hbm>>
      tpu.enqueue_dma source(%dma_start3A_94 : memref<1x32xf32, #tpu.memory_space<hbm>>) target(%dma_start3A_92 : memref<1x32xf32, #tpu.memory_space<vmem>>) target_semaphore(%arg13 : memref<!tpu.dma_semaphore, #tpu.memory_space<semaphore_mem>>)
      %mul3A_95 = arith.constant 16 : i32
      %mul3A_96 = arith.muli %scan3A_38, %mul3A_95 : i32
      %add3A_97 = arith.constant 2 : i32
      %add3A_98 = arith.addi %mul3A_96, %add3A_97 : i32
      %slice3A_99 = vector.extract_strided_slice %get3A_43 {offsets = [2], sizes = [1], strides = [1]} : vector<16xi32> to vector<1xi32>
      %squeeze3A_100 = vector.extract %slice3A_99[0] : i32 from vector<1xi32>
      %dma_start3A_101 = arith.constant 0 : i32
      %dma_start3A_102 = tpu.memref_slice %arg9[%add3A_98, %dma_start3A_101] : memref<256x32xf32, #tpu.memory_space<vmem>> -> memref<1x32xf32, #tpu.memory_space<vmem>>
      %dma_start3A_103 = arith.constant 0 : i32
      %dma_start3A_104 = tpu.memref_slice %arg4[%squeeze3A_100, %dma_start3A_103] : memref<1000000x32xf32, #tpu.memory_space<hbm>> -> memref<1x32xf32, #tpu.memory_space<hbm>>
      %dma_start3A_105 = arith.constant 0 : i32
      %dma_start3A_106 = tpu.memref_slice %arg9[%add3A_98, %dma_start3A_105] : memref<256x32xf32, #tpu.memory_space<vmem>> -> memref<1x32xf32, #tpu.memory_space<vmem>>
      %dma_start3A_107 = arith.constant 0 : i32
      %dma_start3A_108 = tpu.memref_slice %arg4[%squeeze3A_100, %dma_start3A_107] : memref<1000000x32xf32, #tpu.memory_space<hbm>> -> memref<1x32xf32, #tpu.memory_space<hbm>>
      tpu.enqueue_dma source(%dma_start3A_108 : memref<1x32xf32, #tpu.memory_space<hbm>>) target(%dma_start3A_106 : memref<1x32xf32, #tpu.memory_space<vmem>>) target_semaphore(%arg12 : memref<!tpu.dma_semaphore, #tpu.memory_space<semaphore_mem>>)
      %slice3A_109 = vector.extract_strided_slice %get3A_49 {offsets = [2], sizes = [1], strides = [1]} : vector<16xi32> to vector<1xi32>
      %squeeze3A_110 = vector.extract %slice3A_109[0] : i32 from vector<1xi32>
      %dma_start3A_111 = arith.constant 0 : i32
      %dma_start3A_112 = tpu.memref_slice %arg10[%add3A_98, %dma_start3A_111] : memref<256x32xf32, #tpu.memory_space<vmem>> -> memref<1x32xf32, #tpu.memory_space<vmem>>
      %dma_start3A_113 = arith.constant 0 : i32
      %dma_start3A_114 = tpu.memref_slice %arg5[%squeeze3A_110, %dma_start3A_113] : memref<100000x32xf32, #tpu.memory_space<hbm>> -> memref<1x32xf32, #tpu.memory_space<hbm>>
      %dma_start3A_115 = arith.constant 0 : i32
      %dma_start3A_116 = tpu.memref_slice %arg10[%add3A_98, %dma_start3A_115] : memref<256x32xf32, #tpu.memory_space<vmem>> -> memref<1x32xf32, #tpu.memory_space<vmem>>
      %dma_start3A_117 = arith.constant 0 : i32
      %dma_start3A_118 = tpu.memref_slice %arg5[%squeeze3A_110, %dma_start3A_117] : memref<100000x32xf32, #tpu.memory_space<hbm>> -> memref<1x32xf32, #tpu.memory_space<hbm>>
      tpu.enqueue_dma source(%dma_start3A_118 : memref<1x32xf32, #tpu.memory_space<hbm>>) target(%dma_start3A_116 : memref<1x32xf32, #tpu.memory_space<vmem>>) target_semaphore(%arg13 : memref<!tpu.dma_semaphore, #tpu.memory_space<semaphore_mem>>)
      %mul3A_119 = arith.constant 16 : i32
      %mul3A_120 = arith.muli %scan3A_38, %mul3A_119 : i32
      %add3A_121 = arith.constant 3 : i32
      %add3A_122 = arith.addi %mul3A_120, %add3A_121 : i32
      %slice3A_123 = vector.extract_strided_slice %get3A_43 {offsets = [3], sizes = [1], strides = [1]} : vector<16xi32> to vector<1xi32>
      %squeeze3A_124 = vector.extract %slice3A_123[0] : i32 from vector<1xi32>
      %dma_start3A_125 = arith.constant 0 : i32
      %dma_start3A_126 = tpu.memref_slice %arg9[%add3A_122, %dma_start3A_125] : memref<256x32xf32, #tpu.memory_space<vmem>> -> memref<1x32xf32, #tpu.memory_space<vmem>>
      %dma_start3A_127 = arith.constant 0 : i32
      %dma_start3A_128 = tpu.memref_slice %arg4[%squeeze3A_124, %dma_start3A_127] : memref<1000000x32xf32, #tpu.memory_space<hbm>> -> memref<1x32xf32, #tpu.memory_space<hbm>>
      %dma_start3A_129 = arith.constant 0 : i32
      %dma_start3A_130 = tpu.memref_slice %arg9[%add3A_122, %dma_start3A_129] : memref<256x32xf32, #tpu.memory_space<vmem>> -> memref<1x32xf32, #tpu.memory_space<vmem>>
      %dma_start3A_131 = arith.constant 0 : i32
      %dma_start3A_132 = tpu.memref_slice %arg4[%squeeze3A_124, %dma_start3A_131] : memref<1000000x32xf32, #tpu.memory_space<hbm>> -> memref<1x32xf32, #tpu.memory_space<hbm>>
      tpu.enqueue_dma source(%dma_start3A_132 : memref<1x32xf32, #tpu.memory_space<hbm>>) target(%dma_start3A_130 : memref<1x32xf32, #tpu.memory_space<vmem>>) target_semaphore(%arg12 : memref<!tpu.dma_semaphore, #tpu.memory_space<semaphore_mem>>)
      %slice3A_133 = vector.extract_strided_slice %get3A_49 {offsets = [3], sizes = [1], strides = [1]} : vector<16xi32> to vector<1xi32>
      %squeeze3A_134 = vector.extract %slice3A_133[0] : i32 from vector<1xi32>
      %dma_start3A_135 = arith.constant 0 : i32
      %dma_start3A_136 = tpu.memref_slice %arg10[%add3A_122, %dma_start3A_135] : memref<256x32xf32, #tpu.memory_space<vmem>> -> memref<1x32xf32, #tpu.memory_space<vmem>>
      %dma_start3A_137 = arith.constant 0 : i32
      %dma_start3A_138 = tpu.memref_slice %arg5[%squeeze3A_134, %dma_start3A_137] : memref<100000x32xf32, #tpu.memory_space<hbm>> -> memref<1x32xf32, #tpu.memory_space<hbm>>
      %dma_start3A_139 = arith.constant 0 : i32
      %dma_start3A_140 = tpu.memref_slice %arg10[%add3A_122, %dma_start3A_139] : memref<256x32xf32, #tpu.memory_space<vmem>> -> memref<1x32xf32, #tpu.memory_space<vmem>>
      %dma_start3A_141 = arith.constant 0 : i32
      %dma_start3A_142 = tpu.memref_slice %arg5[%squeeze3A_134, %dma_start3A_141] : memref<100000x32xf32, #tpu.memory_space<hbm>> -> memref<1x32xf32, #tpu.memory_space<hbm>>
      tpu.enqueue_dma source(%dma_start3A_142 : memref<1x32xf32, #tpu.memory_space<hbm>>) target(%dma_start3A_140 : memref<1x32xf32, #tpu.memory_space<vmem>>) target_semaphore(%arg13 : memref<!tpu.dma_semaphore, #tpu.memory_space<semaphore_mem>>)
      %mul3A_143 = arith.constant 16 : i32
      %mul3A_144 = arith.muli %scan3A_38, %mul3A_143 : i32
      %add3A_145 = arith.constant 4 : i32
      %add3A_146 = arith.addi %mul3A_144, %add3A_145 : i32
      %slice3A_147 = vector.extract_strided_slice %get3A_43 {offsets = [4], sizes = [1], strides = [1]} : vector<16xi32> to vector<1xi32>
      %squeeze3A_148 = vector.extract %slice3A_147[0] : i32 from vector<1xi32>
      %dma_start3A_149 = arith.constant 0 : i32
      %dma_start3A_150 = tpu.memref_slice %arg9[%add3A_146, %dma_start3A_149] : memref<256x32xf32, #tpu.memory_space<vmem>> -> memref<1x32xf32, #tpu.memory_space<vmem>>
      %dma_start3A_151 = arith.constant 0 : i32
      %dma_start3A_152 = tpu.memref_slice %arg4[%squeeze3A_148, %dma_start3A_151] : memref<1000000x32xf32, #tpu.memory_space<hbm>> -> memref<1x32xf32, #tpu.memory_space<hbm>>
      %dma_start3A_153 = arith.constant 0 : i32
      %dma_start3A_154 = tpu.memref_slice %arg9[%add3A_146, %dma_start3A_153] : memref<256x32xf32, #tpu.memory_space<vmem>> -> memref<1x32xf32, #tpu.memory_space<vmem>>
      %dma_start3A_155 = arith.constant 0 : i32
      %dma_start3A_156 = tpu.memref_slice %arg4[%squeeze3A_148, %dma_start3A_155] : memref<1000000x32xf32, #tpu.memory_space<hbm>> -> memref<1x32xf32, #tpu.memory_space<hbm>>
      tpu.enqueue_dma source(%dma_start3A_156 : memref<1x32xf32, #tpu.memory_space<hbm>>) target(%dma_start3A_154 : memref<1x32xf32, #tpu.memory_space<vmem>>) target_semaphore(%arg12 : memref<!tpu.dma_semaphore, #tpu.memory_space<semaphore_mem>>)
      %slice3A_157 = vector.extract_strided_slice %get3A_49 {offsets = [4], sizes = [1], strides = [1]} : vector<16xi32> to vector<1xi32>
      %squeeze3A_158 = vector.extract %slice3A_157[0] : i32 from vector<1xi32>
      %dma_start3A_159 = arith.constant 0 : i32
      %dma_start3A_160 = tpu.memref_slice %arg10[%add3A_146, %dma_start3A_159] : memref<256x32xf32, #tpu.memory_space<vmem>> -> memref<1x32xf32, #tpu.memory_space<vmem>>
      %dma_start3A_161 = arith.constant 0 : i32
      %dma_start3A_162 = tpu.memref_slice %arg5[%squeeze3A_158, %dma_start3A_161] : memref<100000x32xf32, #tpu.memory_space<hbm>> -> memref<1x32xf32, #tpu.memory_space<hbm>>
      %dma_start3A_163 = arith.constant 0 : i32
      %dma_start3A_164 = tpu.memref_slice %arg10[%add3A_146, %dma_start3A_163] : memref<256x32xf32, #tpu.memory_space<vmem>> -> memref<1x32xf32, #tpu.memory_space<vmem>>
      %dma_start3A_165 = arith.constant 0 : i32
      %dma_start3A_166 = tpu.memref_slice %arg5[%squeeze3A_158, %dma_start3A_165] : memref<100000x32xf32, #tpu.memory_space<hbm>> -> memref<1x32xf32, #tpu.memory_space<hbm>>
      tpu.enqueue_dma source(%dma_start3A_166 : memref<1x32xf32, #tpu.memory_space<hbm>>) target(%dma_start3A_164 : memref<1x32xf32, #tpu.memory_space<vmem>>) target_semaphore(%arg13 : memref<!tpu.dma_semaphore, #tpu.memory_space<semaphore_mem>>)
      %mul3A_167 = arith.constant 16 : i32
      %mul3A_168 = arith.muli %scan3A_38, %mul3A_167 : i32
      %add3A_169 = arith.constant 5 : i32
      %add3A_170 = arith.addi %mul3A_168, %add3A_169 : i32
      %slice3A_171 = vector.extract_strided_slice %get3A_43 {offsets = [5], sizes = [1], strides = [1]} : vector<16xi32> to vector<1xi32>
      %squeeze3A_172 = vector.extract %slice3A_171[0] : i32 from vector<1xi32>
      %dma_start3A_173 = arith.constant 0 : i32
      %dma_start3A_174 = tpu.memref_slice %arg9[%add3A_170, %dma_start3A_173] : memref<256x32xf32, #tpu.memory_space<vmem>> -> memref<1x32xf32, #tpu.memory_space<vmem>>
      %dma_start3A_175 = arith.constant 0 : i32
      %dma_start3A_176 = tpu.memref_slice %arg4[%squeeze3A_172, %dma_start3A_175] : memref<1000000x32xf32, #tpu.memory_space<hbm>> -> memref<1x32xf32, #tpu.memory_space<hbm>>
      %dma_start3A_177 = arith.constant 0 : i32
      %dma_start3A_178 = tpu.memref_slice %arg9[%add3A_170, %dma_start3A_177] : memref<256x32xf32, #tpu.memory_space<vmem>> -> memref<1x32xf32, #tpu.memory_space<vmem>>
      %dma_start3A_179 = arith.constant 0 : i32
      %dma_start3A_180 = tpu.memref_slice %arg4[%squeeze3A_172, %dma_start3A_179] : memref<1000000x32xf32, #tpu.memory_space<hbm>> -> memref<1x32xf32, #tpu.memory_space<hbm>>
      tpu.enqueue_dma source(%dma_start3A_180 : memref<1x32xf32, #tpu.memory_space<hbm>>) target(%dma_start3A_178 : memref<1x32xf32, #tpu.memory_space<vmem>>) target_semaphore(%arg12 : memref<!tpu.dma_semaphore, #tpu.memory_space<semaphore_mem>>)
      %slice3A_181 = vector.extract_strided_slice %get3A_49 {offsets = [5], sizes = [1], strides = [1]} : vector<16xi32> to vector<1xi32>
      %squeeze3A_182 = vector.extract %slice3A_181[0] : i32 from vector<1xi32>
      %dma_start3A_183 = arith.constant 0 : i32
      %dma_start3A_184 = tpu.memref_slice %arg10[%add3A_170, %dma_start3A_183] : memref<256x32xf32, #tpu.memory_space<vmem>> -> memref<1x32xf32, #tpu.memory_space<vmem>>
      %dma_start3A_185 = arith.constant 0 : i32
      %dma_start3A_186 = tpu.memref_slice %arg5[%squeeze3A_182, %dma_start3A_185] : memref<100000x32xf32, #tpu.memory_space<hbm>> -> memref<1x32xf32, #tpu.memory_space<hbm>>
      %dma_start3A_187 = arith.constant 0 : i32
      %dma_start3A_188 = tpu.memref_slice %arg10[%add3A_170, %dma_start3A_187] : memref<256x32xf32, #tpu.memory_space<vmem>> -> memref<1x32xf32, #tpu.memory_space<vmem>>
      %dma_start3A_189 = arith.constant 0 : i32
      %dma_start3A_190 = tpu.memref_slice %arg5[%squeeze3A_182, %dma_start3A_189] : memref<100000x32xf32, #tpu.memory_space<hbm>> -> memref<1x32xf32, #tpu.memory_space<hbm>>
      tpu.enqueue_dma source(%dma_start3A_190 : memref<1x32xf32, #tpu.memory_space<hbm>>) target(%dma_start3A_188 : memref<1x32xf32, #tpu.memory_space<vmem>>) target_semaphore(%arg13 : memref<!tpu.dma_semaphore, #tpu.memory_space<semaphore_mem>>)
      %mul3A_191 = arith.constant 16 : i32
      %mul3A_192 = arith.muli %scan3A_38, %mul3A_191 : i32
      %add3A_193 = arith.constant 6 : i32
      %add3A_194 = arith.addi %mul3A_192, %add3A_193 : i32
      %slice3A_195 = vector.extract_strided_slice %get3A_43 {offsets = [6], sizes = [1], strides = [1]} : vector<16xi32> to vector<1xi32>
      %squeeze3A_196 = vector.extract %slice3A_195[0] : i32 from vector<1xi32>
      %dma_start3A_197 = arith.constant 0 : i32
      %dma_start3A_198 = tpu.memref_slice %arg9[%add3A_194, %dma_start3A_197] : memref<256x32xf32, #tpu.memory_space<vmem>> -> memref<1x32xf32, #tpu.memory_space<vmem>>
      %dma_start3A_199 = arith.constant 0 : i32
      %dma_start3A_200 = tpu.memref_slice %arg4[%squeeze3A_196, %dma_start3A_199] : memref<1000000x32xf32, #tpu.memory_space<hbm>> -> memref<1x32xf32, #tpu.memory_space<hbm>>
      %dma_start3A_201 = arith.constant 0 : i32
      %dma_start3A_202 = tpu.memref_slice %arg9[%add3A_194, %dma_start3A_201] : memref<256x32xf32, #tpu.memory_space<vmem>> -> memref<1x32xf32, #tpu.memory_space<vmem>>
      %dma_start3A_203 = arith.constant 0 : i32
      %dma_start3A_204 = tpu.memref_slice %arg4[%squeeze3A_196, %dma_start3A_203] : memref<1000000x32xf32, #tpu.memory_space<hbm>> -> memref<1x32xf32, #tpu.memory_space<hbm>>
      tpu.enqueue_dma source(%dma_start3A_204 : memref<1x32xf32, #tpu.memory_space<hbm>>) target(%dma_start3A_202 : memref<1x32xf32, #tpu.memory_space<vmem>>) target_semaphore(%arg12 : memref<!tpu.dma_semaphore, #tpu.memory_space<semaphore_mem>>)
      %slice3A_205 = vector.extract_strided_slice %get3A_49 {offsets = [6], sizes = [1], strides = [1]} : vector<16xi32> to vector<1xi32>
      %squeeze3A_206 = vector.extract %slice3A_205[0] : i32 from vector<1xi32>
      %dma_start3A_207 = arith.constant 0 : i32
      %dma_start3A_208 = tpu.memref_slice %arg10[%add3A_194, %dma_start3A_207] : memref<256x32xf32, #tpu.memory_space<vmem>> -> memref<1x32xf32, #tpu.memory_space<vmem>>
      %dma_start3A_209 = arith.constant 0 : i32
      %dma_start3A_210 = tpu.memref_slice %arg5[%squeeze3A_206, %dma_start3A_209] : memref<100000x32xf32, #tpu.memory_space<hbm>> -> memref<1x32xf32, #tpu.memory_space<hbm>>
      %dma_start3A_211 = arith.constant 0 : i32
      %dma_start3A_212 = tpu.memref_slice %arg10[%add3A_194, %dma_start3A_211] : memref<256x32xf32, #tpu.memory_space<vmem>> -> memref<1x32xf32, #tpu.memory_space<vmem>>
      %dma_start3A_213 = arith.constant 0 : i32
      %dma_start3A_214 = tpu.memref_slice %arg5[%squeeze3A_206, %dma_start3A_213] : memref<100000x32xf32, #tpu.memory_space<hbm>> -> memref<1x32xf32, #tpu.memory_space<hbm>>
      tpu.enqueue_dma source(%dma_start3A_214 : memref<1x32xf32, #tpu.memory_space<hbm>>) target(%dma_start3A_212 : memref<1x32xf32, #tpu.memory_space<vmem>>) target_semaphore(%arg13 : memref<!tpu.dma_semaphore, #tpu.memory_space<semaphore_mem>>)
      %mul3A_215 = arith.constant 16 : i32
      %mul3A_216 = arith.muli %scan3A_38, %mul3A_215 : i32
      %add3A_217 = arith.constant 7 : i32
      %add3A_218 = arith.addi %mul3A_216, %add3A_217 : i32
      %slice3A_219 = vector.extract_strided_slice %get3A_43 {offsets = [7], sizes = [1], strides = [1]} : vector<16xi32> to vector<1xi32>
      %squeeze3A_220 = vector.extract %slice3A_219[0] : i32 from vector<1xi32>
      %dma_start3A_221 = arith.constant 0 : i32
      %dma_start3A_222 = tpu.memref_slice %arg9[%add3A_218, %dma_start3A_221] : memref<256x32xf32, #tpu.memory_space<vmem>> -> memref<1x32xf32, #tpu.memory_space<vmem>>
      %dma_start3A_223 = arith.constant 0 : i32
      %dma_start3A_224 = tpu.memref_slice %arg4[%squeeze3A_220, %dma_start3A_223] : memref<1000000x32xf32, #tpu.memory_space<hbm>> -> memref<1x32xf32, #tpu.memory_space<hbm>>
      %dma_start3A_225 = arith.constant 0 : i32
      %dma_start3A_226 = tpu.memref_slice %arg9[%add3A_218, %dma_start3A_225] : memref<256x32xf32, #tpu.memory_space<vmem>> -> memref<1x32xf32, #tpu.memory_space<vmem>>
      %dma_start3A_227 = arith.constant 0 : i32
      %dma_start3A_228 = tpu.memref_slice %arg4[%squeeze3A_220, %dma_start3A_227] : memref<1000000x32xf32, #tpu.memory_space<hbm>> -> memref<1x32xf32, #tpu.memory_space<hbm>>
      tpu.enqueue_dma source(%dma_start3A_228 : memref<1x32xf32, #tpu.memory_space<hbm>>) target(%dma_start3A_226 : memref<1x32xf32, #tpu.memory_space<vmem>>) target_semaphore(%arg12 : memref<!tpu.dma_semaphore, #tpu.memory_space<semaphore_mem>>)
      %slice3A_229 = vector.extract_strided_slice %get3A_49 {offsets = [7], sizes = [1], strides = [1]} : vector<16xi32> to vector<1xi32>
      %squeeze3A_230 = vector.extract %slice3A_229[0] : i32 from vector<1xi32>
      %dma_start3A_231 = arith.constant 0 : i32
      %dma_start3A_232 = tpu.memref_slice %arg10[%add3A_218, %dma_start3A_231] : memref<256x32xf32, #tpu.memory_space<vmem>> -> memref<1x32xf32, #tpu.memory_space<vmem>>
      %dma_start3A_233 = arith.constant 0 : i32
      %dma_start3A_234 = tpu.memref_slice %arg5[%squeeze3A_230, %dma_start3A_233] : memref<100000x32xf32, #tpu.memory_space<hbm>> -> memref<1x32xf32, #tpu.memory_space<hbm>>
      %dma_start3A_235 = arith.constant 0 : i32
      %dma_start3A_236 = tpu.memref_slice %arg10[%add3A_218, %dma_start3A_235] : memref<256x32xf32, #tpu.memory_space<vmem>> -> memref<1x32xf32, #tpu.memory_space<vmem>>
      %dma_start3A_237 = arith.constant 0 : i32
      %dma_start3A_238 = tpu.memref_slice %arg5[%squeeze3A_230, %dma_start3A_237] : memref<100000x32xf32, #tpu.memory_space<hbm>> -> memref<1x32xf32, #tpu.memory_space<hbm>>
      tpu.enqueue_dma source(%dma_start3A_238 : memref<1x32xf32, #tpu.memory_space<hbm>>) target(%dma_start3A_236 : memref<1x32xf32, #tpu.memory_space<vmem>>) target_semaphore(%arg13 : memref<!tpu.dma_semaphore, #tpu.memory_space<semaphore_mem>>)
      %mul3A_239 = arith.constant 16 : i32
      %mul3A_240 = arith.muli %scan3A_38, %mul3A_239 : i32
      %add3A_241 = arith.constant 8 : i32
      %add3A_242 = arith.addi %mul3A_240, %add3A_241 : i32
      %slice3A_243 = vector.extract_strided_slice %get3A_43 {offsets = [8], sizes = [1], strides = [1]} : vector<16xi32> to vector<1xi32>
      %squeeze3A_244 = vector.extract %slice3A_243[0] : i32 from vector<1xi32>
      %dma_start3A_245 = arith.constant 0 : i32
      %dma_start3A_246 = tpu.memref_slice %arg9[%add3A_242, %dma_start3A_245] : memref<256x32xf32, #tpu.memory_space<vmem>> -> memref<1x32xf32, #tpu.memory_space<vmem>>
      %dma_start3A_247 = arith.constant 0 : i32
      %dma_start3A_248 = tpu.memref_slice %arg4[%squeeze3A_244, %dma_start3A_247] : memref<1000000x32xf32, #tpu.memory_space<hbm>> -> memref<1x32xf32, #tpu.memory_space<hbm>>
      %dma_start3A_249 = arith.constant 0 : i32
      %dma_start3A_250 = tpu.memref_slice %arg9[%add3A_242, %dma_start3A_249] : memref<256x32xf32, #tpu.memory_space<vmem>> -> memref<1x32xf32, #tpu.memory_space<vmem>>
      %dma_start3A_251 = arith.constant 0 : i32
      %dma_start3A_252 = tpu.memref_slice %arg4[%squeeze3A_244, %dma_start3A_251] : memref<1000000x32xf32, #tpu.memory_space<hbm>> -> memref<1x32xf32, #tpu.memory_space<hbm>>
      tpu.enqueue_dma source(%dma_start3A_252 : memref<1x32xf32, #tpu.memory_space<hbm>>) target(%dma_start3A_250 : memref<1x32xf32, #tpu.memory_space<vmem>>) target_semaphore(%arg12 : memref<!tpu.dma_semaphore, #tpu.memory_space<semaphore_mem>>)
      %slice3A_253 = vector.extract_strided_slice %get3A_49 {offsets = [8], sizes = [1], strides = [1]} : vector<16xi32> to vector<1xi32>
      %squeeze3A_254 = vector.extract %slice3A_253[0] : i32 from vector<1xi32>
      %dma_start3A_255 = arith.constant 0 : i32
      %dma_start3A_256 = tpu.memref_slice %arg10[%add3A_242, %dma_start3A_255] : memref<256x32xf32, #tpu.memory_space<vmem>> -> memref<1x32xf32, #tpu.memory_space<vmem>>
      %dma_start3A_257 = arith.constant 0 : i32
      %dma_start3A_258 = tpu.memref_slice %arg5[%squeeze3A_254, %dma_start3A_257] : memref<100000x32xf32, #tpu.memory_space<hbm>> -> memref<1x32xf32, #tpu.memory_space<hbm>>
      %dma_start3A_259 = arith.constant 0 : i32
      %dma_start3A_260 = tpu.memref_slice %arg10[%add3A_242, %dma_start3A_259] : memref<256x32xf32, #tpu.memory_space<vmem>> -> memref<1x32xf32, #tpu.memory_space<vmem>>
      %dma_start3A_261 = arith.constant 0 : i32
      %dma_start3A_262 = tpu.memref_slice %arg5[%squeeze3A_254, %dma_start3A_261] : memref<100000x32xf32, #tpu.memory_space<hbm>> -> memref<1x32xf32, #tpu.memory_space<hbm>>
      tpu.enqueue_dma source(%dma_start3A_262 : memref<1x32xf32, #tpu.memory_space<hbm>>) target(%dma_start3A_260 : memref<1x32xf32, #tpu.memory_space<vmem>>) target_semaphore(%arg13 : memref<!tpu.dma_semaphore, #tpu.memory_space<semaphore_mem>>)
      %mul3A_263 = arith.constant 16 : i32
      %mul3A_264 = arith.muli %scan3A_38, %mul3A_263 : i32
      %add3A_265 = arith.constant 9 : i32
      %add3A_266 = arith.addi %mul3A_264, %add3A_265 : i32
      %slice3A_267 = vector.extract_strided_slice %get3A_43 {offsets = [9], sizes = [1], strides = [1]} : vector<16xi32> to vector<1xi32>
      %squeeze3A_268 = vector.extract %slice3A_267[0] : i32 from vector<1xi32>
      %dma_start3A_269 = arith.constant 0 : i32
      %dma_start3A_270 = tpu.memref_slice %arg9[%add3A_266, %dma_start3A_269] : memref<256x32xf32, #tpu.memory_space<vmem>> -> memref<1x32xf32, #tpu.memory_space<vmem>>
      %dma_start3A_271 = arith.constant 0 : i32
      %dma_start3A_272 = tpu.memref_slice %arg4[%squeeze3A_268, %dma_start3A_271] : memref<1000000x32xf32, #tpu.memory_space<hbm>> -> memref<1x32xf32, #tpu.memory_space<hbm>>
      %dma_start3A_273 = arith.constant 0 : i32
      %dma_start3A_274 = tpu.memref_slice %arg9[%add3A_266, %dma_start3A_273] : memref<256x32xf32, #tpu.memory_space<vmem>> -> memref<1x32xf32, #tpu.memory_space<vmem>>
      %dma_start3A_275 = arith.constant 0 : i32
      %dma_start3A_276 = tpu.memref_slice %arg4[%squeeze3A_268, %dma_start3A_275] : memref<1000000x32xf32, #tpu.memory_space<hbm>> -> memref<1x32xf32, #tpu.memory_space<hbm>>
      tpu.enqueue_dma source(%dma_start3A_276 : memref<1x32xf32, #tpu.memory_space<hbm>>) target(%dma_start3A_274 : memref<1x32xf32, #tpu.memory_space<vmem>>) target_semaphore(%arg12 : memref<!tpu.dma_semaphore, #tpu.memory_space<semaphore_mem>>)
      %slice3A_277 = vector.extract_strided_slice %get3A_49 {offsets = [9], sizes = [1], strides = [1]} : vector<16xi32> to vector<1xi32>
      %squeeze3A_278 = vector.extract %slice3A_277[0] : i32 from vector<1xi32>
      %dma_start3A_279 = arith.constant 0 : i32
      %dma_start3A_280 = tpu.memref_slice %arg10[%add3A_266, %dma_start3A_279] : memref<256x32xf32, #tpu.memory_space<vmem>> -> memref<1x32xf32, #tpu.memory_space<vmem>>
      %dma_start3A_281 = arith.constant 0 : i32
      %dma_start3A_282 = tpu.memref_slice %arg5[%squeeze3A_278, %dma_start3A_281] : memref<100000x32xf32, #tpu.memory_space<hbm>> -> memref<1x32xf32, #tpu.memory_space<hbm>>
      %dma_start3A_283 = arith.constant 0 : i32
      %dma_start3A_284 = tpu.memref_slice %arg10[%add3A_266, %dma_start3A_283] : memref<256x32xf32, #tpu.memory_space<vmem>> -> memref<1x32xf32, #tpu.memory_space<vmem>>
      %dma_start3A_285 = arith.constant 0 : i32
      %dma_start3A_286 = tpu.memref_slice %arg5[%squeeze3A_278, %dma_start3A_285] : memref<100000x32xf32, #tpu.memory_space<hbm>> -> memref<1x32xf32, #tpu.memory_space<hbm>>
      tpu.enqueue_dma source(%dma_start3A_286 : memref<1x32xf32, #tpu.memory_space<hbm>>) target(%dma_start3A_284 : memref<1x32xf32, #tpu.memory_space<vmem>>) target_semaphore(%arg13 : memref<!tpu.dma_semaphore, #tpu.memory_space<semaphore_mem>>)
      %mul3A_287 = arith.constant 16 : i32
      %mul3A_288 = arith.muli %scan3A_38, %mul3A_287 : i32
      %add3A_289 = arith.constant 10 : i32
      %add3A_290 = arith.addi %mul3A_288, %add3A_289 : i32
      %slice3A_291 = vector.extract_strided_slice %get3A_43 {offsets = [10], sizes = [1], strides = [1]} : vector<16xi32> to vector<1xi32>
      %squeeze3A_292 = vector.extract %slice3A_291[0] : i32 from vector<1xi32>
      %dma_start3A_293 = arith.constant 0 : i32
      %dma_start3A_294 = tpu.memref_slice %arg9[%add3A_290, %dma_start3A_293] : memref<256x32xf32, #tpu.memory_space<vmem>> -> memref<1x32xf32, #tpu.memory_space<vmem>>
      %dma_start3A_295 = arith.constant 0 : i32
      %dma_start3A_296 = tpu.memref_slice %arg4[%squeeze3A_292, %dma_start3A_295] : memref<1000000x32xf32, #tpu.memory_space<hbm>> -> memref<1x32xf32, #tpu.memory_space<hbm>>
      %dma_start3A_297 = arith.constant 0 : i32
      %dma_start3A_298 = tpu.memref_slice %arg9[%add3A_290, %dma_start3A_297] : memref<256x32xf32, #tpu.memory_space<vmem>> -> memref<1x32xf32, #tpu.memory_space<vmem>>
      %dma_start3A_299 = arith.constant 0 : i32
      %dma_start3A_300 = tpu.memref_slice %arg4[%squeeze3A_292, %dma_start3A_299] : memref<1000000x32xf32, #tpu.memory_space<hbm>> -> memref<1x32xf32, #tpu.memory_space<hbm>>
      tpu.enqueue_dma source(%dma_start3A_300 : memref<1x32xf32, #tpu.memory_space<hbm>>) target(%dma_start3A_298 : memref<1x32xf32, #tpu.memory_space<vmem>>) target_semaphore(%arg12 : memref<!tpu.dma_semaphore, #tpu.memory_space<semaphore_mem>>)
      %slice3A_301 = vector.extract_strided_slice %get3A_49 {offsets = [10], sizes = [1], strides = [1]} : vector<16xi32> to vector<1xi32>
      %squeeze3A_302 = vector.extract %slice3A_301[0] : i32 from vector<1xi32>
      %dma_start3A_303 = arith.constant 0 : i32
      %dma_start3A_304 = tpu.memref_slice %arg10[%add3A_290, %dma_start3A_303] : memref<256x32xf32, #tpu.memory_space<vmem>> -> memref<1x32xf32, #tpu.memory_space<vmem>>
      %dma_start3A_305 = arith.constant 0 : i32
      %dma_start3A_306 = tpu.memref_slice %arg5[%squeeze3A_302, %dma_start3A_305] : memref<100000x32xf32, #tpu.memory_space<hbm>> -> memref<1x32xf32, #tpu.memory_space<hbm>>
      %dma_start3A_307 = arith.constant 0 : i32
      %dma_start3A_308 = tpu.memref_slice %arg10[%add3A_290, %dma_start3A_307] : memref<256x32xf32, #tpu.memory_space<vmem>> -> memref<1x32xf32, #tpu.memory_space<vmem>>
      %dma_start3A_309 = arith.constant 0 : i32
      %dma_start3A_310 = tpu.memref_slice %arg5[%squeeze3A_302, %dma_start3A_309] : memref<100000x32xf32, #tpu.memory_space<hbm>> -> memref<1x32xf32, #tpu.memory_space<hbm>>
      tpu.enqueue_dma source(%dma_start3A_310 : memref<1x32xf32, #tpu.memory_space<hbm>>) target(%dma_start3A_308 : memref<1x32xf32, #tpu.memory_space<vmem>>) target_semaphore(%arg13 : memref<!tpu.dma_semaphore, #tpu.memory_space<semaphore_mem>>)
      %mul3A_311 = arith.constant 16 : i32
      %mul3A_312 = arith.muli %scan3A_38, %mul3A_311 : i32
      %add3A_313 = arith.constant 11 : i32
      %add3A_314 = arith.addi %mul3A_312, %add3A_313 : i32
      %slice3A_315 = vector.extract_strided_slice %get3A_43 {offsets = [11], sizes = [1], strides = [1]} : vector<16xi32> to vector<1xi32>
      %squeeze3A_316 = vector.extract %slice3A_315[0] : i32 from vector<1xi32>
      %dma_start3A_317 = arith.constant 0 : i32
      %dma_start3A_318 = tpu.memref_slice %arg9[%add3A_314, %dma_start3A_317] : memref<256x32xf32, #tpu.memory_space<vmem>> -> memref<1x32xf32, #tpu.memory_space<vmem>>
      %dma_start3A_319 = arith.constant 0 : i32
      %dma_start3A_320 = tpu.memref_slice %arg4[%squeeze3A_316, %dma_start3A_319] : memref<1000000x32xf32, #tpu.memory_space<hbm>> -> memref<1x32xf32, #tpu.memory_space<hbm>>
      %dma_start3A_321 = arith.constant 0 : i32
      %dma_start3A_322 = tpu.memref_slice %arg9[%add3A_314, %dma_start3A_321] : memref<256x32xf32, #tpu.memory_space<vmem>> -> memref<1x32xf32, #tpu.memory_space<vmem>>
      %dma_start3A_323 = arith.constant 0 : i32
      %dma_start3A_324 = tpu.memref_slice %arg4[%squeeze3A_316, %dma_start3A_323] : memref<1000000x32xf32, #tpu.memory_space<hbm>> -> memref<1x32xf32, #tpu.memory_space<hbm>>
      tpu.enqueue_dma source(%dma_start3A_324 : memref<1x32xf32, #tpu.memory_space<hbm>>) target(%dma_start3A_322 : memref<1x32xf32, #tpu.memory_space<vmem>>) target_semaphore(%arg12 : memref<!tpu.dma_semaphore, #tpu.memory_space<semaphore_mem>>)
      %slice3A_325 = vector.extract_strided_slice %get3A_49 {offsets = [11], sizes = [1], strides = [1]} : vector<16xi32> to vector<1xi32>
      %squeeze3A_326 = vector.extract %slice3A_325[0] : i32 from vector<1xi32>
      %dma_start3A_327 = arith.constant 0 : i32
      %dma_start3A_328 = tpu.memref_slice %arg10[%add3A_314, %dma_start3A_327] : memref<256x32xf32, #tpu.memory_space<vmem>> -> memref<1x32xf32, #tpu.memory_space<vmem>>
      %dma_start3A_329 = arith.constant 0 : i32
      %dma_start3A_330 = tpu.memref_slice %arg5[%squeeze3A_326, %dma_start3A_329] : memref<100000x32xf32, #tpu.memory_space<hbm>> -> memref<1x32xf32, #tpu.memory_space<hbm>>
      %dma_start3A_331 = arith.constant 0 : i32
      %dma_start3A_332 = tpu.memref_slice %arg10[%add3A_314, %dma_start3A_331] : memref<256x32xf32, #tpu.memory_space<vmem>> -> memref<1x32xf32, #tpu.memory_space<vmem>>
      %dma_start3A_333 = arith.constant 0 : i32
      %dma_start3A_334 = tpu.memref_slice %arg5[%squeeze3A_326, %dma_start3A_333] : memref<100000x32xf32, #tpu.memory_space<hbm>> -> memref<1x32xf32, #tpu.memory_space<hbm>>
      tpu.enqueue_dma source(%dma_start3A_334 : memref<1x32xf32, #tpu.memory_space<hbm>>) target(%dma_start3A_332 : memref<1x32xf32, #tpu.memory_space<vmem>>) target_semaphore(%arg13 : memref<!tpu.dma_semaphore, #tpu.memory_space<semaphore_mem>>)
      %mul3A_335 = arith.constant 16 : i32
      %mul3A_336 = arith.muli %scan3A_38, %mul3A_335 : i32
      %add3A_337 = arith.constant 12 : i32
      %add3A_338 = arith.addi %mul3A_336, %add3A_337 : i32
      %slice3A_339 = vector.extract_strided_slice %get3A_43 {offsets = [12], sizes = [1], strides = [1]} : vector<16xi32> to vector<1xi32>
      %squeeze3A_340 = vector.extract %slice3A_339[0] : i32 from vector<1xi32>
      %dma_start3A_341 = arith.constant 0 : i32
      %dma_start3A_342 = tpu.memref_slice %arg9[%add3A_338, %dma_start3A_341] : memref<256x32xf32, #tpu.memory_space<vmem>> -> memref<1x32xf32, #tpu.memory_space<vmem>>
      %dma_start3A_343 = arith.constant 0 : i32
      %dma_start3A_344 = tpu.memref_slice %arg4[%squeeze3A_340, %dma_start3A_343] : memref<1000000x32xf32, #tpu.memory_space<hbm>> -> memref<1x32xf32, #tpu.memory_space<hbm>>
      %dma_start3A_345 = arith.constant 0 : i32
      %dma_start3A_346 = tpu.memref_slice %arg9[%add3A_338, %dma_start3A_345] : memref<256x32xf32, #tpu.memory_space<vmem>> -> memref<1x32xf32, #tpu.memory_space<vmem>>
      %dma_start3A_347 = arith.constant 0 : i32
      %dma_start3A_348 = tpu.memref_slice %arg4[%squeeze3A_340, %dma_start3A_347] : memref<1000000x32xf32, #tpu.memory_space<hbm>> -> memref<1x32xf32, #tpu.memory_space<hbm>>
      tpu.enqueue_dma source(%dma_start3A_348 : memref<1x32xf32, #tpu.memory_space<hbm>>) target(%dma_start3A_346 : memref<1x32xf32, #tpu.memory_space<vmem>>) target_semaphore(%arg12 : memref<!tpu.dma_semaphore, #tpu.memory_space<semaphore_mem>>)
      %slice3A_349 = vector.extract_strided_slice %get3A_49 {offsets = [12], sizes = [1], strides = [1]} : vector<16xi32> to vector<1xi32>
      %squeeze3A_350 = vector.extract %slice3A_349[0] : i32 from vector<1xi32>
      %dma_start3A_351 = arith.constant 0 : i32
      %dma_start3A_352 = tpu.memref_slice %arg10[%add3A_338, %dma_start3A_351] : memref<256x32xf32, #tpu.memory_space<vmem>> -> memref<1x32xf32, #tpu.memory_space<vmem>>
      %dma_start3A_353 = arith.constant 0 : i32
      %dma_start3A_354 = tpu.memref_slice %arg5[%squeeze3A_350, %dma_start3A_353] : memref<100000x32xf32, #tpu.memory_space<hbm>> -> memref<1x32xf32, #tpu.memory_space<hbm>>
      %dma_start3A_355 = arith.constant 0 : i32
      %dma_start3A_356 = tpu.memref_slice %arg10[%add3A_338, %dma_start3A_355] : memref<256x32xf32, #tpu.memory_space<vmem>> -> memref<1x32xf32, #tpu.memory_space<vmem>>
      %dma_start3A_357 = arith.constant 0 : i32
      %dma_start3A_358 = tpu.memref_slice %arg5[%squeeze3A_350, %dma_start3A_357] : memref<100000x32xf32, #tpu.memory_space<hbm>> -> memref<1x32xf32, #tpu.memory_space<hbm>>
      tpu.enqueue_dma source(%dma_start3A_358 : memref<1x32xf32, #tpu.memory_space<hbm>>) target(%dma_start3A_356 : memref<1x32xf32, #tpu.memory_space<vmem>>) target_semaphore(%arg13 : memref<!tpu.dma_semaphore, #tpu.memory_space<semaphore_mem>>)
      %mul3A_359 = arith.constant 16 : i32
      %mul3A_360 = arith.muli %scan3A_38, %mul3A_359 : i32
      %add3A_361 = arith.constant 13 : i32
      %add3A_362 = arith.addi %mul3A_360, %add3A_361 : i32
      %slice3A_363 = vector.extract_strided_slice %get3A_43 {offsets = [13], sizes = [1], strides = [1]} : vector<16xi32> to vector<1xi32>
      %squeeze3A_364 = vector.extract %slice3A_363[0] : i32 from vector<1xi32>
      %dma_start3A_365 = arith.constant 0 : i32
      %dma_start3A_366 = tpu.memref_slice %arg9[%add3A_362, %dma_start3A_365] : memref<256x32xf32, #tpu.memory_space<vmem>> -> memref<1x32xf32, #tpu.memory_space<vmem>>
      %dma_start3A_367 = arith.constant 0 : i32
      %dma_start3A_368 = tpu.memref_slice %arg4[%squeeze3A_364, %dma_start3A_367] : memref<1000000x32xf32, #tpu.memory_space<hbm>> -> memref<1x32xf32, #tpu.memory_space<hbm>>
      %dma_start3A_369 = arith.constant 0 : i32
      %dma_start3A_370 = tpu.memref_slice %arg9[%add3A_362, %dma_start3A_369] : memref<256x32xf32, #tpu.memory_space<vmem>> -> memref<1x32xf32, #tpu.memory_space<vmem>>
      %dma_start3A_371 = arith.constant 0 : i32
      %dma_start3A_372 = tpu.memref_slice %arg4[%squeeze3A_364, %dma_start3A_371] : memref<1000000x32xf32, #tpu.memory_space<hbm>> -> memref<1x32xf32, #tpu.memory_space<hbm>>
      tpu.enqueue_dma source(%dma_start3A_372 : memref<1x32xf32, #tpu.memory_space<hbm>>) target(%dma_start3A_370 : memref<1x32xf32, #tpu.memory_space<vmem>>) target_semaphore(%arg12 : memref<!tpu.dma_semaphore, #tpu.memory_space<semaphore_mem>>)
      %slice3A_373 = vector.extract_strided_slice %get3A_49 {offsets = [13], sizes = [1], strides = [1]} : vector<16xi32> to vector<1xi32>
      %squeeze3A_374 = vector.extract %slice3A_373[0] : i32 from vector<1xi32>
      %dma_start3A_375 = arith.constant 0 : i32
      %dma_start3A_376 = tpu.memref_slice %arg10[%add3A_362, %dma_start3A_375] : memref<256x32xf32, #tpu.memory_space<vmem>> -> memref<1x32xf32, #tpu.memory_space<vmem>>
      %dma_start3A_377 = arith.constant 0 : i32
      %dma_start3A_378 = tpu.memref_slice %arg5[%squeeze3A_374, %dma_start3A_377] : memref<100000x32xf32, #tpu.memory_space<hbm>> -> memref<1x32xf32, #tpu.memory_space<hbm>>
      %dma_start3A_379 = arith.constant 0 : i32
      %dma_start3A_380 = tpu.memref_slice %arg10[%add3A_362, %dma_start3A_379] : memref<256x32xf32, #tpu.memory_space<vmem>> -> memref<1x32xf32, #tpu.memory_space<vmem>>
      %dma_start3A_381 = arith.constant 0 : i32
      %dma_start3A_382 = tpu.memref_slice %arg5[%squeeze3A_374, %dma_start3A_381] : memref<100000x32xf32, #tpu.memory_space<hbm>> -> memref<1x32xf32, #tpu.memory_space<hbm>>
      tpu.enqueue_dma source(%dma_start3A_382 : memref<1x32xf32, #tpu.memory_space<hbm>>) target(%dma_start3A_380 : memref<1x32xf32, #tpu.memory_space<vmem>>) target_semaphore(%arg13 : memref<!tpu.dma_semaphore, #tpu.memory_space<semaphore_mem>>)
      %mul3A_383 = arith.constant 16 : i32
      %mul3A_384 = arith.muli %scan3A_38, %mul3A_383 : i32
      %add3A_385 = arith.constant 14 : i32
      %add3A_386 = arith.addi %mul3A_384, %add3A_385 : i32
      %slice3A_387 = vector.extract_strided_slice %get3A_43 {offsets = [14], sizes = [1], strides = [1]} : vector<16xi32> to vector<1xi32>
      %squeeze3A_388 = vector.extract %slice3A_387[0] : i32 from vector<1xi32>
      %dma_start3A_389 = arith.constant 0 : i32
      %dma_start3A_390 = tpu.memref_slice %arg9[%add3A_386, %dma_start3A_389] : memref<256x32xf32, #tpu.memory_space<vmem>> -> memref<1x32xf32, #tpu.memory_space<vmem>>
      %dma_start3A_391 = arith.constant 0 : i32
      %dma_start3A_392 = tpu.memref_slice %arg4[%squeeze3A_388, %dma_start3A_391] : memref<1000000x32xf32, #tpu.memory_space<hbm>> -> memref<1x32xf32, #tpu.memory_space<hbm>>
      %dma_start3A_393 = arith.constant 0 : i32
      %dma_start3A_394 = tpu.memref_slice %arg9[%add3A_386, %dma_start3A_393] : memref<256x32xf32, #tpu.memory_space<vmem>> -> memref<1x32xf32, #tpu.memory_space<vmem>>
      %dma_start3A_395 = arith.constant 0 : i32
      %dma_start3A_396 = tpu.memref_slice %arg4[%squeeze3A_388, %dma_start3A_395] : memref<1000000x32xf32, #tpu.memory_space<hbm>> -> memref<1x32xf32, #tpu.memory_space<hbm>>
      tpu.enqueue_dma source(%dma_start3A_396 : memref<1x32xf32, #tpu.memory_space<hbm>>) target(%dma_start3A_394 : memref<1x32xf32, #tpu.memory_space<vmem>>) target_semaphore(%arg12 : memref<!tpu.dma_semaphore, #tpu.memory_space<semaphore_mem>>)
      %slice3A_397 = vector.extract_strided_slice %get3A_49 {offsets = [14], sizes = [1], strides = [1]} : vector<16xi32> to vector<1xi32>
      %squeeze3A_398 = vector.extract %slice3A_397[0] : i32 from vector<1xi32>
      %dma_start3A_399 = arith.constant 0 : i32
      %dma_start3A_400 = tpu.memref_slice %arg10[%add3A_386, %dma_start3A_399] : memref<256x32xf32, #tpu.memory_space<vmem>> -> memref<1x32xf32, #tpu.memory_space<vmem>>
      %dma_start3A_401 = arith.constant 0 : i32
      %dma_start3A_402 = tpu.memref_slice %arg5[%squeeze3A_398, %dma_start3A_401] : memref<100000x32xf32, #tpu.memory_space<hbm>> -> memref<1x32xf32, #tpu.memory_space<hbm>>
      %dma_start3A_403 = arith.constant 0 : i32
      %dma_start3A_404 = tpu.memref_slice %arg10[%add3A_386, %dma_start3A_403] : memref<256x32xf32, #tpu.memory_space<vmem>> -> memref<1x32xf32, #tpu.memory_space<vmem>>
      %dma_start3A_405 = arith.constant 0 : i32
      %dma_start3A_406 = tpu.memref_slice %arg5[%squeeze3A_398, %dma_start3A_405] : memref<100000x32xf32, #tpu.memory_space<hbm>> -> memref<1x32xf32, #tpu.memory_space<hbm>>
      tpu.enqueue_dma source(%dma_start3A_406 : memref<1x32xf32, #tpu.memory_space<hbm>>) target(%dma_start3A_404 : memref<1x32xf32, #tpu.memory_space<vmem>>) target_semaphore(%arg13 : memref<!tpu.dma_semaphore, #tpu.memory_space<semaphore_mem>>)
      %mul3A_407 = arith.constant 16 : i32
      %mul3A_408 = arith.muli %scan3A_38, %mul3A_407 : i32
      %add3A_409 = arith.constant 15 : i32
      %add3A_410 = arith.addi %mul3A_408, %add3A_409 : i32
      %slice3A_411 = vector.extract_strided_slice %get3A_43 {offsets = [15], sizes = [1], strides = [1]} : vector<16xi32> to vector<1xi32>
      %squeeze3A_412 = vector.extract %slice3A_411[0] : i32 from vector<1xi32>
      %dma_start3A_413 = arith.constant 0 : i32
      %dma_start3A_414 = tpu.memref_slice %arg9[%add3A_410, %dma_start3A_413] : memref<256x32xf32, #tpu.memory_space<vmem>> -> memref<1x32xf32, #tpu.memory_space<vmem>>
      %dma_start3A_415 = arith.constant 0 : i32
      %dma_start3A_416 = tpu.memref_slice %arg4[%squeeze3A_412, %dma_start3A_415] : memref<1000000x32xf32, #tpu.memory_space<hbm>> -> memref<1x32xf32, #tpu.memory_space<hbm>>
      %dma_start3A_417 = arith.constant 0 : i32
      %dma_start3A_418 = tpu.memref_slice %arg9[%add3A_410, %dma_start3A_417] : memref<256x32xf32, #tpu.memory_space<vmem>> -> memref<1x32xf32, #tpu.memory_space<vmem>>
      %dma_start3A_419 = arith.constant 0 : i32
      %dma_start3A_420 = tpu.memref_slice %arg4[%squeeze3A_412, %dma_start3A_419] : memref<1000000x32xf32, #tpu.memory_space<hbm>> -> memref<1x32xf32, #tpu.memory_space<hbm>>
      tpu.enqueue_dma source(%dma_start3A_420 : memref<1x32xf32, #tpu.memory_space<hbm>>) target(%dma_start3A_418 : memref<1x32xf32, #tpu.memory_space<vmem>>) target_semaphore(%arg12 : memref<!tpu.dma_semaphore, #tpu.memory_space<semaphore_mem>>)
      %slice3A_421 = vector.extract_strided_slice %get3A_49 {offsets = [15], sizes = [1], strides = [1]} : vector<16xi32> to vector<1xi32>
      %squeeze3A_422 = vector.extract %slice3A_421[0] : i32 from vector<1xi32>
      %dma_start3A_423 = arith.constant 0 : i32
      %dma_start3A_424 = tpu.memref_slice %arg10[%add3A_410, %dma_start3A_423] : memref<256x32xf32, #tpu.memory_space<vmem>> -> memref<1x32xf32, #tpu.memory_space<vmem>>
      %dma_start3A_425 = arith.constant 0 : i32
      %dma_start3A_426 = tpu.memref_slice %arg5[%squeeze3A_422, %dma_start3A_425] : memref<100000x32xf32, #tpu.memory_space<hbm>> -> memref<1x32xf32, #tpu.memory_space<hbm>>
      %dma_start3A_427 = arith.constant 0 : i32
      %dma_start3A_428 = tpu.memref_slice %arg10[%add3A_410, %dma_start3A_427] : memref<256x32xf32, #tpu.memory_space<vmem>> -> memref<1x32xf32, #tpu.memory_space<vmem>>
      %dma_start3A_429 = arith.constant 0 : i32
      %dma_start3A_430 = tpu.memref_slice %arg5[%squeeze3A_422, %dma_start3A_429] : memref<100000x32xf32, #tpu.memory_space<hbm>> -> memref<1x32xf32, #tpu.memory_space<hbm>>
      tpu.enqueue_dma source(%dma_start3A_430 : memref<1x32xf32, #tpu.memory_space<hbm>>) target(%dma_start3A_428 : memref<1x32xf32, #tpu.memory_space<vmem>>) target_semaphore(%arg13 : memref<!tpu.dma_semaphore, #tpu.memory_space<semaphore_mem>>)
    }
    %scan3A_7 = arith.constant 16 : i32
    %scan3A_8 = arith.constant 0 : i32
    %scan3A_9 = arith.constant 0 : i32
    %scan3A_10 = arith.constant 256 : i32
    %scan3A_11 = arith.addi %scan3A_9, %scan3A_10 : i32
    %scan3A_12 = arith.constant 1 : i32
    scf.for %scan3A_38 = %scan3A_9 to %scan3A_11 step %scan3A_12  : i32 {
      %dma_wait3A = arith.constant 0 : i32
      %dma_wait3A_39 = arith.constant 0 : i32
      %dma_wait3A_40 = tpu.memref_slice %arg9[%dma_wait3A, %dma_wait3A_39] : memref<256x32xf32, #tpu.memory_space<vmem>> -> memref<1x32xf32, #tpu.memory_space<vmem>>
      %dma_wait3A_41 = arith.constant 0 : i32
      %dma_wait3A_42 = arith.constant 0 : i32
      %dma_wait3A_43 = tpu.memref_slice %arg4[%dma_wait3A_41, %dma_wait3A_42] : memref<1000000x32xf32, #tpu.memory_space<hbm>> -> memref<1x32xf32, #tpu.memory_space<hbm>>
      %dma_wait3A_44 = arith.constant 0 : i32
      %dma_wait3A_45 = arith.constant 0 : i32
      %dma_wait3A_46 = tpu.memref_slice %arg9[%dma_wait3A_44, %dma_wait3A_45] : memref<256x32xf32, #tpu.memory_space<vmem>> -> memref<1x32xf32, #tpu.memory_space<vmem>>
      %dma_wait3A_47 = arith.constant 0 : i32
      %dma_wait3A_48 = arith.constant 0 : i32
      %dma_wait3A_49 = tpu.memref_slice %arg4[%dma_wait3A_47, %dma_wait3A_48] : memref<1000000x32xf32, #tpu.memory_space<hbm>> -> memref<1x32xf32, #tpu.memory_space<hbm>>
      tpu.wait_dma2 semaphore(%arg12 : memref<!tpu.dma_semaphore, #tpu.memory_space<semaphore_mem>>) src(%dma_wait3A_49 : memref<1x32xf32, #tpu.memory_space<hbm>>) dst(%dma_wait3A_46 : memref<1x32xf32, #tpu.memory_space<vmem>>)
      %dma_wait3A_50 = arith.constant 0 : i32
      %dma_wait3A_51 = arith.constant 0 : i32
      %dma_wait3A_52 = tpu.memref_slice %arg10[%dma_wait3A_50, %dma_wait3A_51] : memref<256x32xf32, #tpu.memory_space<vmem>> -> memref<1x32xf32, #tpu.memory_space<vmem>>
      %dma_wait3A_53 = arith.constant 0 : i32
      %dma_wait3A_54 = arith.constant 0 : i32
      %dma_wait3A_55 = tpu.memref_slice %arg5[%dma_wait3A_53, %dma_wait3A_54] : memref<100000x32xf32, #tpu.memory_space<hbm>> -> memref<1x32xf32, #tpu.memory_space<hbm>>
      %dma_wait3A_56 = arith.constant 0 : i32
      %dma_wait3A_57 = arith.constant 0 : i32
      %dma_wait3A_58 = tpu.memref_slice %arg10[%dma_wait3A_56, %dma_wait3A_57] : memref<256x32xf32, #tpu.memory_space<vmem>> -> memref<1x32xf32, #tpu.memory_space<vmem>>
      %dma_wait3A_59 = arith.constant 0 : i32
      %dma_wait3A_60 = arith.constant 0 : i32
      %dma_wait3A_61 = tpu.memref_slice %arg5[%dma_wait3A_59, %dma_wait3A_60] : memref<100000x32xf32, #tpu.memory_space<hbm>> -> memref<1x32xf32, #tpu.memory_space<hbm>>
      tpu.wait_dma2 semaphore(%arg13 : memref<!tpu.dma_semaphore, #tpu.memory_space<semaphore_mem>>) src(%dma_wait3A_61 : memref<1x32xf32, #tpu.memory_space<hbm>>) dst(%dma_wait3A_58 : memref<1x32xf32, #tpu.memory_space<vmem>>)
    }
    %scan3A_13 = arith.constant 256 : i32
    %scan3A_14 = arith.constant 0 : i32
    %scan3A_15 = arith.constant 0 : i32
    %scan3A_16 = arith.constant 16 : i32
    %scan3A_17 = arith.addi %scan3A_15, %scan3A_16 : i32
    %scan3A_18 = arith.constant 1 : i32
    scf.for %scan3A_38 = %scan3A_15 to %scan3A_17 step %scan3A_18  : i32 {
      %mul3A_39 = arith.constant 16 : i32
      %mul3A_40 = arith.muli %scan3A_38, %mul3A_39 : i32
      %add3A_41 = vector.broadcast %mul3A_40 : i32 to vector<16xi32>
      %add3A_42 = arith.addi %add3A_41, %iota3A : vector<16xi32>
      %broadcast_in_dim3A = arith.constant 0.000000e+00 : f32
      %broadcast_in_dim3A_43 = vector.broadcast %broadcast_in_dim3A : f32 to vector<16xf32>
      %broadcast_in_dim3A_44 = arith.constant 0 : i32
      %broadcast_in_dim3A_45 = vector.broadcast %broadcast_in_dim3A_44 : i32 to vector<16xi32>
      %gather3A = tpu.vector_load_idx %arg9[%add3A_42, %broadcast_in_dim3A_45] : memref<256x32xf32, #tpu.memory_space<vmem>>[vector<16xi32>, vector<16xi32>], vector<16xf32>,
      %gather3A_46 = tpu.vector_load_idx %arg10[%add3A_42, %broadcast_in_dim3A_45] : memref<256x32xf32, #tpu.memory_space<vmem>>[vector<16xi32>, vector<16xi32>], vector<16xf32>,
      %mul3A_47 = arith.mulf %gather3A, %gather3A_46 : vector<16xf32>
      %add3A_48 = arith.addf %broadcast_in_dim3A_43, %mul3A_47 : vector<16xf32>
      %broadcast_in_dim3A_49 = arith.constant 1 : i32
      %broadcast_in_dim3A_50 = vector.broadcast %broadcast_in_dim3A_49 : i32 to vector<16xi32>
      %gather3A_51 = tpu.vector_load_idx %arg9[%add3A_42, %broadcast_in_dim3A_50] : memref<256x32xf32, #tpu.memory_space<vmem>>[vector<16xi32>, vector<16xi32>], vector<16xf32>,
      %gather3A_52 = tpu.vector_load_idx %arg10[%add3A_42, %broadcast_in_dim3A_50] : memref<256x32xf32, #tpu.memory_space<vmem>>[vector<16xi32>, vector<16xi32>], vector<16xf32>,
      %mul3A_53 = arith.mulf %gather3A_51, %gather3A_52 : vector<16xf32>
      %add3A_54 = arith.addf %add3A_48, %mul3A_53 : vector<16xf32>
      %broadcast_in_dim3A_55 = arith.constant 2 : i32
      %broadcast_in_dim3A_56 = vector.broadcast %broadcast_in_dim3A_55 : i32 to vector<16xi32>
      %gather3A_57 = tpu.vector_load_idx %arg9[%add3A_42, %broadcast_in_dim3A_56] : memref<256x32xf32, #tpu.memory_space<vmem>>[vector<16xi32>, vector<16xi32>], vector<16xf32>,
      %gather3A_58 = tpu.vector_load_idx %arg10[%add3A_42, %broadcast_in_dim3A_56] : memref<256x32xf32, #tpu.memory_space<vmem>>[vector<16xi32>, vector<16xi32>], vector<16xf32>,
      %mul3A_59 = arith.mulf %gather3A_57, %gather3A_58 : vector<16xf32>
      %add3A_60 = arith.addf %add3A_54, %mul3A_59 : vector<16xf32>
      %broadcast_in_dim3A_61 = arith.constant 3 : i32
      %broadcast_in_dim3A_62 = vector.broadcast %broadcast_in_dim3A_61 : i32 to vector<16xi32>
      %gather3A_63 = tpu.vector_load_idx %arg9[%add3A_42, %broadcast_in_dim3A_62] : memref<256x32xf32, #tpu.memory_space<vmem>>[vector<16xi32>, vector<16xi32>], vector<16xf32>,
      %gather3A_64 = tpu.vector_load_idx %arg10[%add3A_42, %broadcast_in_dim3A_62] : memref<256x32xf32, #tpu.memory_space<vmem>>[vector<16xi32>, vector<16xi32>], vector<16xf32>,
      %mul3A_65 = arith.mulf %gather3A_63, %gather3A_64 : vector<16xf32>
      %add3A_66 = arith.addf %add3A_60, %mul3A_65 : vector<16xf32>
      %broadcast_in_dim3A_67 = arith.constant 4 : i32
      %broadcast_in_dim3A_68 = vector.broadcast %broadcast_in_dim3A_67 : i32 to vector<16xi32>
      %gather3A_69 = tpu.vector_load_idx %arg9[%add3A_42, %broadcast_in_dim3A_68] : memref<256x32xf32, #tpu.memory_space<vmem>>[vector<16xi32>, vector<16xi32>], vector<16xf32>,
      %gather3A_70 = tpu.vector_load_idx %arg10[%add3A_42, %broadcast_in_dim3A_68] : memref<256x32xf32, #tpu.memory_space<vmem>>[vector<16xi32>, vector<16xi32>], vector<16xf32>,
      %mul3A_71 = arith.mulf %gather3A_69, %gather3A_70 : vector<16xf32>
      %add3A_72 = arith.addf %add3A_66, %mul3A_71 : vector<16xf32>
      %broadcast_in_dim3A_73 = arith.constant 5 : i32
      %broadcast_in_dim3A_74 = vector.broadcast %broadcast_in_dim3A_73 : i32 to vector<16xi32>
      %gather3A_75 = tpu.vector_load_idx %arg9[%add3A_42, %broadcast_in_dim3A_74] : memref<256x32xf32, #tpu.memory_space<vmem>>[vector<16xi32>, vector<16xi32>], vector<16xf32>,
      %gather3A_76 = tpu.vector_load_idx %arg10[%add3A_42, %broadcast_in_dim3A_74] : memref<256x32xf32, #tpu.memory_space<vmem>>[vector<16xi32>, vector<16xi32>], vector<16xf32>,
      %mul3A_77 = arith.mulf %gather3A_75, %gather3A_76 : vector<16xf32>
      %add3A_78 = arith.addf %add3A_72, %mul3A_77 : vector<16xf32>
      %broadcast_in_dim3A_79 = arith.constant 6 : i32
      %broadcast_in_dim3A_80 = vector.broadcast %broadcast_in_dim3A_79 : i32 to vector<16xi32>
      %gather3A_81 = tpu.vector_load_idx %arg9[%add3A_42, %broadcast_in_dim3A_80] : memref<256x32xf32, #tpu.memory_space<vmem>>[vector<16xi32>, vector<16xi32>], vector<16xf32>,
      %gather3A_82 = tpu.vector_load_idx %arg10[%add3A_42, %broadcast_in_dim3A_80] : memref<256x32xf32, #tpu.memory_space<vmem>>[vector<16xi32>, vector<16xi32>], vector<16xf32>,
      %mul3A_83 = arith.mulf %gather3A_81, %gather3A_82 : vector<16xf32>
      %add3A_84 = arith.addf %add3A_78, %mul3A_83 : vector<16xf32>
      %broadcast_in_dim3A_85 = arith.constant 7 : i32
      %broadcast_in_dim3A_86 = vector.broadcast %broadcast_in_dim3A_85 : i32 to vector<16xi32>
      %gather3A_87 = tpu.vector_load_idx %arg9[%add3A_42, %broadcast_in_dim3A_86] : memref<256x32xf32, #tpu.memory_space<vmem>>[vector<16xi32>, vector<16xi32>], vector<16xf32>,
      %gather3A_88 = tpu.vector_load_idx %arg10[%add3A_42, %broadcast_in_dim3A_86] : memref<256x32xf32, #tpu.memory_space<vmem>>[vector<16xi32>, vector<16xi32>], vector<16xf32>,
      %mul3A_89 = arith.mulf %gather3A_87, %gather3A_88 : vector<16xf32>
      %add3A_90 = arith.addf %add3A_84, %mul3A_89 : vector<16xf32>
      %broadcast_in_dim3A_91 = arith.constant 8 : i32
      %broadcast_in_dim3A_92 = vector.broadcast %broadcast_in_dim3A_91 : i32 to vector<16xi32>
      %gather3A_93 = tpu.vector_load_idx %arg9[%add3A_42, %broadcast_in_dim3A_92] : memref<256x32xf32, #tpu.memory_space<vmem>>[vector<16xi32>, vector<16xi32>], vector<16xf32>,
      %gather3A_94 = tpu.vector_load_idx %arg10[%add3A_42, %broadcast_in_dim3A_92] : memref<256x32xf32, #tpu.memory_space<vmem>>[vector<16xi32>, vector<16xi32>], vector<16xf32>,
      %mul3A_95 = arith.mulf %gather3A_93, %gather3A_94 : vector<16xf32>
      %add3A_96 = arith.addf %add3A_90, %mul3A_95 : vector<16xf32>
      %broadcast_in_dim3A_97 = arith.constant 9 : i32
      %broadcast_in_dim3A_98 = vector.broadcast %broadcast_in_dim3A_97 : i32 to vector<16xi32>
      %gather3A_99 = tpu.vector_load_idx %arg9[%add3A_42, %broadcast_in_dim3A_98] : memref<256x32xf32, #tpu.memory_space<vmem>>[vector<16xi32>, vector<16xi32>], vector<16xf32>,
      %gather3A_100 = tpu.vector_load_idx %arg10[%add3A_42, %broadcast_in_dim3A_98] : memref<256x32xf32, #tpu.memory_space<vmem>>[vector<16xi32>, vector<16xi32>], vector<16xf32>,
      %mul3A_101 = arith.mulf %gather3A_99, %gather3A_100 : vector<16xf32>
      %add3A_102 = arith.addf %add3A_96, %mul3A_101 : vector<16xf32>
      %broadcast_in_dim3A_103 = arith.constant 10 : i32
      %broadcast_in_dim3A_104 = vector.broadcast %broadcast_in_dim3A_103 : i32 to vector<16xi32>
      %gather3A_105 = tpu.vector_load_idx %arg9[%add3A_42, %broadcast_in_dim3A_104] : memref<256x32xf32, #tpu.memory_space<vmem>>[vector<16xi32>, vector<16xi32>], vector<16xf32>,
      %gather3A_106 = tpu.vector_load_idx %arg10[%add3A_42, %broadcast_in_dim3A_104] : memref<256x32xf32, #tpu.memory_space<vmem>>[vector<16xi32>, vector<16xi32>], vector<16xf32>,
      %mul3A_107 = arith.mulf %gather3A_105, %gather3A_106 : vector<16xf32>
      %add3A_108 = arith.addf %add3A_102, %mul3A_107 : vector<16xf32>
      %broadcast_in_dim3A_109 = arith.constant 11 : i32
      %broadcast_in_dim3A_110 = vector.broadcast %broadcast_in_dim3A_109 : i32 to vector<16xi32>
      %gather3A_111 = tpu.vector_load_idx %arg9[%add3A_42, %broadcast_in_dim3A_110] : memref<256x32xf32, #tpu.memory_space<vmem>>[vector<16xi32>, vector<16xi32>], vector<16xf32>,
      %gather3A_112 = tpu.vector_load_idx %arg10[%add3A_42, %broadcast_in_dim3A_110] : memref<256x32xf32, #tpu.memory_space<vmem>>[vector<16xi32>, vector<16xi32>], vector<16xf32>,
      %mul3A_113 = arith.mulf %gather3A_111, %gather3A_112 : vector<16xf32>
      %add3A_114 = arith.addf %add3A_108, %mul3A_113 : vector<16xf32>
      %broadcast_in_dim3A_115 = arith.constant 12 : i32
      %broadcast_in_dim3A_116 = vector.broadcast %broadcast_in_dim3A_115 : i32 to vector<16xi32>
      %gather3A_117 = tpu.vector_load_idx %arg9[%add3A_42, %broadcast_in_dim3A_116] : memref<256x32xf32, #tpu.memory_space<vmem>>[vector<16xi32>, vector<16xi32>], vector<16xf32>,
      %gather3A_118 = tpu.vector_load_idx %arg10[%add3A_42, %broadcast_in_dim3A_116] : memref<256x32xf32, #tpu.memory_space<vmem>>[vector<16xi32>, vector<16xi32>], vector<16xf32>,
      %mul3A_119 = arith.mulf %gather3A_117, %gather3A_118 : vector<16xf32>
      %add3A_120 = arith.addf %add3A_114, %mul3A_119 : vector<16xf32>
      %broadcast_in_dim3A_121 = arith.constant 13 : i32
      %broadcast_in_dim3A_122 = vector.broadcast %broadcast_in_dim3A_121 : i32 to vector<16xi32>
      %gather3A_123 = tpu.vector_load_idx %arg9[%add3A_42, %broadcast_in_dim3A_122] : memref<256x32xf32, #tpu.memory_space<vmem>>[vector<16xi32>, vector<16xi32>], vector<16xf32>,
      %gather3A_124 = tpu.vector_load_idx %arg10[%add3A_42, %broadcast_in_dim3A_122] : memref<256x32xf32, #tpu.memory_space<vmem>>[vector<16xi32>, vector<16xi32>], vector<16xf32>,
      %mul3A_125 = arith.mulf %gather3A_123, %gather3A_124 : vector<16xf32>
      %add3A_126 = arith.addf %add3A_120, %mul3A_125 : vector<16xf32>
      %broadcast_in_dim3A_127 = arith.constant 14 : i32
      %broadcast_in_dim3A_128 = vector.broadcast %broadcast_in_dim3A_127 : i32 to vector<16xi32>
      %gather3A_129 = tpu.vector_load_idx %arg9[%add3A_42, %broadcast_in_dim3A_128] : memref<256x32xf32, #tpu.memory_space<vmem>>[vector<16xi32>, vector<16xi32>], vector<16xf32>,
      %gather3A_130 = tpu.vector_load_idx %arg10[%add3A_42, %broadcast_in_dim3A_128] : memref<256x32xf32, #tpu.memory_space<vmem>>[vector<16xi32>, vector<16xi32>], vector<16xf32>,
      %mul3A_131 = arith.mulf %gather3A_129, %gather3A_130 : vector<16xf32>
      %add3A_132 = arith.addf %add3A_126, %mul3A_131 : vector<16xf32>
      %broadcast_in_dim3A_133 = arith.constant 15 : i32
      %broadcast_in_dim3A_134 = vector.broadcast %broadcast_in_dim3A_133 : i32 to vector<16xi32>
      %gather3A_135 = tpu.vector_load_idx %arg9[%add3A_42, %broadcast_in_dim3A_134] : memref<256x32xf32, #tpu.memory_space<vmem>>[vector<16xi32>, vector<16xi32>], vector<16xf32>,
      %gather3A_136 = tpu.vector_load_idx %arg10[%add3A_42, %broadcast_in_dim3A_134] : memref<256x32xf32, #tpu.memory_space<vmem>>[vector<16xi32>, vector<16xi32>], vector<16xf32>,
      %mul3A_137 = arith.mulf %gather3A_135, %gather3A_136 : vector<16xf32>
      %add3A_138 = arith.addf %add3A_132, %mul3A_137 : vector<16xf32>
      %broadcast_in_dim3A_139 = arith.constant 16 : i32
      %broadcast_in_dim3A_140 = vector.broadcast %broadcast_in_dim3A_139 : i32 to vector<16xi32>
      %gather3A_141 = tpu.vector_load_idx %arg9[%add3A_42, %broadcast_in_dim3A_140] : memref<256x32xf32, #tpu.memory_space<vmem>>[vector<16xi32>, vector<16xi32>], vector<16xf32>,
      %gather3A_142 = tpu.vector_load_idx %arg10[%add3A_42, %broadcast_in_dim3A_140] : memref<256x32xf32, #tpu.memory_space<vmem>>[vector<16xi32>, vector<16xi32>], vector<16xf32>,
      %mul3A_143 = arith.mulf %gather3A_141, %gather3A_142 : vector<16xf32>
      %add3A_144 = arith.addf %add3A_138, %mul3A_143 : vector<16xf32>
      %broadcast_in_dim3A_145 = arith.constant 17 : i32
      %broadcast_in_dim3A_146 = vector.broadcast %broadcast_in_dim3A_145 : i32 to vector<16xi32>
      %gather3A_147 = tpu.vector_load_idx %arg9[%add3A_42, %broadcast_in_dim3A_146] : memref<256x32xf32, #tpu.memory_space<vmem>>[vector<16xi32>, vector<16xi32>], vector<16xf32>,
      %gather3A_148 = tpu.vector_load_idx %arg10[%add3A_42, %broadcast_in_dim3A_146] : memref<256x32xf32, #tpu.memory_space<vmem>>[vector<16xi32>, vector<16xi32>], vector<16xf32>,
      %mul3A_149 = arith.mulf %gather3A_147, %gather3A_148 : vector<16xf32>
      %add3A_150 = arith.addf %add3A_144, %mul3A_149 : vector<16xf32>
      %broadcast_in_dim3A_151 = arith.constant 18 : i32
      %broadcast_in_dim3A_152 = vector.broadcast %broadcast_in_dim3A_151 : i32 to vector<16xi32>
      %gather3A_153 = tpu.vector_load_idx %arg9[%add3A_42, %broadcast_in_dim3A_152] : memref<256x32xf32, #tpu.memory_space<vmem>>[vector<16xi32>, vector<16xi32>], vector<16xf32>,
      %gather3A_154 = tpu.vector_load_idx %arg10[%add3A_42, %broadcast_in_dim3A_152] : memref<256x32xf32, #tpu.memory_space<vmem>>[vector<16xi32>, vector<16xi32>], vector<16xf32>,
      %mul3A_155 = arith.mulf %gather3A_153, %gather3A_154 : vector<16xf32>
      %add3A_156 = arith.addf %add3A_150, %mul3A_155 : vector<16xf32>
      %broadcast_in_dim3A_157 = arith.constant 19 : i32
      %broadcast_in_dim3A_158 = vector.broadcast %broadcast_in_dim3A_157 : i32 to vector<16xi32>
      %gather3A_159 = tpu.vector_load_idx %arg9[%add3A_42, %broadcast_in_dim3A_158] : memref<256x32xf32, #tpu.memory_space<vmem>>[vector<16xi32>, vector<16xi32>], vector<16xf32>,
      %gather3A_160 = tpu.vector_load_idx %arg10[%add3A_42, %broadcast_in_dim3A_158] : memref<256x32xf32, #tpu.memory_space<vmem>>[vector<16xi32>, vector<16xi32>], vector<16xf32>,
      %mul3A_161 = arith.mulf %gather3A_159, %gather3A_160 : vector<16xf32>
      %add3A_162 = arith.addf %add3A_156, %mul3A_161 : vector<16xf32>
      %broadcast_in_dim3A_163 = arith.constant 20 : i32
      %broadcast_in_dim3A_164 = vector.broadcast %broadcast_in_dim3A_163 : i32 to vector<16xi32>
      %gather3A_165 = tpu.vector_load_idx %arg9[%add3A_42, %broadcast_in_dim3A_164] : memref<256x32xf32, #tpu.memory_space<vmem>>[vector<16xi32>, vector<16xi32>], vector<16xf32>,
      %gather3A_166 = tpu.vector_load_idx %arg10[%add3A_42, %broadcast_in_dim3A_164] : memref<256x32xf32, #tpu.memory_space<vmem>>[vector<16xi32>, vector<16xi32>], vector<16xf32>,
      %mul3A_167 = arith.mulf %gather3A_165, %gather3A_166 : vector<16xf32>
      %add3A_168 = arith.addf %add3A_162, %mul3A_167 : vector<16xf32>
      %broadcast_in_dim3A_169 = arith.constant 21 : i32
      %broadcast_in_dim3A_170 = vector.broadcast %broadcast_in_dim3A_169 : i32 to vector<16xi32>
      %gather3A_171 = tpu.vector_load_idx %arg9[%add3A_42, %broadcast_in_dim3A_170] : memref<256x32xf32, #tpu.memory_space<vmem>>[vector<16xi32>, vector<16xi32>], vector<16xf32>,
      %gather3A_172 = tpu.vector_load_idx %arg10[%add3A_42, %broadcast_in_dim3A_170] : memref<256x32xf32, #tpu.memory_space<vmem>>[vector<16xi32>, vector<16xi32>], vector<16xf32>,
      %mul3A_173 = arith.mulf %gather3A_171, %gather3A_172 : vector<16xf32>
      %add3A_174 = arith.addf %add3A_168, %mul3A_173 : vector<16xf32>
      %broadcast_in_dim3A_175 = arith.constant 22 : i32
      %broadcast_in_dim3A_176 = vector.broadcast %broadcast_in_dim3A_175 : i32 to vector<16xi32>
      %gather3A_177 = tpu.vector_load_idx %arg9[%add3A_42, %broadcast_in_dim3A_176] : memref<256x32xf32, #tpu.memory_space<vmem>>[vector<16xi32>, vector<16xi32>], vector<16xf32>,
      %gather3A_178 = tpu.vector_load_idx %arg10[%add3A_42, %broadcast_in_dim3A_176] : memref<256x32xf32, #tpu.memory_space<vmem>>[vector<16xi32>, vector<16xi32>], vector<16xf32>,
      %mul3A_179 = arith.mulf %gather3A_177, %gather3A_178 : vector<16xf32>
      %add3A_180 = arith.addf %add3A_174, %mul3A_179 : vector<16xf32>
      %broadcast_in_dim3A_181 = arith.constant 23 : i32
      %broadcast_in_dim3A_182 = vector.broadcast %broadcast_in_dim3A_181 : i32 to vector<16xi32>
      %gather3A_183 = tpu.vector_load_idx %arg9[%add3A_42, %broadcast_in_dim3A_182] : memref<256x32xf32, #tpu.memory_space<vmem>>[vector<16xi32>, vector<16xi32>], vector<16xf32>,
      %gather3A_184 = tpu.vector_load_idx %arg10[%add3A_42, %broadcast_in_dim3A_182] : memref<256x32xf32, #tpu.memory_space<vmem>>[vector<16xi32>, vector<16xi32>], vector<16xf32>,
      %mul3A_185 = arith.mulf %gather3A_183, %gather3A_184 : vector<16xf32>
      %add3A_186 = arith.addf %add3A_180, %mul3A_185 : vector<16xf32>
      %broadcast_in_dim3A_187 = arith.constant 24 : i32
      %broadcast_in_dim3A_188 = vector.broadcast %broadcast_in_dim3A_187 : i32 to vector<16xi32>
      %gather3A_189 = tpu.vector_load_idx %arg9[%add3A_42, %broadcast_in_dim3A_188] : memref<256x32xf32, #tpu.memory_space<vmem>>[vector<16xi32>, vector<16xi32>], vector<16xf32>,
      %gather3A_190 = tpu.vector_load_idx %arg10[%add3A_42, %broadcast_in_dim3A_188] : memref<256x32xf32, #tpu.memory_space<vmem>>[vector<16xi32>, vector<16xi32>], vector<16xf32>,
      %mul3A_191 = arith.mulf %gather3A_189, %gather3A_190 : vector<16xf32>
      %add3A_192 = arith.addf %add3A_186, %mul3A_191 : vector<16xf32>
      %broadcast_in_dim3A_193 = arith.constant 25 : i32
      %broadcast_in_dim3A_194 = vector.broadcast %broadcast_in_dim3A_193 : i32 to vector<16xi32>
      %gather3A_195 = tpu.vector_load_idx %arg9[%add3A_42, %broadcast_in_dim3A_194] : memref<256x32xf32, #tpu.memory_space<vmem>>[vector<16xi32>, vector<16xi32>], vector<16xf32>,
      %gather3A_196 = tpu.vector_load_idx %arg10[%add3A_42, %broadcast_in_dim3A_194] : memref<256x32xf32, #tpu.memory_space<vmem>>[vector<16xi32>, vector<16xi32>], vector<16xf32>,
      %mul3A_197 = arith.mulf %gather3A_195, %gather3A_196 : vector<16xf32>
      %add3A_198 = arith.addf %add3A_192, %mul3A_197 : vector<16xf32>
      %broadcast_in_dim3A_199 = arith.constant 26 : i32
      %broadcast_in_dim3A_200 = vector.broadcast %broadcast_in_dim3A_199 : i32 to vector<16xi32>
      %gather3A_201 = tpu.vector_load_idx %arg9[%add3A_42, %broadcast_in_dim3A_200] : memref<256x32xf32, #tpu.memory_space<vmem>>[vector<16xi32>, vector<16xi32>], vector<16xf32>,
      %gather3A_202 = tpu.vector_load_idx %arg10[%add3A_42, %broadcast_in_dim3A_200] : memref<256x32xf32, #tpu.memory_space<vmem>>[vector<16xi32>, vector<16xi32>], vector<16xf32>,
      %mul3A_203 = arith.mulf %gather3A_201, %gather3A_202 : vector<16xf32>
      %add3A_204 = arith.addf %add3A_198, %mul3A_203 : vector<16xf32>
      %broadcast_in_dim3A_205 = arith.constant 27 : i32
      %broadcast_in_dim3A_206 = vector.broadcast %broadcast_in_dim3A_205 : i32 to vector<16xi32>
      %gather3A_207 = tpu.vector_load_idx %arg9[%add3A_42, %broadcast_in_dim3A_206] : memref<256x32xf32, #tpu.memory_space<vmem>>[vector<16xi32>, vector<16xi32>], vector<16xf32>,
      %gather3A_208 = tpu.vector_load_idx %arg10[%add3A_42, %broadcast_in_dim3A_206] : memref<256x32xf32, #tpu.memory_space<vmem>>[vector<16xi32>, vector<16xi32>], vector<16xf32>,
      %mul3A_209 = arith.mulf %gather3A_207, %gather3A_208 : vector<16xf32>
      %add3A_210 = arith.addf %add3A_204, %mul3A_209 : vector<16xf32>
      %broadcast_in_dim3A_211 = arith.constant 28 : i32
      %broadcast_in_dim3A_212 = vector.broadcast %broadcast_in_dim3A_211 : i32 to vector<16xi32>
      %gather3A_213 = tpu.vector_load_idx %arg9[%add3A_42, %broadcast_in_dim3A_212] : memref<256x32xf32, #tpu.memory_space<vmem>>[vector<16xi32>, vector<16xi32>], vector<16xf32>,
      %gather3A_214 = tpu.vector_load_idx %arg10[%add3A_42, %broadcast_in_dim3A_212] : memref<256x32xf32, #tpu.memory_space<vmem>>[vector<16xi32>, vector<16xi32>], vector<16xf32>,
      %mul3A_215 = arith.mulf %gather3A_213, %gather3A_214 : vector<16xf32>
      %add3A_216 = arith.addf %add3A_210, %mul3A_215 : vector<16xf32>
      %broadcast_in_dim3A_217 = arith.constant 29 : i32
      %broadcast_in_dim3A_218 = vector.broadcast %broadcast_in_dim3A_217 : i32 to vector<16xi32>
      %gather3A_219 = tpu.vector_load_idx %arg9[%add3A_42, %broadcast_in_dim3A_218] : memref<256x32xf32, #tpu.memory_space<vmem>>[vector<16xi32>, vector<16xi32>], vector<16xf32>,
      %gather3A_220 = tpu.vector_load_idx %arg10[%add3A_42, %broadcast_in_dim3A_218] : memref<256x32xf32, #tpu.memory_space<vmem>>[vector<16xi32>, vector<16xi32>], vector<16xf32>,
      %mul3A_221 = arith.mulf %gather3A_219, %gather3A_220 : vector<16xf32>
      %add3A_222 = arith.addf %add3A_216, %mul3A_221 : vector<16xf32>
      %broadcast_in_dim3A_223 = arith.constant 30 : i32
      %broadcast_in_dim3A_224 = vector.broadcast %broadcast_in_dim3A_223 : i32 to vector<16xi32>
      %gather3A_225 = tpu.vector_load_idx %arg9[%add3A_42, %broadcast_in_dim3A_224] : memref<256x32xf32, #tpu.memory_space<vmem>>[vector<16xi32>, vector<16xi32>], vector<16xf32>,
      %gather3A_226 = tpu.vector_load_idx %arg10[%add3A_42, %broadcast_in_dim3A_224] : memref<256x32xf32, #tpu.memory_space<vmem>>[vector<16xi32>, vector<16xi32>], vector<16xf32>,
      %mul3A_227 = arith.mulf %gather3A_225, %gather3A_226 : vector<16xf32>
      %add3A_228 = arith.addf %add3A_222, %mul3A_227 : vector<16xf32>
      %broadcast_in_dim3A_229 = arith.constant 31 : i32
      %broadcast_in_dim3A_230 = vector.broadcast %broadcast_in_dim3A_229 : i32 to vector<16xi32>
      %gather3A_231 = tpu.vector_load_idx %arg9[%add3A_42, %broadcast_in_dim3A_230] : memref<256x32xf32, #tpu.memory_space<vmem>>[vector<16xi32>, vector<16xi32>], vector<16xf32>,
      %gather3A_232 = tpu.vector_load_idx %arg10[%add3A_42, %broadcast_in_dim3A_230] : memref<256x32xf32, #tpu.memory_space<vmem>>[vector<16xi32>, vector<16xi32>], vector<16xf32>,
      %mul3A_233 = arith.mulf %gather3A_231, %gather3A_232 : vector<16xf32>
      %add3A_234 = arith.addf %add3A_228, %mul3A_233 : vector<16xf32>
      %mul3A_235 = arith.constant 16 : i32
      %mul3A_236 = arith.muli %scan3A_38, %mul3A_235 : i32
      %add3A_237 = arith.constant 0 : i32
      %add3A_238 = arith.addi %add3A_237, %mul3A_236 : i32
      %swap3A = arith.index_cast %add3A_238 : i32 to index
      %swap3A_239 = tpu.vector_load %arg11[%swap3A] {strides = array<i32>} : memref<512xf32, #tpu.memory_space<vmem>>, vector<16xf32>,
      tpu.vector_store %arg11[%swap3A], %add3A_234 {strides = array<i32>} : memref<512xf32, #tpu.memory_space<vmem>>, vector<16xf32>,
    }
    %scan3A_19 = arith.constant 16 : i32
    %scan3A_20 = arith.constant 0 : i32
    %scan3A_21 = arith.constant 0 : i32
    %scan3A_22 = arith.constant 16 : i32
    %scan3A_23 = arith.addi %scan3A_21, %scan3A_22 : i32
    %scan3A_24 = arith.constant 1 : i32
    scf.for %scan3A_38 = %scan3A_21 to %scan3A_23 step %scan3A_24  : i32 {
      %mul3A_39 = arith.constant 16 : i32
      %mul3A_40 = arith.muli %scan3A_38, %mul3A_39 : i32
      %add3A_41 = arith.constant 256 : i32
      %add3A_42 = arith.addi %add3A_41, %mul3A_40 : i32
      %get3A = arith.index_cast %add3A_42 : i32 to index
      %get3A_43 = tpu.vector_load %arg7[%get3A] {strides = array<i32>} : memref<512xi32, #tpu.memory_space<vmem>>, vector<16xi32>,
      %mul3A_44 = arith.constant 16 : i32
      %mul3A_45 = arith.muli %scan3A_38, %mul3A_44 : i32
      %add3A_46 = arith.constant 256 : i32
      %add3A_47 = arith.addi %add3A_46, %mul3A_45 : i32
      %get3A_48 = arith.index_cast %add3A_47 : i32 to index
      %get3A_49 = tpu.vector_load %arg8[%get3A_48] {strides = array<i32>} : memref<512xi32, #tpu.memory_space<vmem>>, vector<16xi32>,
      %mul3A_50 = arith.constant 16 : i32
      %mul3A_51 = arith.muli %scan3A_38, %mul3A_50 : i32
      %add3A_52 = arith.constant 0 : i32
      %add3A_53 = arith.addi %mul3A_51, %add3A_52 : i32
      %slice3A = vector.extract_strided_slice %get3A_43 {offsets = [0], sizes = [1], strides = [1]} : vector<16xi32> to vector<1xi32>
      %squeeze3A = vector.extract %slice3A[0] : i32 from vector<1xi32>
      %dma_start3A = arith.constant 0 : i32
      %dma_start3A_54 = tpu.memref_slice %arg9[%add3A_53, %dma_start3A] : memref<256x32xf32, #tpu.memory_space<vmem>> -> memref<1x32xf32, #tpu.memory_space<vmem>>
      %dma_start3A_55 = arith.constant 0 : i32
      %dma_start3A_56 = tpu.memref_slice %arg4[%squeeze3A, %dma_start3A_55] : memref<1000000x32xf32, #tpu.memory_space<hbm>> -> memref<1x32xf32, #tpu.memory_space<hbm>>
      %dma_start3A_57 = arith.constant 0 : i32
      %dma_start3A_58 = tpu.memref_slice %arg9[%add3A_53, %dma_start3A_57] : memref<256x32xf32, #tpu.memory_space<vmem>> -> memref<1x32xf32, #tpu.memory_space<vmem>>
      %dma_start3A_59 = arith.constant 0 : i32
      %dma_start3A_60 = tpu.memref_slice %arg4[%squeeze3A, %dma_start3A_59] : memref<1000000x32xf32, #tpu.memory_space<hbm>> -> memref<1x32xf32, #tpu.memory_space<hbm>>
      tpu.enqueue_dma source(%dma_start3A_60 : memref<1x32xf32, #tpu.memory_space<hbm>>) target(%dma_start3A_58 : memref<1x32xf32, #tpu.memory_space<vmem>>) target_semaphore(%arg12 : memref<!tpu.dma_semaphore, #tpu.memory_space<semaphore_mem>>)
      %slice3A_61 = vector.extract_strided_slice %get3A_49 {offsets = [0], sizes = [1], strides = [1]} : vector<16xi32> to vector<1xi32>
      %squeeze3A_62 = vector.extract %slice3A_61[0] : i32 from vector<1xi32>
      %dma_start3A_63 = arith.constant 0 : i32
      %dma_start3A_64 = tpu.memref_slice %arg10[%add3A_53, %dma_start3A_63] : memref<256x32xf32, #tpu.memory_space<vmem>> -> memref<1x32xf32, #tpu.memory_space<vmem>>
      %dma_start3A_65 = arith.constant 0 : i32
      %dma_start3A_66 = tpu.memref_slice %arg5[%squeeze3A_62, %dma_start3A_65] : memref<100000x32xf32, #tpu.memory_space<hbm>> -> memref<1x32xf32, #tpu.memory_space<hbm>>
      %dma_start3A_67 = arith.constant 0 : i32
      %dma_start3A_68 = tpu.memref_slice %arg10[%add3A_53, %dma_start3A_67] : memref<256x32xf32, #tpu.memory_space<vmem>> -> memref<1x32xf32, #tpu.memory_space<vmem>>
      %dma_start3A_69 = arith.constant 0 : i32
      %dma_start3A_70 = tpu.memref_slice %arg5[%squeeze3A_62, %dma_start3A_69] : memref<100000x32xf32, #tpu.memory_space<hbm>> -> memref<1x32xf32, #tpu.memory_space<hbm>>
      tpu.enqueue_dma source(%dma_start3A_70 : memref<1x32xf32, #tpu.memory_space<hbm>>) target(%dma_start3A_68 : memref<1x32xf32, #tpu.memory_space<vmem>>) target_semaphore(%arg13 : memref<!tpu.dma_semaphore, #tpu.memory_space<semaphore_mem>>)
      %mul3A_71 = arith.constant 16 : i32
      %mul3A_72 = arith.muli %scan3A_38, %mul3A_71 : i32
      %add3A_73 = arith.constant 1 : i32
      %add3A_74 = arith.addi %mul3A_72, %add3A_73 : i32
      %slice3A_75 = vector.extract_strided_slice %get3A_43 {offsets = [1], sizes = [1], strides = [1]} : vector<16xi32> to vector<1xi32>
      %squeeze3A_76 = vector.extract %slice3A_75[0] : i32 from vector<1xi32>
      %dma_start3A_77 = arith.constant 0 : i32
      %dma_start3A_78 = tpu.memref_slice %arg9[%add3A_74, %dma_start3A_77] : memref<256x32xf32, #tpu.memory_space<vmem>> -> memref<1x32xf32, #tpu.memory_space<vmem>>
      %dma_start3A_79 = arith.constant 0 : i32
      %dma_start3A_80 = tpu.memref_slice %arg4[%squeeze3A_76, %dma_start3A_79] : memref<1000000x32xf32, #tpu.memory_space<hbm>> -> memref<1x32xf32, #tpu.memory_space<hbm>>
      %dma_start3A_81 = arith.constant 0 : i32
      %dma_start3A_82 = tpu.memref_slice %arg9[%add3A_74, %dma_start3A_81] : memref<256x32xf32, #tpu.memory_space<vmem>> -> memref<1x32xf32, #tpu.memory_space<vmem>>
      %dma_start3A_83 = arith.constant 0 : i32
      %dma_start3A_84 = tpu.memref_slice %arg4[%squeeze3A_76, %dma_start3A_83] : memref<1000000x32xf32, #tpu.memory_space<hbm>> -> memref<1x32xf32, #tpu.memory_space<hbm>>
      tpu.enqueue_dma source(%dma_start3A_84 : memref<1x32xf32, #tpu.memory_space<hbm>>) target(%dma_start3A_82 : memref<1x32xf32, #tpu.memory_space<vmem>>) target_semaphore(%arg12 : memref<!tpu.dma_semaphore, #tpu.memory_space<semaphore_mem>>)
      %slice3A_85 = vector.extract_strided_slice %get3A_49 {offsets = [1], sizes = [1], strides = [1]} : vector<16xi32> to vector<1xi32>
      %squeeze3A_86 = vector.extract %slice3A_85[0] : i32 from vector<1xi32>
      %dma_start3A_87 = arith.constant 0 : i32
      %dma_start3A_88 = tpu.memref_slice %arg10[%add3A_74, %dma_start3A_87] : memref<256x32xf32, #tpu.memory_space<vmem>> -> memref<1x32xf32, #tpu.memory_space<vmem>>
      %dma_start3A_89 = arith.constant 0 : i32
      %dma_start3A_90 = tpu.memref_slice %arg5[%squeeze3A_86, %dma_start3A_89] : memref<100000x32xf32, #tpu.memory_space<hbm>> -> memref<1x32xf32, #tpu.memory_space<hbm>>
      %dma_start3A_91 = arith.constant 0 : i32
      %dma_start3A_92 = tpu.memref_slice %arg10[%add3A_74, %dma_start3A_91] : memref<256x32xf32, #tpu.memory_space<vmem>> -> memref<1x32xf32, #tpu.memory_space<vmem>>
      %dma_start3A_93 = arith.constant 0 : i32
      %dma_start3A_94 = tpu.memref_slice %arg5[%squeeze3A_86, %dma_start3A_93] : memref<100000x32xf32, #tpu.memory_space<hbm>> -> memref<1x32xf32, #tpu.memory_space<hbm>>
      tpu.enqueue_dma source(%dma_start3A_94 : memref<1x32xf32, #tpu.memory_space<hbm>>) target(%dma_start3A_92 : memref<1x32xf32, #tpu.memory_space<vmem>>) target_semaphore(%arg13 : memref<!tpu.dma_semaphore, #tpu.memory_space<semaphore_mem>>)
      %mul3A_95 = arith.constant 16 : i32
      %mul3A_96 = arith.muli %scan3A_38, %mul3A_95 : i32
      %add3A_97 = arith.constant 2 : i32
      %add3A_98 = arith.addi %mul3A_96, %add3A_97 : i32
      %slice3A_99 = vector.extract_strided_slice %get3A_43 {offsets = [2], sizes = [1], strides = [1]} : vector<16xi32> to vector<1xi32>
      %squeeze3A_100 = vector.extract %slice3A_99[0] : i32 from vector<1xi32>
      %dma_start3A_101 = arith.constant 0 : i32
      %dma_start3A_102 = tpu.memref_slice %arg9[%add3A_98, %dma_start3A_101] : memref<256x32xf32, #tpu.memory_space<vmem>> -> memref<1x32xf32, #tpu.memory_space<vmem>>
      %dma_start3A_103 = arith.constant 0 : i32
      %dma_start3A_104 = tpu.memref_slice %arg4[%squeeze3A_100, %dma_start3A_103] : memref<1000000x32xf32, #tpu.memory_space<hbm>> -> memref<1x32xf32, #tpu.memory_space<hbm>>
      %dma_start3A_105 = arith.constant 0 : i32
      %dma_start3A_106 = tpu.memref_slice %arg9[%add3A_98, %dma_start3A_105] : memref<256x32xf32, #tpu.memory_space<vmem>> -> memref<1x32xf32, #tpu.memory_space<vmem>>
      %dma_start3A_107 = arith.constant 0 : i32
      %dma_start3A_108 = tpu.memref_slice %arg4[%squeeze3A_100, %dma_start3A_107] : memref<1000000x32xf32, #tpu.memory_space<hbm>> -> memref<1x32xf32, #tpu.memory_space<hbm>>
      tpu.enqueue_dma source(%dma_start3A_108 : memref<1x32xf32, #tpu.memory_space<hbm>>) target(%dma_start3A_106 : memref<1x32xf32, #tpu.memory_space<vmem>>) target_semaphore(%arg12 : memref<!tpu.dma_semaphore, #tpu.memory_space<semaphore_mem>>)
      %slice3A_109 = vector.extract_strided_slice %get3A_49 {offsets = [2], sizes = [1], strides = [1]} : vector<16xi32> to vector<1xi32>
      %squeeze3A_110 = vector.extract %slice3A_109[0] : i32 from vector<1xi32>
      %dma_start3A_111 = arith.constant 0 : i32
      %dma_start3A_112 = tpu.memref_slice %arg10[%add3A_98, %dma_start3A_111] : memref<256x32xf32, #tpu.memory_space<vmem>> -> memref<1x32xf32, #tpu.memory_space<vmem>>
      %dma_start3A_113 = arith.constant 0 : i32
      %dma_start3A_114 = tpu.memref_slice %arg5[%squeeze3A_110, %dma_start3A_113] : memref<100000x32xf32, #tpu.memory_space<hbm>> -> memref<1x32xf32, #tpu.memory_space<hbm>>
      %dma_start3A_115 = arith.constant 0 : i32
      %dma_start3A_116 = tpu.memref_slice %arg10[%add3A_98, %dma_start3A_115] : memref<256x32xf32, #tpu.memory_space<vmem>> -> memref<1x32xf32, #tpu.memory_space<vmem>>
      %dma_start3A_117 = arith.constant 0 : i32
      %dma_start3A_118 = tpu.memref_slice %arg5[%squeeze3A_110, %dma_start3A_117] : memref<100000x32xf32, #tpu.memory_space<hbm>> -> memref<1x32xf32, #tpu.memory_space<hbm>>
      tpu.enqueue_dma source(%dma_start3A_118 : memref<1x32xf32, #tpu.memory_space<hbm>>) target(%dma_start3A_116 : memref<1x32xf32, #tpu.memory_space<vmem>>) target_semaphore(%arg13 : memref<!tpu.dma_semaphore, #tpu.memory_space<semaphore_mem>>)
      %mul3A_119 = arith.constant 16 : i32
      %mul3A_120 = arith.muli %scan3A_38, %mul3A_119 : i32
      %add3A_121 = arith.constant 3 : i32
      %add3A_122 = arith.addi %mul3A_120, %add3A_121 : i32
      %slice3A_123 = vector.extract_strided_slice %get3A_43 {offsets = [3], sizes = [1], strides = [1]} : vector<16xi32> to vector<1xi32>
      %squeeze3A_124 = vector.extract %slice3A_123[0] : i32 from vector<1xi32>
      %dma_start3A_125 = arith.constant 0 : i32
      %dma_start3A_126 = tpu.memref_slice %arg9[%add3A_122, %dma_start3A_125] : memref<256x32xf32, #tpu.memory_space<vmem>> -> memref<1x32xf32, #tpu.memory_space<vmem>>
      %dma_start3A_127 = arith.constant 0 : i32
      %dma_start3A_128 = tpu.memref_slice %arg4[%squeeze3A_124, %dma_start3A_127] : memref<1000000x32xf32, #tpu.memory_space<hbm>> -> memref<1x32xf32, #tpu.memory_space<hbm>>
      %dma_start3A_129 = arith.constant 0 : i32
      %dma_start3A_130 = tpu.memref_slice %arg9[%add3A_122, %dma_start3A_129] : memref<256x32xf32, #tpu.memory_space<vmem>> -> memref<1x32xf32, #tpu.memory_space<vmem>>
      %dma_start3A_131 = arith.constant 0 : i32
      %dma_start3A_132 = tpu.memref_slice %arg4[%squeeze3A_124, %dma_start3A_131] : memref<1000000x32xf32, #tpu.memory_space<hbm>> -> memref<1x32xf32, #tpu.memory_space<hbm>>
      tpu.enqueue_dma source(%dma_start3A_132 : memref<1x32xf32, #tpu.memory_space<hbm>>) target(%dma_start3A_130 : memref<1x32xf32, #tpu.memory_space<vmem>>) target_semaphore(%arg12 : memref<!tpu.dma_semaphore, #tpu.memory_space<semaphore_mem>>)
      %slice3A_133 = vector.extract_strided_slice %get3A_49 {offsets = [3], sizes = [1], strides = [1]} : vector<16xi32> to vector<1xi32>
      %squeeze3A_134 = vector.extract %slice3A_133[0] : i32 from vector<1xi32>
      %dma_start3A_135 = arith.constant 0 : i32
      %dma_start3A_136 = tpu.memref_slice %arg10[%add3A_122, %dma_start3A_135] : memref<256x32xf32, #tpu.memory_space<vmem>> -> memref<1x32xf32, #tpu.memory_space<vmem>>
      %dma_start3A_137 = arith.constant 0 : i32
      %dma_start3A_138 = tpu.memref_slice %arg5[%squeeze3A_134, %dma_start3A_137] : memref<100000x32xf32, #tpu.memory_space<hbm>> -> memref<1x32xf32, #tpu.memory_space<hbm>>
      %dma_start3A_139 = arith.constant 0 : i32
      %dma_start3A_140 = tpu.memref_slice %arg10[%add3A_122, %dma_start3A_139] : memref<256x32xf32, #tpu.memory_space<vmem>> -> memref<1x32xf32, #tpu.memory_space<vmem>>
      %dma_start3A_141 = arith.constant 0 : i32
      %dma_start3A_142 = tpu.memref_slice %arg5[%squeeze3A_134, %dma_start3A_141] : memref<100000x32xf32, #tpu.memory_space<hbm>> -> memref<1x32xf32, #tpu.memory_space<hbm>>
      tpu.enqueue_dma source(%dma_start3A_142 : memref<1x32xf32, #tpu.memory_space<hbm>>) target(%dma_start3A_140 : memref<1x32xf32, #tpu.memory_space<vmem>>) target_semaphore(%arg13 : memref<!tpu.dma_semaphore, #tpu.memory_space<semaphore_mem>>)
      %mul3A_143 = arith.constant 16 : i32
      %mul3A_144 = arith.muli %scan3A_38, %mul3A_143 : i32
      %add3A_145 = arith.constant 4 : i32
      %add3A_146 = arith.addi %mul3A_144, %add3A_145 : i32
      %slice3A_147 = vector.extract_strided_slice %get3A_43 {offsets = [4], sizes = [1], strides = [1]} : vector<16xi32> to vector<1xi32>
      %squeeze3A_148 = vector.extract %slice3A_147[0] : i32 from vector<1xi32>
      %dma_start3A_149 = arith.constant 0 : i32
      %dma_start3A_150 = tpu.memref_slice %arg9[%add3A_146, %dma_start3A_149] : memref<256x32xf32, #tpu.memory_space<vmem>> -> memref<1x32xf32, #tpu.memory_space<vmem>>
      %dma_start3A_151 = arith.constant 0 : i32
      %dma_start3A_152 = tpu.memref_slice %arg4[%squeeze3A_148, %dma_start3A_151] : memref<1000000x32xf32, #tpu.memory_space<hbm>> -> memref<1x32xf32, #tpu.memory_space<hbm>>
      %dma_start3A_153 = arith.constant 0 : i32
      %dma_start3A_154 = tpu.memref_slice %arg9[%add3A_146, %dma_start3A_153] : memref<256x32xf32, #tpu.memory_space<vmem>> -> memref<1x32xf32, #tpu.memory_space<vmem>>
      %dma_start3A_155 = arith.constant 0 : i32
      %dma_start3A_156 = tpu.memref_slice %arg4[%squeeze3A_148, %dma_start3A_155] : memref<1000000x32xf32, #tpu.memory_space<hbm>> -> memref<1x32xf32, #tpu.memory_space<hbm>>
      tpu.enqueue_dma source(%dma_start3A_156 : memref<1x32xf32, #tpu.memory_space<hbm>>) target(%dma_start3A_154 : memref<1x32xf32, #tpu.memory_space<vmem>>) target_semaphore(%arg12 : memref<!tpu.dma_semaphore, #tpu.memory_space<semaphore_mem>>)
      %slice3A_157 = vector.extract_strided_slice %get3A_49 {offsets = [4], sizes = [1], strides = [1]} : vector<16xi32> to vector<1xi32>
      %squeeze3A_158 = vector.extract %slice3A_157[0] : i32 from vector<1xi32>
      %dma_start3A_159 = arith.constant 0 : i32
      %dma_start3A_160 = tpu.memref_slice %arg10[%add3A_146, %dma_start3A_159] : memref<256x32xf32, #tpu.memory_space<vmem>> -> memref<1x32xf32, #tpu.memory_space<vmem>>
      %dma_start3A_161 = arith.constant 0 : i32
      %dma_start3A_162 = tpu.memref_slice %arg5[%squeeze3A_158, %dma_start3A_161] : memref<100000x32xf32, #tpu.memory_space<hbm>> -> memref<1x32xf32, #tpu.memory_space<hbm>>
      %dma_start3A_163 = arith.constant 0 : i32
      %dma_start3A_164 = tpu.memref_slice %arg10[%add3A_146, %dma_start3A_163] : memref<256x32xf32, #tpu.memory_space<vmem>> -> memref<1x32xf32, #tpu.memory_space<vmem>>
      %dma_start3A_165 = arith.constant 0 : i32
      %dma_start3A_166 = tpu.memref_slice %arg5[%squeeze3A_158, %dma_start3A_165] : memref<100000x32xf32, #tpu.memory_space<hbm>> -> memref<1x32xf32, #tpu.memory_space<hbm>>
      tpu.enqueue_dma source(%dma_start3A_166 : memref<1x32xf32, #tpu.memory_space<hbm>>) target(%dma_start3A_164 : memref<1x32xf32, #tpu.memory_space<vmem>>) target_semaphore(%arg13 : memref<!tpu.dma_semaphore, #tpu.memory_space<semaphore_mem>>)
      %mul3A_167 = arith.constant 16 : i32
      %mul3A_168 = arith.muli %scan3A_38, %mul3A_167 : i32
      %add3A_169 = arith.constant 5 : i32
      %add3A_170 = arith.addi %mul3A_168, %add3A_169 : i32
      %slice3A_171 = vector.extract_strided_slice %get3A_43 {offsets = [5], sizes = [1], strides = [1]} : vector<16xi32> to vector<1xi32>
      %squeeze3A_172 = vector.extract %slice3A_171[0] : i32 from vector<1xi32>
      %dma_start3A_173 = arith.constant 0 : i32
      %dma_start3A_174 = tpu.memref_slice %arg9[%add3A_170, %dma_start3A_173] : memref<256x32xf32, #tpu.memory_space<vmem>> -> memref<1x32xf32, #tpu.memory_space<vmem>>
      %dma_start3A_175 = arith.constant 0 : i32
      %dma_start3A_176 = tpu.memref_slice %arg4[%squeeze3A_172, %dma_start3A_175] : memref<1000000x32xf32, #tpu.memory_space<hbm>> -> memref<1x32xf32, #tpu.memory_space<hbm>>
      %dma_start3A_177 = arith.constant 0 : i32
      %dma_start3A_178 = tpu.memref_slice %arg9[%add3A_170, %dma_start3A_177] : memref<256x32xf32, #tpu.memory_space<vmem>> -> memref<1x32xf32, #tpu.memory_space<vmem>>
      %dma_start3A_179 = arith.constant 0 : i32
      %dma_start3A_180 = tpu.memref_slice %arg4[%squeeze3A_172, %dma_start3A_179] : memref<1000000x32xf32, #tpu.memory_space<hbm>> -> memref<1x32xf32, #tpu.memory_space<hbm>>
      tpu.enqueue_dma source(%dma_start3A_180 : memref<1x32xf32, #tpu.memory_space<hbm>>) target(%dma_start3A_178 : memref<1x32xf32, #tpu.memory_space<vmem>>) target_semaphore(%arg12 : memref<!tpu.dma_semaphore, #tpu.memory_space<semaphore_mem>>)
      %slice3A_181 = vector.extract_strided_slice %get3A_49 {offsets = [5], sizes = [1], strides = [1]} : vector<16xi32> to vector<1xi32>
      %squeeze3A_182 = vector.extract %slice3A_181[0] : i32 from vector<1xi32>
      %dma_start3A_183 = arith.constant 0 : i32
      %dma_start3A_184 = tpu.memref_slice %arg10[%add3A_170, %dma_start3A_183] : memref<256x32xf32, #tpu.memory_space<vmem>> -> memref<1x32xf32, #tpu.memory_space<vmem>>
      %dma_start3A_185 = arith.constant 0 : i32
      %dma_start3A_186 = tpu.memref_slice %arg5[%squeeze3A_182, %dma_start3A_185] : memref<100000x32xf32, #tpu.memory_space<hbm>> -> memref<1x32xf32, #tpu.memory_space<hbm>>
      %dma_start3A_187 = arith.constant 0 : i32
      %dma_start3A_188 = tpu.memref_slice %arg10[%add3A_170, %dma_start3A_187] : memref<256x32xf32, #tpu.memory_space<vmem>> -> memref<1x32xf32, #tpu.memory_space<vmem>>
      %dma_start3A_189 = arith.constant 0 : i32
      %dma_start3A_190 = tpu.memref_slice %arg5[%squeeze3A_182, %dma_start3A_189] : memref<100000x32xf32, #tpu.memory_space<hbm>> -> memref<1x32xf32, #tpu.memory_space<hbm>>
      tpu.enqueue_dma source(%dma_start3A_190 : memref<1x32xf32, #tpu.memory_space<hbm>>) target(%dma_start3A_188 : memref<1x32xf32, #tpu.memory_space<vmem>>) target_semaphore(%arg13 : memref<!tpu.dma_semaphore, #tpu.memory_space<semaphore_mem>>)
      %mul3A_191 = arith.constant 16 : i32
      %mul3A_192 = arith.muli %scan3A_38, %mul3A_191 : i32
      %add3A_193 = arith.constant 6 : i32
      %add3A_194 = arith.addi %mul3A_192, %add3A_193 : i32
      %slice3A_195 = vector.extract_strided_slice %get3A_43 {offsets = [6], sizes = [1], strides = [1]} : vector<16xi32> to vector<1xi32>
      %squeeze3A_196 = vector.extract %slice3A_195[0] : i32 from vector<1xi32>
      %dma_start3A_197 = arith.constant 0 : i32
      %dma_start3A_198 = tpu.memref_slice %arg9[%add3A_194, %dma_start3A_197] : memref<256x32xf32, #tpu.memory_space<vmem>> -> memref<1x32xf32, #tpu.memory_space<vmem>>
      %dma_start3A_199 = arith.constant 0 : i32
      %dma_start3A_200 = tpu.memref_slice %arg4[%squeeze3A_196, %dma_start3A_199] : memref<1000000x32xf32, #tpu.memory_space<hbm>> -> memref<1x32xf32, #tpu.memory_space<hbm>>
      %dma_start3A_201 = arith.constant 0 : i32
      %dma_start3A_202 = tpu.memref_slice %arg9[%add3A_194, %dma_start3A_201] : memref<256x32xf32, #tpu.memory_space<vmem>> -> memref<1x32xf32, #tpu.memory_space<vmem>>
      %dma_start3A_203 = arith.constant 0 : i32
      %dma_start3A_204 = tpu.memref_slice %arg4[%squeeze3A_196, %dma_start3A_203] : memref<1000000x32xf32, #tpu.memory_space<hbm>> -> memref<1x32xf32, #tpu.memory_space<hbm>>
      tpu.enqueue_dma source(%dma_start3A_204 : memref<1x32xf32, #tpu.memory_space<hbm>>) target(%dma_start3A_202 : memref<1x32xf32, #tpu.memory_space<vmem>>) target_semaphore(%arg12 : memref<!tpu.dma_semaphore, #tpu.memory_space<semaphore_mem>>)
      %slice3A_205 = vector.extract_strided_slice %get3A_49 {offsets = [6], sizes = [1], strides = [1]} : vector<16xi32> to vector<1xi32>
      %squeeze3A_206 = vector.extract %slice3A_205[0] : i32 from vector<1xi32>
      %dma_start3A_207 = arith.constant 0 : i32
      %dma_start3A_208 = tpu.memref_slice %arg10[%add3A_194, %dma_start3A_207] : memref<256x32xf32, #tpu.memory_space<vmem>> -> memref<1x32xf32, #tpu.memory_space<vmem>>
      %dma_start3A_209 = arith.constant 0 : i32
      %dma_start3A_210 = tpu.memref_slice %arg5[%squeeze3A_206, %dma_start3A_209] : memref<100000x32xf32, #tpu.memory_space<hbm>> -> memref<1x32xf32, #tpu.memory_space<hbm>>
      %dma_start3A_211 = arith.constant 0 : i32
      %dma_start3A_212 = tpu.memref_slice %arg10[%add3A_194, %dma_start3A_211] : memref<256x32xf32, #tpu.memory_space<vmem>> -> memref<1x32xf32, #tpu.memory_space<vmem>>
      %dma_start3A_213 = arith.constant 0 : i32
      %dma_start3A_214 = tpu.memref_slice %arg5[%squeeze3A_206, %dma_start3A_213] : memref<100000x32xf32, #tpu.memory_space<hbm>> -> memref<1x32xf32, #tpu.memory_space<hbm>>
      tpu.enqueue_dma source(%dma_start3A_214 : memref<1x32xf32, #tpu.memory_space<hbm>>) target(%dma_start3A_212 : memref<1x32xf32, #tpu.memory_space<vmem>>) target_semaphore(%arg13 : memref<!tpu.dma_semaphore, #tpu.memory_space<semaphore_mem>>)
      %mul3A_215 = arith.constant 16 : i32
      %mul3A_216 = arith.muli %scan3A_38, %mul3A_215 : i32
      %add3A_217 = arith.constant 7 : i32
      %add3A_218 = arith.addi %mul3A_216, %add3A_217 : i32
      %slice3A_219 = vector.extract_strided_slice %get3A_43 {offsets = [7], sizes = [1], strides = [1]} : vector<16xi32> to vector<1xi32>
      %squeeze3A_220 = vector.extract %slice3A_219[0] : i32 from vector<1xi32>
      %dma_start3A_221 = arith.constant 0 : i32
      %dma_start3A_222 = tpu.memref_slice %arg9[%add3A_218, %dma_start3A_221] : memref<256x32xf32, #tpu.memory_space<vmem>> -> memref<1x32xf32, #tpu.memory_space<vmem>>
      %dma_start3A_223 = arith.constant 0 : i32
      %dma_start3A_224 = tpu.memref_slice %arg4[%squeeze3A_220, %dma_start3A_223] : memref<1000000x32xf32, #tpu.memory_space<hbm>> -> memref<1x32xf32, #tpu.memory_space<hbm>>
      %dma_start3A_225 = arith.constant 0 : i32
      %dma_start3A_226 = tpu.memref_slice %arg9[%add3A_218, %dma_start3A_225] : memref<256x32xf32, #tpu.memory_space<vmem>> -> memref<1x32xf32, #tpu.memory_space<vmem>>
      %dma_start3A_227 = arith.constant 0 : i32
      %dma_start3A_228 = tpu.memref_slice %arg4[%squeeze3A_220, %dma_start3A_227] : memref<1000000x32xf32, #tpu.memory_space<hbm>> -> memref<1x32xf32, #tpu.memory_space<hbm>>
      tpu.enqueue_dma source(%dma_start3A_228 : memref<1x32xf32, #tpu.memory_space<hbm>>) target(%dma_start3A_226 : memref<1x32xf32, #tpu.memory_space<vmem>>) target_semaphore(%arg12 : memref<!tpu.dma_semaphore, #tpu.memory_space<semaphore_mem>>)
      %slice3A_229 = vector.extract_strided_slice %get3A_49 {offsets = [7], sizes = [1], strides = [1]} : vector<16xi32> to vector<1xi32>
      %squeeze3A_230 = vector.extract %slice3A_229[0] : i32 from vector<1xi32>
      %dma_start3A_231 = arith.constant 0 : i32
      %dma_start3A_232 = tpu.memref_slice %arg10[%add3A_218, %dma_start3A_231] : memref<256x32xf32, #tpu.memory_space<vmem>> -> memref<1x32xf32, #tpu.memory_space<vmem>>
      %dma_start3A_233 = arith.constant 0 : i32
      %dma_start3A_234 = tpu.memref_slice %arg5[%squeeze3A_230, %dma_start3A_233] : memref<100000x32xf32, #tpu.memory_space<hbm>> -> memref<1x32xf32, #tpu.memory_space<hbm>>
      %dma_start3A_235 = arith.constant 0 : i32
      %dma_start3A_236 = tpu.memref_slice %arg10[%add3A_218, %dma_start3A_235] : memref<256x32xf32, #tpu.memory_space<vmem>> -> memref<1x32xf32, #tpu.memory_space<vmem>>
      %dma_start3A_237 = arith.constant 0 : i32
      %dma_start3A_238 = tpu.memref_slice %arg5[%squeeze3A_230, %dma_start3A_237] : memref<100000x32xf32, #tpu.memory_space<hbm>> -> memref<1x32xf32, #tpu.memory_space<hbm>>
      tpu.enqueue_dma source(%dma_start3A_238 : memref<1x32xf32, #tpu.memory_space<hbm>>) target(%dma_start3A_236 : memref<1x32xf32, #tpu.memory_space<vmem>>) target_semaphore(%arg13 : memref<!tpu.dma_semaphore, #tpu.memory_space<semaphore_mem>>)
      %mul3A_239 = arith.constant 16 : i32
      %mul3A_240 = arith.muli %scan3A_38, %mul3A_239 : i32
      %add3A_241 = arith.constant 8 : i32
      %add3A_242 = arith.addi %mul3A_240, %add3A_241 : i32
      %slice3A_243 = vector.extract_strided_slice %get3A_43 {offsets = [8], sizes = [1], strides = [1]} : vector<16xi32> to vector<1xi32>
      %squeeze3A_244 = vector.extract %slice3A_243[0] : i32 from vector<1xi32>
      %dma_start3A_245 = arith.constant 0 : i32
      %dma_start3A_246 = tpu.memref_slice %arg9[%add3A_242, %dma_start3A_245] : memref<256x32xf32, #tpu.memory_space<vmem>> -> memref<1x32xf32, #tpu.memory_space<vmem>>
      %dma_start3A_247 = arith.constant 0 : i32
      %dma_start3A_248 = tpu.memref_slice %arg4[%squeeze3A_244, %dma_start3A_247] : memref<1000000x32xf32, #tpu.memory_space<hbm>> -> memref<1x32xf32, #tpu.memory_space<hbm>>
      %dma_start3A_249 = arith.constant 0 : i32
      %dma_start3A_250 = tpu.memref_slice %arg9[%add3A_242, %dma_start3A_249] : memref<256x32xf32, #tpu.memory_space<vmem>> -> memref<1x32xf32, #tpu.memory_space<vmem>>
      %dma_start3A_251 = arith.constant 0 : i32
      %dma_start3A_252 = tpu.memref_slice %arg4[%squeeze3A_244, %dma_start3A_251] : memref<1000000x32xf32, #tpu.memory_space<hbm>> -> memref<1x32xf32, #tpu.memory_space<hbm>>
      tpu.enqueue_dma source(%dma_start3A_252 : memref<1x32xf32, #tpu.memory_space<hbm>>) target(%dma_start3A_250 : memref<1x32xf32, #tpu.memory_space<vmem>>) target_semaphore(%arg12 : memref<!tpu.dma_semaphore, #tpu.memory_space<semaphore_mem>>)
      %slice3A_253 = vector.extract_strided_slice %get3A_49 {offsets = [8], sizes = [1], strides = [1]} : vector<16xi32> to vector<1xi32>
      %squeeze3A_254 = vector.extract %slice3A_253[0] : i32 from vector<1xi32>
      %dma_start3A_255 = arith.constant 0 : i32
      %dma_start3A_256 = tpu.memref_slice %arg10[%add3A_242, %dma_start3A_255] : memref<256x32xf32, #tpu.memory_space<vmem>> -> memref<1x32xf32, #tpu.memory_space<vmem>>
      %dma_start3A_257 = arith.constant 0 : i32
      %dma_start3A_258 = tpu.memref_slice %arg5[%squeeze3A_254, %dma_start3A_257] : memref<100000x32xf32, #tpu.memory_space<hbm>> -> memref<1x32xf32, #tpu.memory_space<hbm>>
      %dma_start3A_259 = arith.constant 0 : i32
      %dma_start3A_260 = tpu.memref_slice %arg10[%add3A_242, %dma_start3A_259] : memref<256x32xf32, #tpu.memory_space<vmem>> -> memref<1x32xf32, #tpu.memory_space<vmem>>
      %dma_start3A_261 = arith.constant 0 : i32
      %dma_start3A_262 = tpu.memref_slice %arg5[%squeeze3A_254, %dma_start3A_261] : memref<100000x32xf32, #tpu.memory_space<hbm>> -> memref<1x32xf32, #tpu.memory_space<hbm>>
      tpu.enqueue_dma source(%dma_start3A_262 : memref<1x32xf32, #tpu.memory_space<hbm>>) target(%dma_start3A_260 : memref<1x32xf32, #tpu.memory_space<vmem>>) target_semaphore(%arg13 : memref<!tpu.dma_semaphore, #tpu.memory_space<semaphore_mem>>)
      %mul3A_263 = arith.constant 16 : i32
      %mul3A_264 = arith.muli %scan3A_38, %mul3A_263 : i32
      %add3A_265 = arith.constant 9 : i32
      %add3A_266 = arith.addi %mul3A_264, %add3A_265 : i32
      %slice3A_267 = vector.extract_strided_slice %get3A_43 {offsets = [9], sizes = [1], strides = [1]} : vector<16xi32> to vector<1xi32>
      %squeeze3A_268 = vector.extract %slice3A_267[0] : i32 from vector<1xi32>
      %dma_start3A_269 = arith.constant 0 : i32
      %dma_start3A_270 = tpu.memref_slice %arg9[%add3A_266, %dma_start3A_269] : memref<256x32xf32, #tpu.memory_space<vmem>> -> memref<1x32xf32, #tpu.memory_space<vmem>>
      %dma_start3A_271 = arith.constant 0 : i32
      %dma_start3A_272 = tpu.memref_slice %arg4[%squeeze3A_268, %dma_start3A_271] : memref<1000000x32xf32, #tpu.memory_space<hbm>> -> memref<1x32xf32, #tpu.memory_space<hbm>>
      %dma_start3A_273 = arith.constant 0 : i32
      %dma_start3A_274 = tpu.memref_slice %arg9[%add3A_266, %dma_start3A_273] : memref<256x32xf32, #tpu.memory_space<vmem>> -> memref<1x32xf32, #tpu.memory_space<vmem>>
      %dma_start3A_275 = arith.constant 0 : i32
      %dma_start3A_276 = tpu.memref_slice %arg4[%squeeze3A_268, %dma_start3A_275] : memref<1000000x32xf32, #tpu.memory_space<hbm>> -> memref<1x32xf32, #tpu.memory_space<hbm>>
      tpu.enqueue_dma source(%dma_start3A_276 : memref<1x32xf32, #tpu.memory_space<hbm>>) target(%dma_start3A_274 : memref<1x32xf32, #tpu.memory_space<vmem>>) target_semaphore(%arg12 : memref<!tpu.dma_semaphore, #tpu.memory_space<semaphore_mem>>)
      %slice3A_277 = vector.extract_strided_slice %get3A_49 {offsets = [9], sizes = [1], strides = [1]} : vector<16xi32> to vector<1xi32>
      %squeeze3A_278 = vector.extract %slice3A_277[0] : i32 from vector<1xi32>
      %dma_start3A_279 = arith.constant 0 : i32
      %dma_start3A_280 = tpu.memref_slice %arg10[%add3A_266, %dma_start3A_279] : memref<256x32xf32, #tpu.memory_space<vmem>> -> memref<1x32xf32, #tpu.memory_space<vmem>>
      %dma_start3A_281 = arith.constant 0 : i32
      %dma_start3A_282 = tpu.memref_slice %arg5[%squeeze3A_278, %dma_start3A_281] : memref<100000x32xf32, #tpu.memory_space<hbm>> -> memref<1x32xf32, #tpu.memory_space<hbm>>
      %dma_start3A_283 = arith.constant 0 : i32
      %dma_start3A_284 = tpu.memref_slice %arg10[%add3A_266, %dma_start3A_283] : memref<256x32xf32, #tpu.memory_space<vmem>> -> memref<1x32xf32, #tpu.memory_space<vmem>>
      %dma_start3A_285 = arith.constant 0 : i32
      %dma_start3A_286 = tpu.memref_slice %arg5[%squeeze3A_278, %dma_start3A_285] : memref<100000x32xf32, #tpu.memory_space<hbm>> -> memref<1x32xf32, #tpu.memory_space<hbm>>
      tpu.enqueue_dma source(%dma_start3A_286 : memref<1x32xf32, #tpu.memory_space<hbm>>) target(%dma_start3A_284 : memref<1x32xf32, #tpu.memory_space<vmem>>) target_semaphore(%arg13 : memref<!tpu.dma_semaphore, #tpu.memory_space<semaphore_mem>>)
      %mul3A_287 = arith.constant 16 : i32
      %mul3A_288 = arith.muli %scan3A_38, %mul3A_287 : i32
      %add3A_289 = arith.constant 10 : i32
      %add3A_290 = arith.addi %mul3A_288, %add3A_289 : i32
      %slice3A_291 = vector.extract_strided_slice %get3A_43 {offsets = [10], sizes = [1], strides = [1]} : vector<16xi32> to vector<1xi32>
      %squeeze3A_292 = vector.extract %slice3A_291[0] : i32 from vector<1xi32>
      %dma_start3A_293 = arith.constant 0 : i32
      %dma_start3A_294 = tpu.memref_slice %arg9[%add3A_290, %dma_start3A_293] : memref<256x32xf32, #tpu.memory_space<vmem>> -> memref<1x32xf32, #tpu.memory_space<vmem>>
      %dma_start3A_295 = arith.constant 0 : i32
      %dma_start3A_296 = tpu.memref_slice %arg4[%squeeze3A_292, %dma_start3A_295] : memref<1000000x32xf32, #tpu.memory_space<hbm>> -> memref<1x32xf32, #tpu.memory_space<hbm>>
      %dma_start3A_297 = arith.constant 0 : i32
      %dma_start3A_298 = tpu.memref_slice %arg9[%add3A_290, %dma_start3A_297] : memref<256x32xf32, #tpu.memory_space<vmem>> -> memref<1x32xf32, #tpu.memory_space<vmem>>
      %dma_start3A_299 = arith.constant 0 : i32
      %dma_start3A_300 = tpu.memref_slice %arg4[%squeeze3A_292, %dma_start3A_299] : memref<1000000x32xf32, #tpu.memory_space<hbm>> -> memref<1x32xf32, #tpu.memory_space<hbm>>
      tpu.enqueue_dma source(%dma_start3A_300 : memref<1x32xf32, #tpu.memory_space<hbm>>) target(%dma_start3A_298 : memref<1x32xf32, #tpu.memory_space<vmem>>) target_semaphore(%arg12 : memref<!tpu.dma_semaphore, #tpu.memory_space<semaphore_mem>>)
      %slice3A_301 = vector.extract_strided_slice %get3A_49 {offsets = [10], sizes = [1], strides = [1]} : vector<16xi32> to vector<1xi32>
      %squeeze3A_302 = vector.extract %slice3A_301[0] : i32 from vector<1xi32>
      %dma_start3A_303 = arith.constant 0 : i32
      %dma_start3A_304 = tpu.memref_slice %arg10[%add3A_290, %dma_start3A_303] : memref<256x32xf32, #tpu.memory_space<vmem>> -> memref<1x32xf32, #tpu.memory_space<vmem>>
      %dma_start3A_305 = arith.constant 0 : i32
      %dma_start3A_306 = tpu.memref_slice %arg5[%squeeze3A_302, %dma_start3A_305] : memref<100000x32xf32, #tpu.memory_space<hbm>> -> memref<1x32xf32, #tpu.memory_space<hbm>>
      %dma_start3A_307 = arith.constant 0 : i32
      %dma_start3A_308 = tpu.memref_slice %arg10[%add3A_290, %dma_start3A_307] : memref<256x32xf32, #tpu.memory_space<vmem>> -> memref<1x32xf32, #tpu.memory_space<vmem>>
      %dma_start3A_309 = arith.constant 0 : i32
      %dma_start3A_310 = tpu.memref_slice %arg5[%squeeze3A_302, %dma_start3A_309] : memref<100000x32xf32, #tpu.memory_space<hbm>> -> memref<1x32xf32, #tpu.memory_space<hbm>>
      tpu.enqueue_dma source(%dma_start3A_310 : memref<1x32xf32, #tpu.memory_space<hbm>>) target(%dma_start3A_308 : memref<1x32xf32, #tpu.memory_space<vmem>>) target_semaphore(%arg13 : memref<!tpu.dma_semaphore, #tpu.memory_space<semaphore_mem>>)
      %mul3A_311 = arith.constant 16 : i32
      %mul3A_312 = arith.muli %scan3A_38, %mul3A_311 : i32
      %add3A_313 = arith.constant 11 : i32
      %add3A_314 = arith.addi %mul3A_312, %add3A_313 : i32
      %slice3A_315 = vector.extract_strided_slice %get3A_43 {offsets = [11], sizes = [1], strides = [1]} : vector<16xi32> to vector<1xi32>
      %squeeze3A_316 = vector.extract %slice3A_315[0] : i32 from vector<1xi32>
      %dma_start3A_317 = arith.constant 0 : i32
      %dma_start3A_318 = tpu.memref_slice %arg9[%add3A_314, %dma_start3A_317] : memref<256x32xf32, #tpu.memory_space<vmem>> -> memref<1x32xf32, #tpu.memory_space<vmem>>
      %dma_start3A_319 = arith.constant 0 : i32
      %dma_start3A_320 = tpu.memref_slice %arg4[%squeeze3A_316, %dma_start3A_319] : memref<1000000x32xf32, #tpu.memory_space<hbm>> -> memref<1x32xf32, #tpu.memory_space<hbm>>
      %dma_start3A_321 = arith.constant 0 : i32
      %dma_start3A_322 = tpu.memref_slice %arg9[%add3A_314, %dma_start3A_321] : memref<256x32xf32, #tpu.memory_space<vmem>> -> memref<1x32xf32, #tpu.memory_space<vmem>>
      %dma_start3A_323 = arith.constant 0 : i32
      %dma_start3A_324 = tpu.memref_slice %arg4[%squeeze3A_316, %dma_start3A_323] : memref<1000000x32xf32, #tpu.memory_space<hbm>> -> memref<1x32xf32, #tpu.memory_space<hbm>>
      tpu.enqueue_dma source(%dma_start3A_324 : memref<1x32xf32, #tpu.memory_space<hbm>>) target(%dma_start3A_322 : memref<1x32xf32, #tpu.memory_space<vmem>>) target_semaphore(%arg12 : memref<!tpu.dma_semaphore, #tpu.memory_space<semaphore_mem>>)
      %slice3A_325 = vector.extract_strided_slice %get3A_49 {offsets = [11], sizes = [1], strides = [1]} : vector<16xi32> to vector<1xi32>
      %squeeze3A_326 = vector.extract %slice3A_325[0] : i32 from vector<1xi32>
      %dma_start3A_327 = arith.constant 0 : i32
      %dma_start3A_328 = tpu.memref_slice %arg10[%add3A_314, %dma_start3A_327] : memref<256x32xf32, #tpu.memory_space<vmem>> -> memref<1x32xf32, #tpu.memory_space<vmem>>
      %dma_start3A_329 = arith.constant 0 : i32
      %dma_start3A_330 = tpu.memref_slice %arg5[%squeeze3A_326, %dma_start3A_329] : memref<100000x32xf32, #tpu.memory_space<hbm>> -> memref<1x32xf32, #tpu.memory_space<hbm>>
      %dma_start3A_331 = arith.constant 0 : i32
      %dma_start3A_332 = tpu.memref_slice %arg10[%add3A_314, %dma_start3A_331] : memref<256x32xf32, #tpu.memory_space<vmem>> -> memref<1x32xf32, #tpu.memory_space<vmem>>
      %dma_start3A_333 = arith.constant 0 : i32
      %dma_start3A_334 = tpu.memref_slice %arg5[%squeeze3A_326, %dma_start3A_333] : memref<100000x32xf32, #tpu.memory_space<hbm>> -> memref<1x32xf32, #tpu.memory_space<hbm>>
      tpu.enqueue_dma source(%dma_start3A_334 : memref<1x32xf32, #tpu.memory_space<hbm>>) target(%dma_start3A_332 : memref<1x32xf32, #tpu.memory_space<vmem>>) target_semaphore(%arg13 : memref<!tpu.dma_semaphore, #tpu.memory_space<semaphore_mem>>)
      %mul3A_335 = arith.constant 16 : i32
      %mul3A_336 = arith.muli %scan3A_38, %mul3A_335 : i32
      %add3A_337 = arith.constant 12 : i32
      %add3A_338 = arith.addi %mul3A_336, %add3A_337 : i32
      %slice3A_339 = vector.extract_strided_slice %get3A_43 {offsets = [12], sizes = [1], strides = [1]} : vector<16xi32> to vector<1xi32>
      %squeeze3A_340 = vector.extract %slice3A_339[0] : i32 from vector<1xi32>
      %dma_start3A_341 = arith.constant 0 : i32
      %dma_start3A_342 = tpu.memref_slice %arg9[%add3A_338, %dma_start3A_341] : memref<256x32xf32, #tpu.memory_space<vmem>> -> memref<1x32xf32, #tpu.memory_space<vmem>>
      %dma_start3A_343 = arith.constant 0 : i32
      %dma_start3A_344 = tpu.memref_slice %arg4[%squeeze3A_340, %dma_start3A_343] : memref<1000000x32xf32, #tpu.memory_space<hbm>> -> memref<1x32xf32, #tpu.memory_space<hbm>>
      %dma_start3A_345 = arith.constant 0 : i32
      %dma_start3A_346 = tpu.memref_slice %arg9[%add3A_338, %dma_start3A_345] : memref<256x32xf32, #tpu.memory_space<vmem>> -> memref<1x32xf32, #tpu.memory_space<vmem>>
      %dma_start3A_347 = arith.constant 0 : i32
      %dma_start3A_348 = tpu.memref_slice %arg4[%squeeze3A_340, %dma_start3A_347] : memref<1000000x32xf32, #tpu.memory_space<hbm>> -> memref<1x32xf32, #tpu.memory_space<hbm>>
      tpu.enqueue_dma source(%dma_start3A_348 : memref<1x32xf32, #tpu.memory_space<hbm>>) target(%dma_start3A_346 : memref<1x32xf32, #tpu.memory_space<vmem>>) target_semaphore(%arg12 : memref<!tpu.dma_semaphore, #tpu.memory_space<semaphore_mem>>)
      %slice3A_349 = vector.extract_strided_slice %get3A_49 {offsets = [12], sizes = [1], strides = [1]} : vector<16xi32> to vector<1xi32>
      %squeeze3A_350 = vector.extract %slice3A_349[0] : i32 from vector<1xi32>
      %dma_start3A_351 = arith.constant 0 : i32
      %dma_start3A_352 = tpu.memref_slice %arg10[%add3A_338, %dma_start3A_351] : memref<256x32xf32, #tpu.memory_space<vmem>> -> memref<1x32xf32, #tpu.memory_space<vmem>>
      %dma_start3A_353 = arith.constant 0 : i32
      %dma_start3A_354 = tpu.memref_slice %arg5[%squeeze3A_350, %dma_start3A_353] : memref<100000x32xf32, #tpu.memory_space<hbm>> -> memref<1x32xf32, #tpu.memory_space<hbm>>
      %dma_start3A_355 = arith.constant 0 : i32
      %dma_start3A_356 = tpu.memref_slice %arg10[%add3A_338, %dma_start3A_355] : memref<256x32xf32, #tpu.memory_space<vmem>> -> memref<1x32xf32, #tpu.memory_space<vmem>>
      %dma_start3A_357 = arith.constant 0 : i32
      %dma_start3A_358 = tpu.memref_slice %arg5[%squeeze3A_350, %dma_start3A_357] : memref<100000x32xf32, #tpu.memory_space<hbm>> -> memref<1x32xf32, #tpu.memory_space<hbm>>
      tpu.enqueue_dma source(%dma_start3A_358 : memref<1x32xf32, #tpu.memory_space<hbm>>) target(%dma_start3A_356 : memref<1x32xf32, #tpu.memory_space<vmem>>) target_semaphore(%arg13 : memref<!tpu.dma_semaphore, #tpu.memory_space<semaphore_mem>>)
      %mul3A_359 = arith.constant 16 : i32
      %mul3A_360 = arith.muli %scan3A_38, %mul3A_359 : i32
      %add3A_361 = arith.constant 13 : i32
      %add3A_362 = arith.addi %mul3A_360, %add3A_361 : i32
      %slice3A_363 = vector.extract_strided_slice %get3A_43 {offsets = [13], sizes = [1], strides = [1]} : vector<16xi32> to vector<1xi32>
      %squeeze3A_364 = vector.extract %slice3A_363[0] : i32 from vector<1xi32>
      %dma_start3A_365 = arith.constant 0 : i32
      %dma_start3A_366 = tpu.memref_slice %arg9[%add3A_362, %dma_start3A_365] : memref<256x32xf32, #tpu.memory_space<vmem>> -> memref<1x32xf32, #tpu.memory_space<vmem>>
      %dma_start3A_367 = arith.constant 0 : i32
      %dma_start3A_368 = tpu.memref_slice %arg4[%squeeze3A_364, %dma_start3A_367] : memref<1000000x32xf32, #tpu.memory_space<hbm>> -> memref<1x32xf32, #tpu.memory_space<hbm>>
      %dma_start3A_369 = arith.constant 0 : i32
      %dma_start3A_370 = tpu.memref_slice %arg9[%add3A_362, %dma_start3A_369] : memref<256x32xf32, #tpu.memory_space<vmem>> -> memref<1x32xf32, #tpu.memory_space<vmem>>
      %dma_start3A_371 = arith.constant 0 : i32
      %dma_start3A_372 = tpu.memref_slice %arg4[%squeeze3A_364, %dma_start3A_371] : memref<1000000x32xf32, #tpu.memory_space<hbm>> -> memref<1x32xf32, #tpu.memory_space<hbm>>
      tpu.enqueue_dma source(%dma_start3A_372 : memref<1x32xf32, #tpu.memory_space<hbm>>) target(%dma_start3A_370 : memref<1x32xf32, #tpu.memory_space<vmem>>) target_semaphore(%arg12 : memref<!tpu.dma_semaphore, #tpu.memory_space<semaphore_mem>>)
      %slice3A_373 = vector.extract_strided_slice %get3A_49 {offsets = [13], sizes = [1], strides = [1]} : vector<16xi32> to vector<1xi32>
      %squeeze3A_374 = vector.extract %slice3A_373[0] : i32 from vector<1xi32>
      %dma_start3A_375 = arith.constant 0 : i32
      %dma_start3A_376 = tpu.memref_slice %arg10[%add3A_362, %dma_start3A_375] : memref<256x32xf32, #tpu.memory_space<vmem>> -> memref<1x32xf32, #tpu.memory_space<vmem>>
      %dma_start3A_377 = arith.constant 0 : i32
      %dma_start3A_378 = tpu.memref_slice %arg5[%squeeze3A_374, %dma_start3A_377] : memref<100000x32xf32, #tpu.memory_space<hbm>> -> memref<1x32xf32, #tpu.memory_space<hbm>>
      %dma_start3A_379 = arith.constant 0 : i32
      %dma_start3A_380 = tpu.memref_slice %arg10[%add3A_362, %dma_start3A_379] : memref<256x32xf32, #tpu.memory_space<vmem>> -> memref<1x32xf32, #tpu.memory_space<vmem>>
      %dma_start3A_381 = arith.constant 0 : i32
      %dma_start3A_382 = tpu.memref_slice %arg5[%squeeze3A_374, %dma_start3A_381] : memref<100000x32xf32, #tpu.memory_space<hbm>> -> memref<1x32xf32, #tpu.memory_space<hbm>>
      tpu.enqueue_dma source(%dma_start3A_382 : memref<1x32xf32, #tpu.memory_space<hbm>>) target(%dma_start3A_380 : memref<1x32xf32, #tpu.memory_space<vmem>>) target_semaphore(%arg13 : memref<!tpu.dma_semaphore, #tpu.memory_space<semaphore_mem>>)
      %mul3A_383 = arith.constant 16 : i32
      %mul3A_384 = arith.muli %scan3A_38, %mul3A_383 : i32
      %add3A_385 = arith.constant 14 : i32
      %add3A_386 = arith.addi %mul3A_384, %add3A_385 : i32
      %slice3A_387 = vector.extract_strided_slice %get3A_43 {offsets = [14], sizes = [1], strides = [1]} : vector<16xi32> to vector<1xi32>
      %squeeze3A_388 = vector.extract %slice3A_387[0] : i32 from vector<1xi32>
      %dma_start3A_389 = arith.constant 0 : i32
      %dma_start3A_390 = tpu.memref_slice %arg9[%add3A_386, %dma_start3A_389] : memref<256x32xf32, #tpu.memory_space<vmem>> -> memref<1x32xf32, #tpu.memory_space<vmem>>
      %dma_start3A_391 = arith.constant 0 : i32
      %dma_start3A_392 = tpu.memref_slice %arg4[%squeeze3A_388, %dma_start3A_391] : memref<1000000x32xf32, #tpu.memory_space<hbm>> -> memref<1x32xf32, #tpu.memory_space<hbm>>
      %dma_start3A_393 = arith.constant 0 : i32
      %dma_start3A_394 = tpu.memref_slice %arg9[%add3A_386, %dma_start3A_393] : memref<256x32xf32, #tpu.memory_space<vmem>> -> memref<1x32xf32, #tpu.memory_space<vmem>>
      %dma_start3A_395 = arith.constant 0 : i32
      %dma_start3A_396 = tpu.memref_slice %arg4[%squeeze3A_388, %dma_start3A_395] : memref<1000000x32xf32, #tpu.memory_space<hbm>> -> memref<1x32xf32, #tpu.memory_space<hbm>>
      tpu.enqueue_dma source(%dma_start3A_396 : memref<1x32xf32, #tpu.memory_space<hbm>>) target(%dma_start3A_394 : memref<1x32xf32, #tpu.memory_space<vmem>>) target_semaphore(%arg12 : memref<!tpu.dma_semaphore, #tpu.memory_space<semaphore_mem>>)
      %slice3A_397 = vector.extract_strided_slice %get3A_49 {offsets = [14], sizes = [1], strides = [1]} : vector<16xi32> to vector<1xi32>
      %squeeze3A_398 = vector.extract %slice3A_397[0] : i32 from vector<1xi32>
      %dma_start3A_399 = arith.constant 0 : i32
      %dma_start3A_400 = tpu.memref_slice %arg10[%add3A_386, %dma_start3A_399] : memref<256x32xf32, #tpu.memory_space<vmem>> -> memref<1x32xf32, #tpu.memory_space<vmem>>
      %dma_start3A_401 = arith.constant 0 : i32
      %dma_start3A_402 = tpu.memref_slice %arg5[%squeeze3A_398, %dma_start3A_401] : memref<100000x32xf32, #tpu.memory_space<hbm>> -> memref<1x32xf32, #tpu.memory_space<hbm>>
      %dma_start3A_403 = arith.constant 0 : i32
      %dma_start3A_404 = tpu.memref_slice %arg10[%add3A_386, %dma_start3A_403] : memref<256x32xf32, #tpu.memory_space<vmem>> -> memref<1x32xf32, #tpu.memory_space<vmem>>
      %dma_start3A_405 = arith.constant 0 : i32
      %dma_start3A_406 = tpu.memref_slice %arg5[%squeeze3A_398, %dma_start3A_405] : memref<100000x32xf32, #tpu.memory_space<hbm>> -> memref<1x32xf32, #tpu.memory_space<hbm>>
      tpu.enqueue_dma source(%dma_start3A_406 : memref<1x32xf32, #tpu.memory_space<hbm>>) target(%dma_start3A_404 : memref<1x32xf32, #tpu.memory_space<vmem>>) target_semaphore(%arg13 : memref<!tpu.dma_semaphore, #tpu.memory_space<semaphore_mem>>)
      %mul3A_407 = arith.constant 16 : i32
      %mul3A_408 = arith.muli %scan3A_38, %mul3A_407 : i32
      %add3A_409 = arith.constant 15 : i32
      %add3A_410 = arith.addi %mul3A_408, %add3A_409 : i32
      %slice3A_411 = vector.extract_strided_slice %get3A_43 {offsets = [15], sizes = [1], strides = [1]} : vector<16xi32> to vector<1xi32>
      %squeeze3A_412 = vector.extract %slice3A_411[0] : i32 from vector<1xi32>
      %dma_start3A_413 = arith.constant 0 : i32
      %dma_start3A_414 = tpu.memref_slice %arg9[%add3A_410, %dma_start3A_413] : memref<256x32xf32, #tpu.memory_space<vmem>> -> memref<1x32xf32, #tpu.memory_space<vmem>>
      %dma_start3A_415 = arith.constant 0 : i32
      %dma_start3A_416 = tpu.memref_slice %arg4[%squeeze3A_412, %dma_start3A_415] : memref<1000000x32xf32, #tpu.memory_space<hbm>> -> memref<1x32xf32, #tpu.memory_space<hbm>>
      %dma_start3A_417 = arith.constant 0 : i32
      %dma_start3A_418 = tpu.memref_slice %arg9[%add3A_410, %dma_start3A_417] : memref<256x32xf32, #tpu.memory_space<vmem>> -> memref<1x32xf32, #tpu.memory_space<vmem>>
      %dma_start3A_419 = arith.constant 0 : i32
      %dma_start3A_420 = tpu.memref_slice %arg4[%squeeze3A_412, %dma_start3A_419] : memref<1000000x32xf32, #tpu.memory_space<hbm>> -> memref<1x32xf32, #tpu.memory_space<hbm>>
      tpu.enqueue_dma source(%dma_start3A_420 : memref<1x32xf32, #tpu.memory_space<hbm>>) target(%dma_start3A_418 : memref<1x32xf32, #tpu.memory_space<vmem>>) target_semaphore(%arg12 : memref<!tpu.dma_semaphore, #tpu.memory_space<semaphore_mem>>)
      %slice3A_421 = vector.extract_strided_slice %get3A_49 {offsets = [15], sizes = [1], strides = [1]} : vector<16xi32> to vector<1xi32>
      %squeeze3A_422 = vector.extract %slice3A_421[0] : i32 from vector<1xi32>
      %dma_start3A_423 = arith.constant 0 : i32
      %dma_start3A_424 = tpu.memref_slice %arg10[%add3A_410, %dma_start3A_423] : memref<256x32xf32, #tpu.memory_space<vmem>> -> memref<1x32xf32, #tpu.memory_space<vmem>>
      %dma_start3A_425 = arith.constant 0 : i32
      %dma_start3A_426 = tpu.memref_slice %arg5[%squeeze3A_422, %dma_start3A_425] : memref<100000x32xf32, #tpu.memory_space<hbm>> -> memref<1x32xf32, #tpu.memory_space<hbm>>
      %dma_start3A_427 = arith.constant 0 : i32
      %dma_start3A_428 = tpu.memref_slice %arg10[%add3A_410, %dma_start3A_427] : memref<256x32xf32, #tpu.memory_space<vmem>> -> memref<1x32xf32, #tpu.memory_space<vmem>>
      %dma_start3A_429 = arith.constant 0 : i32
      %dma_start3A_430 = tpu.memref_slice %arg5[%squeeze3A_422, %dma_start3A_429] : memref<100000x32xf32, #tpu.memory_space<hbm>> -> memref<1x32xf32, #tpu.memory_space<hbm>>
      tpu.enqueue_dma source(%dma_start3A_430 : memref<1x32xf32, #tpu.memory_space<hbm>>) target(%dma_start3A_428 : memref<1x32xf32, #tpu.memory_space<vmem>>) target_semaphore(%arg13 : memref<!tpu.dma_semaphore, #tpu.memory_space<semaphore_mem>>)
    }
    %scan3A_25 = arith.constant 16 : i32
    %scan3A_26 = arith.constant 0 : i32
    %scan3A_27 = arith.constant 0 : i32
    %scan3A_28 = arith.constant 256 : i32
    %scan3A_29 = arith.addi %scan3A_27, %scan3A_28 : i32
    %scan3A_30 = arith.constant 1 : i32
    scf.for %scan3A_38 = %scan3A_27 to %scan3A_29 step %scan3A_30  : i32 {
      %dma_wait3A = arith.constant 0 : i32
      %dma_wait3A_39 = arith.constant 0 : i32
      %dma_wait3A_40 = tpu.memref_slice %arg9[%dma_wait3A, %dma_wait3A_39] : memref<256x32xf32, #tpu.memory_space<vmem>> -> memref<1x32xf32, #tpu.memory_space<vmem>>
      %dma_wait3A_41 = arith.constant 0 : i32
      %dma_wait3A_42 = arith.constant 0 : i32
      %dma_wait3A_43 = tpu.memref_slice %arg4[%dma_wait3A_41, %dma_wait3A_42] : memref<1000000x32xf32, #tpu.memory_space<hbm>> -> memref<1x32xf32, #tpu.memory_space<hbm>>
      %dma_wait3A_44 = arith.constant 0 : i32
      %dma_wait3A_45 = arith.constant 0 : i32
      %dma_wait3A_46 = tpu.memref_slice %arg9[%dma_wait3A_44, %dma_wait3A_45] : memref<256x32xf32, #tpu.memory_space<vmem>> -> memref<1x32xf32, #tpu.memory_space<vmem>>
      %dma_wait3A_47 = arith.constant 0 : i32
      %dma_wait3A_48 = arith.constant 0 : i32
      %dma_wait3A_49 = tpu.memref_slice %arg4[%dma_wait3A_47, %dma_wait3A_48] : memref<1000000x32xf32, #tpu.memory_space<hbm>> -> memref<1x32xf32, #tpu.memory_space<hbm>>
      tpu.wait_dma2 semaphore(%arg12 : memref<!tpu.dma_semaphore, #tpu.memory_space<semaphore_mem>>) src(%dma_wait3A_49 : memref<1x32xf32, #tpu.memory_space<hbm>>) dst(%dma_wait3A_46 : memref<1x32xf32, #tpu.memory_space<vmem>>)
      %dma_wait3A_50 = arith.constant 0 : i32
      %dma_wait3A_51 = arith.constant 0 : i32
      %dma_wait3A_52 = tpu.memref_slice %arg10[%dma_wait3A_50, %dma_wait3A_51] : memref<256x32xf32, #tpu.memory_space<vmem>> -> memref<1x32xf32, #tpu.memory_space<vmem>>
      %dma_wait3A_53 = arith.constant 0 : i32
      %dma_wait3A_54 = arith.constant 0 : i32
      %dma_wait3A_55 = tpu.memref_slice %arg5[%dma_wait3A_53, %dma_wait3A_54] : memref<100000x32xf32, #tpu.memory_space<hbm>> -> memref<1x32xf32, #tpu.memory_space<hbm>>
      %dma_wait3A_56 = arith.constant 0 : i32
      %dma_wait3A_57 = arith.constant 0 : i32
      %dma_wait3A_58 = tpu.memref_slice %arg10[%dma_wait3A_56, %dma_wait3A_57] : memref<256x32xf32, #tpu.memory_space<vmem>> -> memref<1x32xf32, #tpu.memory_space<vmem>>
      %dma_wait3A_59 = arith.constant 0 : i32
      %dma_wait3A_60 = arith.constant 0 : i32
      %dma_wait3A_61 = tpu.memref_slice %arg5[%dma_wait3A_59, %dma_wait3A_60] : memref<100000x32xf32, #tpu.memory_space<hbm>> -> memref<1x32xf32, #tpu.memory_space<hbm>>
      tpu.wait_dma2 semaphore(%arg13 : memref<!tpu.dma_semaphore, #tpu.memory_space<semaphore_mem>>) src(%dma_wait3A_61 : memref<1x32xf32, #tpu.memory_space<hbm>>) dst(%dma_wait3A_58 : memref<1x32xf32, #tpu.memory_space<vmem>>)
    }
    %scan3A_31 = arith.constant 256 : i32
    %scan3A_32 = arith.constant 0 : i32
    %scan3A_33 = arith.constant 0 : i32
    %scan3A_34 = arith.constant 16 : i32
    %scan3A_35 = arith.addi %scan3A_33, %scan3A_34 : i32
    %scan3A_36 = arith.constant 1 : i32
    scf.for %scan3A_38 = %scan3A_33 to %scan3A_35 step %scan3A_36  : i32 {
      %mul3A_39 = arith.constant 16 : i32
      %mul3A_40 = arith.muli %scan3A_38, %mul3A_39 : i32
      %add3A_41 = vector.broadcast %mul3A_40 : i32 to vector<16xi32>
      %add3A_42 = arith.addi %add3A_41, %iota3A : vector<16xi32>
      %broadcast_in_dim3A = arith.constant 0.000000e+00 : f32
      %broadcast_in_dim3A_43 = vector.broadcast %broadcast_in_dim3A : f32 to vector<16xf32>
      %broadcast_in_dim3A_44 = arith.constant 0 : i32
      %broadcast_in_dim3A_45 = vector.broadcast %broadcast_in_dim3A_44 : i32 to vector<16xi32>
      %gather3A = tpu.vector_load_idx %arg9[%add3A_42, %broadcast_in_dim3A_45] : memref<256x32xf32, #tpu.memory_space<vmem>>[vector<16xi32>, vector<16xi32>], vector<16xf32>,
      %gather3A_46 = tpu.vector_load_idx %arg10[%add3A_42, %broadcast_in_dim3A_45] : memref<256x32xf32, #tpu.memory_space<vmem>>[vector<16xi32>, vector<16xi32>], vector<16xf32>,
      %mul3A_47 = arith.mulf %gather3A, %gather3A_46 : vector<16xf32>
      %add3A_48 = arith.addf %broadcast_in_dim3A_43, %mul3A_47 : vector<16xf32>
      %broadcast_in_dim3A_49 = arith.constant 1 : i32
      %broadcast_in_dim3A_50 = vector.broadcast %broadcast_in_dim3A_49 : i32 to vector<16xi32>
      %gather3A_51 = tpu.vector_load_idx %arg9[%add3A_42, %broadcast_in_dim3A_50] : memref<256x32xf32, #tpu.memory_space<vmem>>[vector<16xi32>, vector<16xi32>], vector<16xf32>,
      %gather3A_52 = tpu.vector_load_idx %arg10[%add3A_42, %broadcast_in_dim3A_50] : memref<256x32xf32, #tpu.memory_space<vmem>>[vector<16xi32>, vector<16xi32>], vector<16xf32>,
      %mul3A_53 = arith.mulf %gather3A_51, %gather3A_52 : vector<16xf32>
      %add3A_54 = arith.addf %add3A_48, %mul3A_53 : vector<16xf32>
      %broadcast_in_dim3A_55 = arith.constant 2 : i32
      %broadcast_in_dim3A_56 = vector.broadcast %broadcast_in_dim3A_55 : i32 to vector<16xi32>
      %gather3A_57 = tpu.vector_load_idx %arg9[%add3A_42, %broadcast_in_dim3A_56] : memref<256x32xf32, #tpu.memory_space<vmem>>[vector<16xi32>, vector<16xi32>], vector<16xf32>,
      %gather3A_58 = tpu.vector_load_idx %arg10[%add3A_42, %broadcast_in_dim3A_56] : memref<256x32xf32, #tpu.memory_space<vmem>>[vector<16xi32>, vector<16xi32>], vector<16xf32>,
      %mul3A_59 = arith.mulf %gather3A_57, %gather3A_58 : vector<16xf32>
      %add3A_60 = arith.addf %add3A_54, %mul3A_59 : vector<16xf32>
      %broadcast_in_dim3A_61 = arith.constant 3 : i32
      %broadcast_in_dim3A_62 = vector.broadcast %broadcast_in_dim3A_61 : i32 to vector<16xi32>
      %gather3A_63 = tpu.vector_load_idx %arg9[%add3A_42, %broadcast_in_dim3A_62] : memref<256x32xf32, #tpu.memory_space<vmem>>[vector<16xi32>, vector<16xi32>], vector<16xf32>,
      %gather3A_64 = tpu.vector_load_idx %arg10[%add3A_42, %broadcast_in_dim3A_62] : memref<256x32xf32, #tpu.memory_space<vmem>>[vector<16xi32>, vector<16xi32>], vector<16xf32>,
      %mul3A_65 = arith.mulf %gather3A_63, %gather3A_64 : vector<16xf32>
      %add3A_66 = arith.addf %add3A_60, %mul3A_65 : vector<16xf32>
      %broadcast_in_dim3A_67 = arith.constant 4 : i32
      %broadcast_in_dim3A_68 = vector.broadcast %broadcast_in_dim3A_67 : i32 to vector<16xi32>
      %gather3A_69 = tpu.vector_load_idx %arg9[%add3A_42, %broadcast_in_dim3A_68] : memref<256x32xf32, #tpu.memory_space<vmem>>[vector<16xi32>, vector<16xi32>], vector<16xf32>,
      %gather3A_70 = tpu.vector_load_idx %arg10[%add3A_42, %broadcast_in_dim3A_68] : memref<256x32xf32, #tpu.memory_space<vmem>>[vector<16xi32>, vector<16xi32>], vector<16xf32>,
      %mul3A_71 = arith.mulf %gather3A_69, %gather3A_70 : vector<16xf32>
      %add3A_72 = arith.addf %add3A_66, %mul3A_71 : vector<16xf32>
      %broadcast_in_dim3A_73 = arith.constant 5 : i32
      %broadcast_in_dim3A_74 = vector.broadcast %broadcast_in_dim3A_73 : i32 to vector<16xi32>
      %gather3A_75 = tpu.vector_load_idx %arg9[%add3A_42, %broadcast_in_dim3A_74] : memref<256x32xf32, #tpu.memory_space<vmem>>[vector<16xi32>, vector<16xi32>], vector<16xf32>,
      %gather3A_76 = tpu.vector_load_idx %arg10[%add3A_42, %broadcast_in_dim3A_74] : memref<256x32xf32, #tpu.memory_space<vmem>>[vector<16xi32>, vector<16xi32>], vector<16xf32>,
      %mul3A_77 = arith.mulf %gather3A_75, %gather3A_76 : vector<16xf32>
      %add3A_78 = arith.addf %add3A_72, %mul3A_77 : vector<16xf32>
      %broadcast_in_dim3A_79 = arith.constant 6 : i32
      %broadcast_in_dim3A_80 = vector.broadcast %broadcast_in_dim3A_79 : i32 to vector<16xi32>
      %gather3A_81 = tpu.vector_load_idx %arg9[%add3A_42, %broadcast_in_dim3A_80] : memref<256x32xf32, #tpu.memory_space<vmem>>[vector<16xi32>, vector<16xi32>], vector<16xf32>,
      %gather3A_82 = tpu.vector_load_idx %arg10[%add3A_42, %broadcast_in_dim3A_80] : memref<256x32xf32, #tpu.memory_space<vmem>>[vector<16xi32>, vector<16xi32>], vector<16xf32>,
      %mul3A_83 = arith.mulf %gather3A_81, %gather3A_82 : vector<16xf32>
      %add3A_84 = arith.addf %add3A_78, %mul3A_83 : vector<16xf32>
      %broadcast_in_dim3A_85 = arith.constant 7 : i32
      %broadcast_in_dim3A_86 = vector.broadcast %broadcast_in_dim3A_85 : i32 to vector<16xi32>
      %gather3A_87 = tpu.vector_load_idx %arg9[%add3A_42, %broadcast_in_dim3A_86] : memref<256x32xf32, #tpu.memory_space<vmem>>[vector<16xi32>, vector<16xi32>], vector<16xf32>,
      %gather3A_88 = tpu.vector_load_idx %arg10[%add3A_42, %broadcast_in_dim3A_86] : memref<256x32xf32, #tpu.memory_space<vmem>>[vector<16xi32>, vector<16xi32>], vector<16xf32>,
      %mul3A_89 = arith.mulf %gather3A_87, %gather3A_88 : vector<16xf32>
      %add3A_90 = arith.addf %add3A_84, %mul3A_89 : vector<16xf32>
      %broadcast_in_dim3A_91 = arith.constant 8 : i32
      %broadcast_in_dim3A_92 = vector.broadcast %broadcast_in_dim3A_91 : i32 to vector<16xi32>
      %gather3A_93 = tpu.vector_load_idx %arg9[%add3A_42, %broadcast_in_dim3A_92] : memref<256x32xf32, #tpu.memory_space<vmem>>[vector<16xi32>, vector<16xi32>], vector<16xf32>,
      %gather3A_94 = tpu.vector_load_idx %arg10[%add3A_42, %broadcast_in_dim3A_92] : memref<256x32xf32, #tpu.memory_space<vmem>>[vector<16xi32>, vector<16xi32>], vector<16xf32>,
      %mul3A_95 = arith.mulf %gather3A_93, %gather3A_94 : vector<16xf32>
      %add3A_96 = arith.addf %add3A_90, %mul3A_95 : vector<16xf32>
      %broadcast_in_dim3A_97 = arith.constant 9 : i32
      %broadcast_in_dim3A_98 = vector.broadcast %broadcast_in_dim3A_97 : i32 to vector<16xi32>
      %gather3A_99 = tpu.vector_load_idx %arg9[%add3A_42, %broadcast_in_dim3A_98] : memref<256x32xf32, #tpu.memory_space<vmem>>[vector<16xi32>, vector<16xi32>], vector<16xf32>,
      %gather3A_100 = tpu.vector_load_idx %arg10[%add3A_42, %broadcast_in_dim3A_98] : memref<256x32xf32, #tpu.memory_space<vmem>>[vector<16xi32>, vector<16xi32>], vector<16xf32>,
      %mul3A_101 = arith.mulf %gather3A_99, %gather3A_100 : vector<16xf32>
      %add3A_102 = arith.addf %add3A_96, %mul3A_101 : vector<16xf32>
      %broadcast_in_dim3A_103 = arith.constant 10 : i32
      %broadcast_in_dim3A_104 = vector.broadcast %broadcast_in_dim3A_103 : i32 to vector<16xi32>
      %gather3A_105 = tpu.vector_load_idx %arg9[%add3A_42, %broadcast_in_dim3A_104] : memref<256x32xf32, #tpu.memory_space<vmem>>[vector<16xi32>, vector<16xi32>], vector<16xf32>,
      %gather3A_106 = tpu.vector_load_idx %arg10[%add3A_42, %broadcast_in_dim3A_104] : memref<256x32xf32, #tpu.memory_space<vmem>>[vector<16xi32>, vector<16xi32>], vector<16xf32>,
      %mul3A_107 = arith.mulf %gather3A_105, %gather3A_106 : vector<16xf32>
      %add3A_108 = arith.addf %add3A_102, %mul3A_107 : vector<16xf32>
      %broadcast_in_dim3A_109 = arith.constant 11 : i32
      %broadcast_in_dim3A_110 = vector.broadcast %broadcast_in_dim3A_109 : i32 to vector<16xi32>
      %gather3A_111 = tpu.vector_load_idx %arg9[%add3A_42, %broadcast_in_dim3A_110] : memref<256x32xf32, #tpu.memory_space<vmem>>[vector<16xi32>, vector<16xi32>], vector<16xf32>,
      %gather3A_112 = tpu.vector_load_idx %arg10[%add3A_42, %broadcast_in_dim3A_110] : memref<256x32xf32, #tpu.memory_space<vmem>>[vector<16xi32>, vector<16xi32>], vector<16xf32>,
      %mul3A_113 = arith.mulf %gather3A_111, %gather3A_112 : vector<16xf32>
      %add3A_114 = arith.addf %add3A_108, %mul3A_113 : vector<16xf32>
      %broadcast_in_dim3A_115 = arith.constant 12 : i32
      %broadcast_in_dim3A_116 = vector.broadcast %broadcast_in_dim3A_115 : i32 to vector<16xi32>
      %gather3A_117 = tpu.vector_load_idx %arg9[%add3A_42, %broadcast_in_dim3A_116] : memref<256x32xf32, #tpu.memory_space<vmem>>[vector<16xi32>, vector<16xi32>], vector<16xf32>,
      %gather3A_118 = tpu.vector_load_idx %arg10[%add3A_42, %broadcast_in_dim3A_116] : memref<256x32xf32, #tpu.memory_space<vmem>>[vector<16xi32>, vector<16xi32>], vector<16xf32>,
      %mul3A_119 = arith.mulf %gather3A_117, %gather3A_118 : vector<16xf32>
      %add3A_120 = arith.addf %add3A_114, %mul3A_119 : vector<16xf32>
      %broadcast_in_dim3A_121 = arith.constant 13 : i32
      %broadcast_in_dim3A_122 = vector.broadcast %broadcast_in_dim3A_121 : i32 to vector<16xi32>
      %gather3A_123 = tpu.vector_load_idx %arg9[%add3A_42, %broadcast_in_dim3A_122] : memref<256x32xf32, #tpu.memory_space<vmem>>[vector<16xi32>, vector<16xi32>], vector<16xf32>,
      %gather3A_124 = tpu.vector_load_idx %arg10[%add3A_42, %broadcast_in_dim3A_122] : memref<256x32xf32, #tpu.memory_space<vmem>>[vector<16xi32>, vector<16xi32>], vector<16xf32>,
      %mul3A_125 = arith.mulf %gather3A_123, %gather3A_124 : vector<16xf32>
      %add3A_126 = arith.addf %add3A_120, %mul3A_125 : vector<16xf32>
      %broadcast_in_dim3A_127 = arith.constant 14 : i32
      %broadcast_in_dim3A_128 = vector.broadcast %broadcast_in_dim3A_127 : i32 to vector<16xi32>
      %gather3A_129 = tpu.vector_load_idx %arg9[%add3A_42, %broadcast_in_dim3A_128] : memref<256x32xf32, #tpu.memory_space<vmem>>[vector<16xi32>, vector<16xi32>], vector<16xf32>,
      %gather3A_130 = tpu.vector_load_idx %arg10[%add3A_42, %broadcast_in_dim3A_128] : memref<256x32xf32, #tpu.memory_space<vmem>>[vector<16xi32>, vector<16xi32>], vector<16xf32>,
      %mul3A_131 = arith.mulf %gather3A_129, %gather3A_130 : vector<16xf32>
      %add3A_132 = arith.addf %add3A_126, %mul3A_131 : vector<16xf32>
      %broadcast_in_dim3A_133 = arith.constant 15 : i32
      %broadcast_in_dim3A_134 = vector.broadcast %broadcast_in_dim3A_133 : i32 to vector<16xi32>
      %gather3A_135 = tpu.vector_load_idx %arg9[%add3A_42, %broadcast_in_dim3A_134] : memref<256x32xf32, #tpu.memory_space<vmem>>[vector<16xi32>, vector<16xi32>], vector<16xf32>,
      %gather3A_136 = tpu.vector_load_idx %arg10[%add3A_42, %broadcast_in_dim3A_134] : memref<256x32xf32, #tpu.memory_space<vmem>>[vector<16xi32>, vector<16xi32>], vector<16xf32>,
      %mul3A_137 = arith.mulf %gather3A_135, %gather3A_136 : vector<16xf32>
      %add3A_138 = arith.addf %add3A_132, %mul3A_137 : vector<16xf32>
      %broadcast_in_dim3A_139 = arith.constant 16 : i32
      %broadcast_in_dim3A_140 = vector.broadcast %broadcast_in_dim3A_139 : i32 to vector<16xi32>
      %gather3A_141 = tpu.vector_load_idx %arg9[%add3A_42, %broadcast_in_dim3A_140] : memref<256x32xf32, #tpu.memory_space<vmem>>[vector<16xi32>, vector<16xi32>], vector<16xf32>,
      %gather3A_142 = tpu.vector_load_idx %arg10[%add3A_42, %broadcast_in_dim3A_140] : memref<256x32xf32, #tpu.memory_space<vmem>>[vector<16xi32>, vector<16xi32>], vector<16xf32>,
      %mul3A_143 = arith.mulf %gather3A_141, %gather3A_142 : vector<16xf32>
      %add3A_144 = arith.addf %add3A_138, %mul3A_143 : vector<16xf32>
      %broadcast_in_dim3A_145 = arith.constant 17 : i32
      %broadcast_in_dim3A_146 = vector.broadcast %broadcast_in_dim3A_145 : i32 to vector<16xi32>
      %gather3A_147 = tpu.vector_load_idx %arg9[%add3A_42, %broadcast_in_dim3A_146] : memref<256x32xf32, #tpu.memory_space<vmem>>[vector<16xi32>, vector<16xi32>], vector<16xf32>,
      %gather3A_148 = tpu.vector_load_idx %arg10[%add3A_42, %broadcast_in_dim3A_146] : memref<256x32xf32, #tpu.memory_space<vmem>>[vector<16xi32>, vector<16xi32>], vector<16xf32>,
      %mul3A_149 = arith.mulf %gather3A_147, %gather3A_148 : vector<16xf32>
      %add3A_150 = arith.addf %add3A_144, %mul3A_149 : vector<16xf32>
      %broadcast_in_dim3A_151 = arith.constant 18 : i32
      %broadcast_in_dim3A_152 = vector.broadcast %broadcast_in_dim3A_151 : i32 to vector<16xi32>
      %gather3A_153 = tpu.vector_load_idx %arg9[%add3A_42, %broadcast_in_dim3A_152] : memref<256x32xf32, #tpu.memory_space<vmem>>[vector<16xi32>, vector<16xi32>], vector<16xf32>,
      %gather3A_154 = tpu.vector_load_idx %arg10[%add3A_42, %broadcast_in_dim3A_152] : memref<256x32xf32, #tpu.memory_space<vmem>>[vector<16xi32>, vector<16xi32>], vector<16xf32>,
      %mul3A_155 = arith.mulf %gather3A_153, %gather3A_154 : vector<16xf32>
      %add3A_156 = arith.addf %add3A_150, %mul3A_155 : vector<16xf32>
      %broadcast_in_dim3A_157 = arith.constant 19 : i32
      %broadcast_in_dim3A_158 = vector.broadcast %broadcast_in_dim3A_157 : i32 to vector<16xi32>
      %gather3A_159 = tpu.vector_load_idx %arg9[%add3A_42, %broadcast_in_dim3A_158] : memref<256x32xf32, #tpu.memory_space<vmem>>[vector<16xi32>, vector<16xi32>], vector<16xf32>,
      %gather3A_160 = tpu.vector_load_idx %arg10[%add3A_42, %broadcast_in_dim3A_158] : memref<256x32xf32, #tpu.memory_space<vmem>>[vector<16xi32>, vector<16xi32>], vector<16xf32>,
      %mul3A_161 = arith.mulf %gather3A_159, %gather3A_160 : vector<16xf32>
      %add3A_162 = arith.addf %add3A_156, %mul3A_161 : vector<16xf32>
      %broadcast_in_dim3A_163 = arith.constant 20 : i32
      %broadcast_in_dim3A_164 = vector.broadcast %broadcast_in_dim3A_163 : i32 to vector<16xi32>
      %gather3A_165 = tpu.vector_load_idx %arg9[%add3A_42, %broadcast_in_dim3A_164] : memref<256x32xf32, #tpu.memory_space<vmem>>[vector<16xi32>, vector<16xi32>], vector<16xf32>,
      %gather3A_166 = tpu.vector_load_idx %arg10[%add3A_42, %broadcast_in_dim3A_164] : memref<256x32xf32, #tpu.memory_space<vmem>>[vector<16xi32>, vector<16xi32>], vector<16xf32>,
      %mul3A_167 = arith.mulf %gather3A_165, %gather3A_166 : vector<16xf32>
      %add3A_168 = arith.addf %add3A_162, %mul3A_167 : vector<16xf32>
      %broadcast_in_dim3A_169 = arith.constant 21 : i32
      %broadcast_in_dim3A_170 = vector.broadcast %broadcast_in_dim3A_169 : i32 to vector<16xi32>
      %gather3A_171 = tpu.vector_load_idx %arg9[%add3A_42, %broadcast_in_dim3A_170] : memref<256x32xf32, #tpu.memory_space<vmem>>[vector<16xi32>, vector<16xi32>], vector<16xf32>,
      %gather3A_172 = tpu.vector_load_idx %arg10[%add3A_42, %broadcast_in_dim3A_170] : memref<256x32xf32, #tpu.memory_space<vmem>>[vector<16xi32>, vector<16xi32>], vector<16xf32>,
      %mul3A_173 = arith.mulf %gather3A_171, %gather3A_172 : vector<16xf32>
      %add3A_174 = arith.addf %add3A_168, %mul3A_173 : vector<16xf32>
      %broadcast_in_dim3A_175 = arith.constant 22 : i32
      %broadcast_in_dim3A_176 = vector.broadcast %broadcast_in_dim3A_175 : i32 to vector<16xi32>
      %gather3A_177 = tpu.vector_load_idx %arg9[%add3A_42, %broadcast_in_dim3A_176] : memref<256x32xf32, #tpu.memory_space<vmem>>[vector<16xi32>, vector<16xi32>], vector<16xf32>,
      %gather3A_178 = tpu.vector_load_idx %arg10[%add3A_42, %broadcast_in_dim3A_176] : memref<256x32xf32, #tpu.memory_space<vmem>>[vector<16xi32>, vector<16xi32>], vector<16xf32>,
      %mul3A_179 = arith.mulf %gather3A_177, %gather3A_178 : vector<16xf32>
      %add3A_180 = arith.addf %add3A_174, %mul3A_179 : vector<16xf32>
      %broadcast_in_dim3A_181 = arith.constant 23 : i32
      %broadcast_in_dim3A_182 = vector.broadcast %broadcast_in_dim3A_181 : i32 to vector<16xi32>
      %gather3A_183 = tpu.vector_load_idx %arg9[%add3A_42, %broadcast_in_dim3A_182] : memref<256x32xf32, #tpu.memory_space<vmem>>[vector<16xi32>, vector<16xi32>], vector<16xf32>,
      %gather3A_184 = tpu.vector_load_idx %arg10[%add3A_42, %broadcast_in_dim3A_182] : memref<256x32xf32, #tpu.memory_space<vmem>>[vector<16xi32>, vector<16xi32>], vector<16xf32>,
      %mul3A_185 = arith.mulf %gather3A_183, %gather3A_184 : vector<16xf32>
      %add3A_186 = arith.addf %add3A_180, %mul3A_185 : vector<16xf32>
      %broadcast_in_dim3A_187 = arith.constant 24 : i32
      %broadcast_in_dim3A_188 = vector.broadcast %broadcast_in_dim3A_187 : i32 to vector<16xi32>
      %gather3A_189 = tpu.vector_load_idx %arg9[%add3A_42, %broadcast_in_dim3A_188] : memref<256x32xf32, #tpu.memory_space<vmem>>[vector<16xi32>, vector<16xi32>], vector<16xf32>,
      %gather3A_190 = tpu.vector_load_idx %arg10[%add3A_42, %broadcast_in_dim3A_188] : memref<256x32xf32, #tpu.memory_space<vmem>>[vector<16xi32>, vector<16xi32>], vector<16xf32>,
      %mul3A_191 = arith.mulf %gather3A_189, %gather3A_190 : vector<16xf32>
      %add3A_192 = arith.addf %add3A_186, %mul3A_191 : vector<16xf32>
      %broadcast_in_dim3A_193 = arith.constant 25 : i32
      %broadcast_in_dim3A_194 = vector.broadcast %broadcast_in_dim3A_193 : i32 to vector<16xi32>
      %gather3A_195 = tpu.vector_load_idx %arg9[%add3A_42, %broadcast_in_dim3A_194] : memref<256x32xf32, #tpu.memory_space<vmem>>[vector<16xi32>, vector<16xi32>], vector<16xf32>,
      %gather3A_196 = tpu.vector_load_idx %arg10[%add3A_42, %broadcast_in_dim3A_194] : memref<256x32xf32, #tpu.memory_space<vmem>>[vector<16xi32>, vector<16xi32>], vector<16xf32>,
      %mul3A_197 = arith.mulf %gather3A_195, %gather3A_196 : vector<16xf32>
      %add3A_198 = arith.addf %add3A_192, %mul3A_197 : vector<16xf32>
      %broadcast_in_dim3A_199 = arith.constant 26 : i32
      %broadcast_in_dim3A_200 = vector.broadcast %broadcast_in_dim3A_199 : i32 to vector<16xi32>
      %gather3A_201 = tpu.vector_load_idx %arg9[%add3A_42, %broadcast_in_dim3A_200] : memref<256x32xf32, #tpu.memory_space<vmem>>[vector<16xi32>, vector<16xi32>], vector<16xf32>,
      %gather3A_202 = tpu.vector_load_idx %arg10[%add3A_42, %broadcast_in_dim3A_200] : memref<256x32xf32, #tpu.memory_space<vmem>>[vector<16xi32>, vector<16xi32>], vector<16xf32>,
      %mul3A_203 = arith.mulf %gather3A_201, %gather3A_202 : vector<16xf32>
      %add3A_204 = arith.addf %add3A_198, %mul3A_203 : vector<16xf32>
      %broadcast_in_dim3A_205 = arith.constant 27 : i32
      %broadcast_in_dim3A_206 = vector.broadcast %broadcast_in_dim3A_205 : i32 to vector<16xi32>
      %gather3A_207 = tpu.vector_load_idx %arg9[%add3A_42, %broadcast_in_dim3A_206] : memref<256x32xf32, #tpu.memory_space<vmem>>[vector<16xi32>, vector<16xi32>], vector<16xf32>,
      %gather3A_208 = tpu.vector_load_idx %arg10[%add3A_42, %broadcast_in_dim3A_206] : memref<256x32xf32, #tpu.memory_space<vmem>>[vector<16xi32>, vector<16xi32>], vector<16xf32>,
      %mul3A_209 = arith.mulf %gather3A_207, %gather3A_208 : vector<16xf32>
      %add3A_210 = arith.addf %add3A_204, %mul3A_209 : vector<16xf32>
      %broadcast_in_dim3A_211 = arith.constant 28 : i32
      %broadcast_in_dim3A_212 = vector.broadcast %broadcast_in_dim3A_211 : i32 to vector<16xi32>
      %gather3A_213 = tpu.vector_load_idx %arg9[%add3A_42, %broadcast_in_dim3A_212] : memref<256x32xf32, #tpu.memory_space<vmem>>[vector<16xi32>, vector<16xi32>], vector<16xf32>,
      %gather3A_214 = tpu.vector_load_idx %arg10[%add3A_42, %broadcast_in_dim3A_212] : memref<256x32xf32, #tpu.memory_space<vmem>>[vector<16xi32>, vector<16xi32>], vector<16xf32>,
      %mul3A_215 = arith.mulf %gather3A_213, %gather3A_214 : vector<16xf32>
      %add3A_216 = arith.addf %add3A_210, %mul3A_215 : vector<16xf32>
      %broadcast_in_dim3A_217 = arith.constant 29 : i32
      %broadcast_in_dim3A_218 = vector.broadcast %broadcast_in_dim3A_217 : i32 to vector<16xi32>
      %gather3A_219 = tpu.vector_load_idx %arg9[%add3A_42, %broadcast_in_dim3A_218] : memref<256x32xf32, #tpu.memory_space<vmem>>[vector<16xi32>, vector<16xi32>], vector<16xf32>,
      %gather3A_220 = tpu.vector_load_idx %arg10[%add3A_42, %broadcast_in_dim3A_218] : memref<256x32xf32, #tpu.memory_space<vmem>>[vector<16xi32>, vector<16xi32>], vector<16xf32>,
      %mul3A_221 = arith.mulf %gather3A_219, %gather3A_220 : vector<16xf32>
      %add3A_222 = arith.addf %add3A_216, %mul3A_221 : vector<16xf32>
      %broadcast_in_dim3A_223 = arith.constant 30 : i32
      %broadcast_in_dim3A_224 = vector.broadcast %broadcast_in_dim3A_223 : i32 to vector<16xi32>
      %gather3A_225 = tpu.vector_load_idx %arg9[%add3A_42, %broadcast_in_dim3A_224] : memref<256x32xf32, #tpu.memory_space<vmem>>[vector<16xi32>, vector<16xi32>], vector<16xf32>,
      %gather3A_226 = tpu.vector_load_idx %arg10[%add3A_42, %broadcast_in_dim3A_224] : memref<256x32xf32, #tpu.memory_space<vmem>>[vector<16xi32>, vector<16xi32>], vector<16xf32>,
      %mul3A_227 = arith.mulf %gather3A_225, %gather3A_226 : vector<16xf32>
      %add3A_228 = arith.addf %add3A_222, %mul3A_227 : vector<16xf32>
      %broadcast_in_dim3A_229 = arith.constant 31 : i32
      %broadcast_in_dim3A_230 = vector.broadcast %broadcast_in_dim3A_229 : i32 to vector<16xi32>
      %gather3A_231 = tpu.vector_load_idx %arg9[%add3A_42, %broadcast_in_dim3A_230] : memref<256x32xf32, #tpu.memory_space<vmem>>[vector<16xi32>, vector<16xi32>], vector<16xf32>,
      %gather3A_232 = tpu.vector_load_idx %arg10[%add3A_42, %broadcast_in_dim3A_230] : memref<256x32xf32, #tpu.memory_space<vmem>>[vector<16xi32>, vector<16xi32>], vector<16xf32>,
      %mul3A_233 = arith.mulf %gather3A_231, %gather3A_232 : vector<16xf32>
      %add3A_234 = arith.addf %add3A_228, %mul3A_233 : vector<16xf32>
      %mul3A_235 = arith.constant 16 : i32
      %mul3A_236 = arith.muli %scan3A_38, %mul3A_235 : i32
      %add3A_237 = arith.constant 256 : i32
      %add3A_238 = arith.addi %add3A_237, %mul3A_236 : i32
      %swap3A = arith.index_cast %add3A_238 : i32 to index
      %swap3A_239 = tpu.vector_load %arg11[%swap3A] {strides = array<i32>} : memref<512xf32, #tpu.memory_space<vmem>>, vector<16xf32>,
      tpu.vector_store %arg11[%swap3A], %add3A_234 {strides = array<i32>} : memref<512xf32, #tpu.memory_space<vmem>>, vector<16xf32>,
    }
    %scan3A_37 = arith.constant 16 : i32
    "tpu.region"() ({
      %run_scoped3A = tpu.sem_alloc : memref<!tpu.dma_semaphore, #tpu.memory_space<semaphore_mem>>
      %dma_start3A = tpu.memref_slice %arg6[%mul3A_2] : memref<16384xf32, #tpu.memory_space<hbm>> -> memref<512xf32, #tpu.memory_space<hbm>>
      %dma_start3A_38 = tpu.memref_slice %arg6[%mul3A_2] : memref<16384xf32, #tpu.memory_space<hbm>> -> memref<512xf32, #tpu.memory_space<hbm>>
      tpu.enqueue_dma source(%arg11 : memref<512xf32, #tpu.memory_space<vmem>>) target(%dma_start3A_38 : memref<512xf32, #tpu.memory_space<hbm>>) target_semaphore(%run_scoped3A : memref<!tpu.dma_semaphore, #tpu.memory_space<semaphore_mem>>)
      %dma_wait3A = tpu.memref_slice %arg6[%mul3A_2] : memref<16384xf32, #tpu.memory_space<hbm>> -> memref<512xf32, #tpu.memory_space<hbm>>
      %dma_wait3A_39 = tpu.memref_slice %arg6[%mul3A_2] : memref<16384xf32, #tpu.memory_space<hbm>> -> memref<512xf32, #tpu.memory_space<hbm>>
      tpu.wait_dma2 semaphore(%run_scoped3A : memref<!tpu.dma_semaphore, #tpu.memory_space<semaphore_mem>>) src(%arg11 : memref<512xf32, #tpu.memory_space<vmem>>) dst(%dma_wait3A_39 : memref<512xf32, #tpu.memory_space<hbm>>)
      tpu.yield
    }) : () -> ()
    return
  }
}

</mosaic_0001>

<sc_bundles>
// kernel: kernel.3.cloned.1.call-start
scs
__scs_entry_jumppad:
0x0: {  	(pc) =	sbr.rel $0x88, $3  }
0x1: {  	(tag) =	ssettag $0x0;
	lr =	simm.s32 $0x1  }
0x2: {  	[smem:$0x3F9C] =	sst lr;
	_ =	strace $0xD0000000  }
0x3: {  	_ = 	snop  }
0x4: {  	_ = 	snop  }
0x5: {  	_ = 	snop  }
0x6: {  	_ = 	snop  }
0x7: {  	_ = 	snop  }
__scs_overlays_trampoline_lowered:
0x8: {  	[smem:$0x3FAB] =	sst s0  }
0x9: {  	[smem:$0x3FAC] =	sst s1  }
0xa: {  	[smem:$0x3FAD] =	sst s2  }
0xb: {  	[smem:$0x3FAE] =	sst s3  }
0xc: {  	[smem:$0x3FAF] =	sst s4  }
0xd: {  	[smem:$0x3FB0] =	sst s5  }
0xe: {  	[smem:$0x3FB1] =	sst s6  }
0xf: {  	[smem:$0x3FB2] =	sst s7  }
0x10: {  	[smem:$0x3FB3] =	sst s8  }
0x11: {  	[smem:$0x3FB4] =	sst s9;
	s0 =	simm.s32 @!p0 $0x0  }
0x12: {  	s1 =	sld [smem:$0x3F9A];
	s0 =	simm.s32 @p0 $0x1  }
0x13: {  	[smem:$0x3FB5] =	sst s0;
	s0 =	simm.s32 @!p1 $0x0  }
0x14: {  	s2 =	sld [smem:$0x3F99];
	s0 =	simm.s32 @p1 $0x1  }
0x15: {  	[smem:$0x3FB6] =	sst s0;
	s0 =	simm.s32 @!p2 $0x0  }
0x16: {  	s3 =	sld [smem:$0x3FDB];
	s0 =	simm.s32 @p2 $0x1  }
0x17: {  	s4 =	simm.s32 $0x1BF5;
	[smem:$0x3FB8] =	sst s0  }
0x18: {  	s0 =	sld [smem:$0x3F9B];
	_ =	swait.ge [sflag:s4], $0x0  }
0x19: {  	s7 =	sld [smem:$0x3F9C]  }
0x1a: {  	s8 =	sadd.s32 $0xFFFFE003, lr  }
0x1b: {  	s9 =	sadd.s32 $0xFFFFFEF7, lr;
	s5 =	simm.s32 $0xFFFFFFFF;
	p2 =	slt.u32 s8, $0xFFFFF086  }
0x1c: {  	p1 =	slt.u32 s9, $0xF7A;
	s5 =	simm.s32 @!p2 $0x0  }
0x1d: {  	s5 =	simm.s32 @p1 $0x1;
	p0 =	seq.s32 s7, s2  }
0x1e: {  	s7 =	smul.u32 @!p0 $0xF7A, s2;
	p2 =	seq.s32 @!p0 s5, $0x0  }
0x1f: {  	s9 =	smul.u32 $0xF7A, s1;
	s8 =	simm.s32 @!p0 $0x1BF5;
	p2 =	por !p2, p0  }
0x20: {  	[sflag:s8] =	ssyncset.s32 @!p0 $0xFFFFF086;
	s6 =	sadd.s32 @!p0 s3, s7;
	s7 =	simm.s32 @!p0 $0x108  }
0x21: {  	s3 =	sadd.s32 s3, s9;
	s6 =	sadd.s32 @!p0 $0x88, s6;
	s7 =	simm.s32 @p2 $0x1082  }
0x22: {  	[simem:s7], [sflag:s8] =	dma.local @!p0 [hbm:s6], $0xF7A  }
0x23: {  	s9 =	sor.u32 $0xD0000000, s2;
	s6 =	simm.s32 $0x108;
	_ =	swait.ge @!p0 [sflag:s8], $0x0  }
0x24: {  	s3 =	sadd.s32 $0x88, s3;
	s6 =	simm.s32 @!p1 $0x1082;
	[sflag:s4] =	ssyncset.s32 $0xFFFFF086  }
0x25: {  	[simem:s6], [sflag:s4] =	dma.local [hbm:s3], $0xF7A  }
0x26: {  	[smem:$0x3F9C] =	sst s1;
	(tag) =	ssettag s2;
	_ =	strace s9  }
0x27: {  	s1 =	sld [smem:$0x3FAC]  }
0x28: {  	s2 =	sld [smem:$0x3FAD]  }
0x29: {  	s4 =	sld [smem:$0x3FAF]  }
0x2a: {  	p0 =	seq.s32 s5, $0x0;
	s5 =	sld [smem:$0x3FB0]  }
0x2b: {  	s6 =	sld [smem:$0x3FB1]  }
0x2c: {  	s7 =	sld [smem:$0x3FB2]  }
0x2d: {  	s3 =	simm.s32 $0x108;
	s8 =	sld [smem:$0x3FB3]  }
0x2e: {  	s3 =	simm.s32 @!p0 $0x1082;
	s9 =	sld [smem:$0x3FB4]  }
0x2f: {  	lr =	sadd.s32 s0, s3;
	s0 =	sld [smem:$0x3FAB]  }
0x30: {  	s3 =	sld [smem:$0x3FAE]  }
0x31: {  	[smem:$0x3FB7] =	sst s10  }
0x32: {  	s10 =	sld [smem:$0x3FB5];
	_ =	sdelay $0x3  }
0x33: {  	p0 =	seq.s32 s10, $0x1;
	s10 =	sld [smem:$0x3FB7];
	_ =	sdelay $0x3  }
0x34: {  	[smem:$0x3FB7] =	sst s10  }
0x35: {  	s10 =	sld [smem:$0x3FB6];
	_ =	sdelay $0x3  }
0x36: {  	p1 =	seq.s32 s10, $0x1;
	s10 =	sld [smem:$0x3FB7];
	_ =	sdelay $0x3  }
0x37: {  	[smem:$0x3FB7] =	sst s10  }
0x38: {  	s10 =	sld [smem:$0x3FB8]  }
0x39: {  	_ = 	snop;
	(pc) =	sbr.ind lr, $3  }
0x3a: {  	_ = 	snop  }
0x3b: {  	_ = 	snop  }
0x3c: {  	p2 =	seq.s32 s10, $0x1;
	s10 =	sld [smem:$0x3FB7]  }
0x3d: {  	_ =	shalt  }
0x3e: {  	_ =	shalt  }
0x3f: {  	_ =	shalt  }
0x40: {  	_ =	shalt  }
0x41: {  	_ =	shalt  }
0x42: {  	_ =	shalt  }
0x43: {  	_ =	shalt  }
0x44: {  	_ =	shalt  }
0x45: {  	_ =	shalt  }
0x46: {  	_ =	shalt  }
0x47: {  	_ =	shalt  }
0x48: {  	_ =	shalt  }
0x49: {  	_ =	shalt  }
0x4a: {  	_ =	shalt  }
0x4b: {  	_ =	shalt  }
0x4c: {  	_ =	shalt  }
0x4d: {  	_ =	shalt  }
0x4e: {  	_ =	shalt  }
0x4f: {  	_ =	shalt  }
0x50: {  	_ =	shalt  }
0x51: {  	_ =	shalt  }
0x52: {  	_ =	shalt  }
0x53: {  	_ =	shalt  }
0x54: {  	_ =	shalt  }
0x55: {  	_ =	shalt  }
0x56: {  	_ =	shalt  }
0x57: {  	_ =	shalt  }
0x58: {  	_ =	shalt  }
0x59: {  	_ =	shalt  }
0x5a: {  	_ =	shalt  }
0x5b: {  	_ =	shalt  }
0x5c: {  	_ =	shalt  }
0x5d: {  	_ =	shalt  }
0x5e: {  	_ =	shalt  }
0x5f: {  	_ =	shalt  }
0x60: {  	_ =	shalt  }
0x61: {  	_ =	shalt  }
0x62: {  	_ =	shalt  }
0x63: {  	_ =	shalt  }
0x64: {  	_ =	shalt  }
0x65: {  	_ =	shalt  }
0x66: {  	_ =	shalt  }
0x67: {  	_ =	shalt  }
0x68: {  	_ =	shalt  }
0x69: {  	_ =	shalt  }
0x6a: {  	_ =	shalt  }
0x6b: {  	_ =	shalt  }
0x6c: {  	_ =	shalt  }
0x6d: {  	_ =	shalt  }
0x6e: {  	_ =	shalt  }
0x6f: {  	_ =	shalt  }
0x70: {  	_ =	shalt  }
0x71: {  	_ =	shalt  }
0x72: {  	_ =	shalt  }
0x73: {  	_ =	shalt  }
0x74: {  	_ =	shalt  }
0x75: {  	_ =	shalt  }
0x76: {  	_ =	shalt  }
0x77: {  	_ =	shalt  }
0x78: {  	_ =	shalt  }
0x79: {  	_ =	shalt  }
0x7a: {  	_ =	shalt  }
0x7b: {  	_ =	shalt  }
0x7c: {  	_ =	shalt  }
0x7d: {  	_ =	shalt  }
0x7e: {  	_ =	shalt  }
0x7f: {  	_ =	shalt  }
0x80: {  	_ =	shalt  }
0x81: {  	_ =	shalt  }
0x82: {  	_ =	shalt  }
0x83: {  	_ =	shalt  }
0x84: {  	_ =	shalt  }
0x85: {  	_ =	shalt  }
0x86: {  	_ =	shalt  }
0x87: {  	_ =	shalt  }
.Lfunc_end0:
.L_simem_size_0:
called_computation_lowered:
.L_overlay_start_0:
0x88: {  	s2 =	sld [smem:$0x3FD9]  }
0x89: {  	s3 =	sld [smem:$0x3FFE];
	_ =	sdelay $0x1  }
0x8a: {  	s1 =	srdreg.scid  }
0x8b: {  	s0 =	sand.u32 $0x1, s1  }
0x8c: {  	s14 =	sshll.u32 s0, $0xA;
	s2 =	sadd.s32 s3, s2  }
0x8d: {  	s2 =	sadd.s32 s2, s14  }
0x8e: {  	[smem:$0x3FC3] =	sst s2  }
0x8f: {  	_ = 	snop  }
0x90: {  	s2 =	sld [smem:$0x3FD0];
	_ =	sdelay $0x1  }
0x91: {  	s15 =	sld [smem:$0x3FC9]  }
0x92: {  	s5 =	simm.s32 $0xA;
	s6 =	simm.s32 $0x10;
	s4 =	sld [smem:$0x3FC8]  }
0x93: {  	[smem:s6], [sflag:s5] =	dma.local [hbm:s2], $0x1  }
0x94: {  	_ =	swait.eq [sflag:s5], $0x1  }
0x95: {  	[sflag:s5] =	ssyncset.done $0x0  }
0x96: {  	[sflag:s5] =	ssyncadd.s32 $0xFFFFFFFF  }
0x97: {  	s16 =	sld [smem:$0x10];
	(tm) =	ssettm $0x1  }
0x98: {  	s17 =	sld [smem:$0x3FFB];
	_ =	sdelay $0x3  }
0x99: {  	_ =	strace s17  }
0x9a: {  	s5 =	sld [smem:$0x3FFC];
	_ =	sdelay $0x3  }
0x9b: {  	_ =	strace s5  }
0x9c: {  	s5 =	sld [smem:$0x3FFD];
	_ =	sdelay $0x3  }
0x9d: {  	_ =	strace s5  }
0x9e: {  	_ =	strace $0x8FFFFFFF  }
0x9f: {  	s18 =	sld [smem:$0x3FDB];
	_ =	sdelay $0x1  }
0xa0: {  	s19 =	simm.s32 $_scs_section_size  }
0xa1: {  	s7 =	simm.s32 $_size__tile_overlayer_lowered;
	s8 =	simm.s32 $_tile_overlayer_lowered  }
0xa2: {  	s22 =	simm.s32 $0x1BFF;
	s21 =	sshll.u32 s8, $0x1;
	s5 =	sadd.s32 s19, s18  }
0xa3: {  	s9 =	simm.s32 $0x0;
	s20 =	sshll.u32 s7, $0x1;
	s7 =	sadd.s32 s21, s5  }
0xa4: {  	[timem:s9], [sflag:s22] =	dma.local [hbm:s7], s20  }
0xa5: {  	_ =	swait.ge [sflag:s22], s20  }
0xa6: {  	s6 =	ssub.s32 $0x0, s20;
	[sflag:s22] =	ssyncset.done $0x0  }
0xa7: {  	[sflag:s22] =	ssyncadd.s32 s6;
	_ =	sdelay $0x1  }
0xa8: {  	s23 =	simm.s32 $0x1B8B  }
0xa9: {  	_ =	swait.ge [sflag:s23], $0x1  }
0xaa: {  	[sflag:s23] =	ssyncset.done $0x0  }
0xab: {  	s25 =	simm.s32 $0x1B8E;
	s24 =	sld [smem:$0x3FFE];
	[sflag:s23] =	ssyncadd.s32 $0xFFFFFFFF  }
0xac: {  	s26 =	simm.s32 $execute0_lowered;
	[smem:$0x3FD2] =	sst s25  }
0xad: {  	s7 =	sshll.u32 s26, $0x1;
	_ =	strace $0x80000046;
	[dreg:$0x1] =	wrdreg $0xFFFFFFFF  }
0xae: {  	s28 =	simm.s32 $_size_execute0_lowered;
	s5 =	sadd.s32 s5, s7;
	[dreg:$0x0] =	wrdreg $0x0  }
0xaf: {  	s7 =	sshll.u32 s28, $0x1;
	[dreg:$0x2] =	wrdreg s5  }
0xb0: {  	[dreg:$0x3] =	wrdreg s7  }
0xb1: {  	[dreg:$0x4] =	wrdreg $0xC0  }
0xb2: {  	_ =	task [dreg:s9], $0x5FFFF  }
0xb3: {  	[dreg:$0x1] =	wrdreg $0xFFFFFFFF  }
0xb4: {  	[dreg:$0x0] =	wrdreg $0x60  }
0xb5: {  	[dreg:$0x2] =	wrdreg s15  }
0xb6: {  	[dreg:$0x3] =	wrdreg s4  }
0xb7: {  	[dreg:$0x4] =	wrdreg s24  }
0xb8: {  	[dreg:$0x5] =	wrdreg s16  }
0xb9: {  	[dreg:$0x6] =	wrdreg $0x9  }
0xba: {  	_ =	task.clear_ibuf [dreg:s9], $0x7FFFF;
	_ =	strace $0x90000046  }
0xbb: {  	s29 =	simm.s32 $0x9;
	_ =	strace $0x80000048  }
0xbc: {  	_ =	swait.ge [sflag:s29], $0x1  }
0xbd: {  	[sflag:s29] =	ssyncadd.s32 $0xFFFFFFFF  }
0xbe: {  	_ =	strace $0x90000048  }
0xbf: {  	_ =	sfence  }
0xc0: {  	s30 =	sld [smem:$0x0];
	_ =	sdelay $0x2  }
0xc1: {  	s31 =	sshll.u32 s1, $0xD;
	s1 =	sshrl.u32 s1, $0x2  }
0xc2: {  	s3 =	sand.u32 $0x4000, s31;
	s1 =	sadd.s32 s1, s30  }
0xc3: {  	s0 =	sor.u32 s3, s0;
	s1 =	sshll.u32 s1, $0x11  }
0xc4: {  	s0 =	sor.u32 s1, s0  }
0xc5: {  	s0 =	sadd.s32 $0x8F2B, s0  }
0xc6: {  	[sflag:s0] =	ssyncadd.remote.s32 $0x1  }
0xc7: {  	_ =	sfence.sel $0xFFFF  }
0xc8: {  	[dreg:$0x0] =	wrdreg $0xFFFFFFFF;
	(pc) =	sbr.abs _section_cstart, $3  }
0xc9: {  	[dreg:$0x1] =	wrdreg $0xFFFFFFFF  }
0xca: {  	_ =	task.clear_ibuf [dreg:s9], $0x2FFFF;
	_ =	strace $0x9FFFFFFF  }
0xcb: {  	(tm) =	ssettm $0x7FFFFFFF  }
tec
execute0_lowered:
.L_overlay_start_1:
0x0: {  	(tag) =	ssettag $0x1  }
0x1: {  	s0 =	rddreg [dreg:$0x0]  }
0x2: {  	s2 =	rddreg [dreg:$0x1]  }
0x3: {  	s4 =	rddreg [dreg:$0x2]  }
0x4: {  	s5 =	rddreg [dreg:$0x3];
	s3 =	simm.s32 $0x0;
	s6 =	srdreg.scid  }
0x5: {  	s26 =	stileid.u32;
	[smem:$0x7FF] =	sst s3  }
0x6: {  	s1 =	sadd.s32 $0x600, s4;
	s6 =	sand.u32 $0x1, s6;
	s8 =	sshll.u32 s26, $0x7  }
0x7: {  	s28 =	sadd.s32 $0xF42A00, s4;
	s7 =	ssub.s32 $0x2, s6;
	s6 =	sshll.u32 s6, $0x6  }
0x8: {  	_ =	strace $0x80000047;
	[dreg:$0x6] =	wrdreg s1;
	s6 =	sor.u32 s6, s8  }
0x9: {  	[dreg:$0x5] =	wrdreg s28;
	s0 =	sadd.s32 s0, s6  }
0xa: {  	s9 =	sshrl.u32 s7, $0x1;
	s29 =	sadd.s32 s2, s6;
	[dreg:$0x19] =	wrdreg s0  }
0xb: {  	v0 =	vlaneseq.u32;
	s7 =	ssub.s32 s7, s9;
	s30 =	sadd.s32 s5, s6;
	[dreg:$0x1a] =	wrdreg s29  }
0xc: {  	v0 =	vmul.u32 $0x80, v0;
	[dreg:$0x1b] =	wrdreg s30;
	s31 =	smax.u32 s7, $0x1  }
0xd: {  	s1 =	simm.s32 $0x0;
	s2 =	simm.s32 $0x3;
	[dreg:$0x1c] =	wrdreg s31  }
.LBB2_1:
0xe: {  	[dreg:$0x1d] =	wrdreg s1  }
0xf: {  	s0 =	rddreg [dreg:$0x19]  }
0x10: {  	[tilespmem:s3], [sflag:$0x3] =	stream.linear.gather [hbm4b:s0+s3], $0x200, $0x38;
	[tilespmem:$0x10600] =	vst v63  }
0x11: {  	_ =	swait.ge [sflag:s2], $0x200  }
0x12: {  	[sflag:s2] =	ssyncset.done $0x0  }
0x13: {  	s18 =	simm.s32 $0x200;
	s19 =	rddreg [dreg:$0x1a];
	[sflag:s2] =	ssyncadd.s32 $0xFFFFFE00  }
0x14: {  	[tilespmem:s18], [sflag:$0x3] =	stream.linear.gather [hbm4b:s19+s3], $0x200, $0x38;
	[tilespmem:$0x10600] =	vst v63  }
0x15: {  	_ =	swait.ge [sflag:s2], $0x200  }
0x16: {  	[sflag:s2] =	ssyncset.done $0x0  }
0x17: {  	[sflag:s2] =	ssyncadd.s32 $0xFFFFFE00  }
0x18: {  	v1 =	vld [tilespmem:s3+$0x0]  }
0x19: {  	v3 =	vld [tilespmem:s18+$0x0];
	_ =	sdelay $0x3  }
0x1a: {  	v2 =	vshll.u32 v1, $0x4  }
0x1b: {  	v1 =	vshll.u32 v3, $0x4;
	(v2sf) =	vpush v2, $0x0  }
0x1c: {  	(v2sf) =	vpush v1, $0x0  }
0x1d: {  	(v2sf) =	vpush v2, $0x1;
	_ =	sdelay $0x1  }
0x1e: {  	(v2sf) =	vpush v1, $0x1  }
0x1f: {  	(v2sf) =	vpush v2, $0x2;
	_ =	sdelay $0x1  }
0x20: {  	(v2sf) =	vpush v1, $0x2;
	_ =	sdelay $0x1  }
0x21: {  	(v2sf) =	vpush v2, $0x3;
	_ =	sdelay $0x1  }
0x22: {  	s17 =	simm.s32 $0x2000;
	s16 =	simm.s32 $0x0;
	s6 =	simm.s32 $0x8400  }
0x23: {  	s5 =	simm.s32 $0x680;
	s7 =	simm.s32 $0x400;
	s9 =	simm.s32 $0x600  }
0x24: {  	s10 =	simm.s32 $0x580;
	s23 =	simm.s32 $0x480;
	s26 =	simm.s32 $0x8480  }
0x25: {  	s29 =	simm.s32 $0x500;
	s14 =	simm.s32 $0x8A00;
	s0 =	simm.s32 $0x8900  }
0x26: {  	s19 =	simm.s32 $0x8600;
	s12 =	rddreg [dreg:$0x6];
	s8 =	spop (v2sf);
	(v2sf) =	vpush v1, $0x3  }
0x27: {  	s4 =	rddreg [dreg:$0x5];
	s8 =	sand.u32 $0x1FFFFFF0, s8;
	s11 =	spop (v2sf)  }
0x28: {  	s2 =	simm.s32 $0x880;
	(v2sf) =	vpush v2, $0x4;
	s8 =	sadd.s32 s12, s8;
	s21 =	spop (v2sf)  }
0x29: {  	(v2sf) =	vpush v1, $0x4;
	[tilespmem:s7], [sflag:$0x1] =	stream.linear.gather [hbm4b:s8+s3], $0x80, $0x38;
	[tilespmem:$0x10600] =	vst v63  }
0x2a: {  	s20 =	sand.u32 $0x1FFFFFF0, s11;
	s7 =	simm.s32 $0x8580;
	s22 =	spop (v2sf)  }
0x2b: {  	s8 =	sadd.s32 s4, s20;
	s11 =	sand.u32 $0x1FFFFFF0, s21;
	s28 =	spop (v2sf)  }
0x2c: {  	(v2sf) =	vpush v2, $0x5;
	[tilespmem:s6], [sflag:$0x2] =	stream.linear.gather [hbm4b:s8+s3], $0x80, $0x38;
	[tilespmem:$0x10600] =	vst v63  }
0x2d: {  	s24 =	sadd.s32 s12, s11;
	s25 =	sand.u32 $0x1FFFFFF0, s22;
	s30 =	spop (v2sf)  }
0x2e: {  	(v2sf) =	vpush v1, $0x5;
	[tilespmem:s23], [sflag:$0x1] =	stream.linear.gather [hbm4b:s24+s3], $0x80, $0x38;
	[tilespmem:$0x10600] =	vst v63  }
0x2f: {  	s11 =	sadd.s32 s4, s25;
	s8 =	sand.u32 $0x1FFFFFF0, s28;
	s31 =	spop (v2sf)  }
0x30: {  	(v2sf) =	vpush v2, $0x6;
	[tilespmem:s26], [sflag:$0x2] =	stream.linear.gather [hbm4b:s11+s3], $0x80, $0x38;
	[tilespmem:$0x10600] =	vst v63  }
0x31: {  	s8 =	sadd.s32 s12, s8;
	s13 =	sand.u32 $0x1FFFFFF0, s31;
	s11 =	sand.u32 $0x1FFFFFF0, s30  }
0x32: {  	(v2sf) =	vpush v1, $0x6;
	[tilespmem:s29], [sflag:$0x1] =	stream.linear.gather [hbm4b:s8+s3], $0x80, $0x38;
	[tilespmem:$0x10600] =	vst v63  }
0x33: {  	s24 =	simm.s32 $0x8680;
	s11 =	sadd.s32 s4, s11;
	s8 =	simm.s32 $0x8500  }
0x34: {  	[tilespmem:s8], [sflag:$0x2] =	stream.linear.gather [hbm4b:s11+s3], $0x80, $0x38;
	[tilespmem:$0x10600] =	vst v63  }
0x35: {  	s18 =	sadd.s32 s12, s13;
	s13 =	simm.s32 $0xA80;
	s15 =	spop (v2sf)  }
0x36: {  	(v2sf) =	vpush v2, $0x7;
	[tilespmem:s10], [sflag:$0x1] =	stream.linear.gather [hbm4b:s18+s3], $0x80, $0x38;
	[tilespmem:$0x10600] =	vst v63  }
0x37: {  	s26 =	simm.s32 $0x700;
	s6 =	sand.u32 $0x1FFFFFF0, s15;
	s20 =	spop (v2sf)  }
0x38: {  	(v2sf) =	vpush v1, $0x7;
	s6 =	sadd.s32 s4, s6;
	s10 =	sand.u32 $0x1FFFFFF0, s20;
	s21 =	spop (v2sf)  }
0x39: {  	(v2sf) =	vpush v2, $0x8;
	[tilespmem:s7], [sflag:$0x2] =	stream.linear.gather [hbm4b:s6+s3], $0x80, $0x38;
	[tilespmem:$0x10600] =	vst v63  }
0x3a: {  	s18 =	simm.s32 $0x8700;
	s22 =	sadd.s32 s12, s10;
	s23 =	sand.u32 $0x1FFFFFF0, s21  }
0x3b: {  	s25 =	spop (v2sf);
	(v2sf) =	vpush v1, $0x8;
	s10 =	simm.s32 $0x8A80;
	s21 =	simm.s32 $0x780  }
0x3c: {  	(v2sf) =	vpush v2, $0x9;
	[tilespmem:s9], [sflag:$0x1] =	stream.linear.gather [hbm4b:s22+s3], $0x80, $0x38;
	[tilespmem:$0x10600] =	vst v63  }
0x3d: {  	s7 =	sadd.s32 s4, s23;
	s28 =	sand.u32 $0x1FFFFFF0, s25;
	s29 =	spop (v2sf)  }
0x3e: {  	(v2sf) =	vpush v1, $0x9;
	[tilespmem:s19], [sflag:$0x2] =	stream.linear.gather [hbm4b:s7+s3], $0x80, $0x38;
	[tilespmem:$0x10600] =	vst v63  }
0x3f: {  	s8 =	sadd.s32 s12, s28;
	s9 =	sand.u32 $0x1FFFFFF0, s29;
	s30 =	spop (v2sf);
	(v2sf) =	vpush v2, $0xA  }
0x40: {  	[tilespmem:s5], [sflag:$0x1] =	stream.linear.gather [hbm4b:s8+s3], $0x80, $0x38;
	[tilespmem:$0x10600] =	vst v63  }
0x41: {  	s31 =	sadd.s32 s4, s9;
	s1 =	sand.u32 $0x1FFFFFF0, s30;
	s11 =	spop (v2sf);
	(v2sf) =	vpush v1, $0xA  }
0x42: {  	[tilespmem:s24], [sflag:$0x2] =	stream.linear.gather [hbm4b:s31+s3], $0x80, $0x38;
	[tilespmem:$0x10600] =	vst v63  }
0x43: {  	s30 =	simm.s32 $0x8800;
	s15 =	sadd.s32 s12, s1;
	s6 =	sand.u32 $0x1FFFFFF0, s11  }
0x44: {  	[tilespmem:s26], [sflag:$0x1] =	stream.linear.gather [hbm4b:s15+s3], $0x80, $0x38;
	[tilespmem:$0x10600] =	vst v63  }
0x45: {  	s9 =	simm.s32 $0x8880;
	s6 =	sadd.s32 s4, s6;
	s19 =	spop (v2sf)  }
0x46: {  	[tilespmem:s18], [sflag:$0x2] =	stream.linear.gather [hbm4b:s6+s3], $0x80, $0x38;
	[tilespmem:$0x10600] =	vst v63  }
0x47: {  	s5 =	simm.s32 $0x8980;
	(v2sf) =	vpush v2, $0xB;
	s8 =	sand.u32 $0x1FFFFFF0, s19;
	s20 =	spop (v2sf)  }
0x48: {  	s24 =	simm.s32 $0x8780;
	s22 =	sadd.s32 s12, s8;
	s25 =	spop (v2sf)  }
0x49: {  	(v2sf) =	vpush v1, $0xB;
	[tilespmem:s21], [sflag:$0x1] =	stream.linear.gather [hbm4b:s22+s3], $0x80, $0x38;
	[tilespmem:$0x10600] =	vst v63  }
0x4a: {  	s26 =	simm.s32 $0x800;
	s23 =	sand.u32 $0x1FFFFFF0, s20;
	s28 =	spop (v2sf)  }
0x4b: {  	s8 =	sadd.s32 s4, s23;
	s7 =	sand.u32 $0x1FFFFFF0, s25;
	s29 =	spop (v2sf)  }
0x4c: {  	(v2sf) =	vpush v2, $0xC;
	[tilespmem:s24], [sflag:$0x2] =	stream.linear.gather [hbm4b:s8+s3], $0x80, $0x38;
	[tilespmem:$0x10600] =	vst v63  }
0x4d: {  	s15 =	simm.s32 $0x900;
	s7 =	sadd.s32 s12, s7;
	s11 =	spop (v2sf)  }
0x4e: {  	(v2sf) =	vpush v1, $0xC;
	s8 =	sand.u32 $0x1FFFFFF0, s28;
	s1 =	sand.u32 $0x1FFFFFF0, s29;
	s18 =	spop (v2sf)  }
0x4f: {  	[tilespmem:s26], [sflag:$0x1] =	stream.linear.gather [hbm4b:s7+s3], $0x80, $0x38;
	[tilespmem:$0x10600] =	vst v63  }
0x50: {  	s31 =	sadd.s32 s4, s8;
	s8 =	sadd.s32 s12, s1;
	s19 =	spop (v2sf)  }
0x51: {  	[tilespmem:s30], [sflag:$0x2] =	stream.linear.gather [hbm4b:s31+s3], $0x80, $0x38;
	[tilespmem:$0x10600] =	vst v63  }
0x52: {  	s7 =	sand.u32 $0x1FFFFFF0, s11;
	s26 =	simm.s32 $0x980;
	s21 =	sand.u32 $0x1FFFFFF0, s19  }
0x53: {  	[tilespmem:s2], [sflag:$0x1] =	stream.linear.gather [hbm4b:s8+s3], $0x80, $0x38;
	[tilespmem:$0x10600] =	vst v63  }
0x54: {  	s7 =	sadd.s32 s4, s7;
	s23 =	sadd.s32 s4, s21;
	s8 =	sand.u32 $0x1FFFFFF0, s18  }
0x55: {  	[tilespmem:s9], [sflag:$0x2] =	stream.linear.gather [hbm4b:s7+s3], $0x80, $0x38;
	[tilespmem:$0x10600] =	vst v63  }
0x56: {  	s21 =	simm.s32 $0x10;
	s20 =	sadd.s32 s12, s8;
	s22 =	spop (v2sf)  }
0x57: {  	[tilespmem:s15], [sflag:$0x1] =	stream.linear.gather [hbm4b:s20+s3], $0x80, $0x38;
	[tilespmem:$0x10600] =	vst v63  }
0x58: {  	s24 =	sand.u32 $0x1FFFFFF0, s22;
	s25 =	spop (v2sf);
	s22 =	simm.s32 $0x210  }
0x59: {  	(v2sf) =	vpush v2, $0xD;
	[tilespmem:s0], [sflag:$0x2] =	stream.linear.gather [hbm4b:s23+s3], $0x80, $0x38;
	[tilespmem:$0x10600] =	vst v63  }
0x5a: {  	(v2sf) =	vpush v1, $0xD;
	s28 =	sadd.s32 s12, s24;
	s29 =	sand.u32 $0x1FFFFFF0, s25;
	s25 =	simm.s32 $0xA00  }
0x5b: {  	(v2sf) =	vpush v2, $0xE;
	s24 =	simm.s32 $0xB00;
	s30 =	sadd.s32 s4, s29;
	s31 =	spop (v2sf)  }
0x5c: {  	(v2sf) =	vpush v1, $0xE;
	[tilespmem:s26], [sflag:$0x1] =	stream.linear.gather [hbm4b:s28+s3], $0x80, $0x38;
	[tilespmem:$0x10600] =	vst v63  }
0x5d: {  	s4 =	simm.s32 $0x8B00;
	(v2sf) =	vpush v2, $0xF;
	s0 =	sand.u32 $0x1FFFFFF0, s31;
	s2 =	spop (v2sf)  }
0x5e: {  	(v2sf) =	vpush v1, $0xF;
	[tilespmem:s5], [sflag:$0x2] =	stream.linear.gather [hbm4b:s30+s3], $0x80, $0x38;
	[tilespmem:$0x10600] =	vst v63  }
.LBB2_2:
0x5f: {  	_ =	sdelay $0x3  }
0x60: {  	s12 =	rddreg [dreg:$0x6]  }
0x61: {  	s2 =	sand.u32 $0x1FFFFFF0, s2;
	s23 =	rddreg [dreg:$0x5];
	s0 =	sadd.s32 s12, s0  }
0x62: {  	[tilespmem:s25], [sflag:$0x1] =	stream.linear.gather [hbm4b:s0+s3], $0x80, $0x38;
	[tilespmem:$0x10600] =	vst v63  }
0x63: {  	s19 =	sadd.s32 s23, s2  }
0x64: {  	[tilespmem:s14], [sflag:$0x2] =	stream.linear.gather [hbm4b:s19+s3], $0x80, $0x38;
	[tilespmem:$0x10600] =	vst v63  }
0x65: {  	s5 =	spop (v2sf)  }
0x66: {  	s20 =	sand.u32 $0x1FFFFFF0, s5;
	s25 =	spop (v2sf)  }
0x67: {  	s26 =	sadd.s32 s12, s20;
	s28 =	sand.u32 $0x1FFFFFF0, s25;
	s29 =	spop (v2sf)  }
0x68: {  	[tilespmem:s13], [sflag:$0x1] =	stream.linear.gather [hbm4b:s26+s3], $0x80, $0x38;
	[tilespmem:$0x10600] =	vst v63  }
0x69: {  	s30 =	sadd.s32 s23, s28;
	s31 =	sand.u32 $0x1FFFFFF0, s29;
	s1 =	spop (v2sf)  }
0x6a: {  	[tilespmem:s10], [sflag:$0x2] =	stream.linear.gather [hbm4b:s30+s3], $0x80, $0x38;
	[tilespmem:$0x10600] =	vst v63  }
0x6b: {  	s6 =	sadd.s32 s12, s31;
	s7 =	sand.u32 $0x1FFFFFF0, s1;
	s8 =	spop (v2sf)  }
0x6c: {  	[tilespmem:s24], [sflag:$0x1] =	stream.linear.gather [hbm4b:s6+s3], $0x80, $0x38;
	[tilespmem:$0x10600] =	vst v63  }
0x6d: {  	s9 =	sadd.s32 s23, s7;
	s10 =	sand.u32 $0x1FFFFFF0, s8;
	s11 =	spop (v2sf)  }
0x6e: {  	[tilespmem:s4], [sflag:$0x2] =	stream.linear.gather [hbm4b:s9+s3], $0x80, $0x38;
	[tilespmem:$0x10600] =	vst v63  }
0x6f: {  	s13 =	sadd.s32 $0xB80, s16;
	s2 =	sadd.s32 s12, s10;
	s5 =	sand.u32 $0x1FFFFFF0, s11  }
0x70: {  	[tilespmem:s13], [sflag:$0x1] =	stream.linear.gather [hbm4b:s2+s3], $0x80, $0x38;
	[tilespmem:$0x10600] =	vst v63  }
0x71: {  	s14 =	sadd.s32 $0x8B80, s16;
	s15 =	sadd.s32 s23, s5  }
0x72: {  	[tilespmem:s14], [sflag:$0x2] =	stream.linear.gather [hbm4b:s15+s3], $0x80, $0x38;
	[tilespmem:$0x10600] =	vst v63  }
0x73: {  	v1 =	vld [tilespmem:s21+$0x0]  }
0x74: {  	v3 =	vld [tilespmem:s22+$0x0];
	_ =	sdelay $0x3  }
0x75: {  	v2 =	vshll.u32 v1, $0x4  }
0x76: {  	s16 =	smov.u32 s17;
	v1 =	vshll.u32 v3, $0x4;
	(v2sf) =	vpush v2, $0x0  }
0x77: {  	p0 =	sne.s32 s17, $0x1E000;
	s16 =	sshra.s32 s16, $0x2;
	(v2sf) =	vpush v1, $0x0  }
0x78: {  	s17 =	sadd.s32 $0x2000, s17;
	s30 =	sadd.s32 $0x8400, s16;
	s0 =	sadd.s32 $0x680, s16;
	(v2sf) =	vpush v2, $0x1  }
0x79: {  	s18 =	sadd.s32 $0x880, s16;
	s26 =	sadd.s32 $0x400, s16;
	s19 =	sadd.s32 $0x8900, s16  }
0x7a: {  	s29 =	sadd.s32 $0x500, s16;
	s31 =	sadd.s32 $0x8480, s16;
	[dreg:$0x18] =	wrdreg s0;
	(v2sf) =	vpush v1, $0x1  }
0x7b: {  	s28 =	sadd.s32 $0x8500, s16;
	s1 =	sadd.s32 $0x8980, s16;
	[dreg:$0xb] =	wrdreg s18  }
0x7c: {  	s8 =	sadd.s32 $0x8700, s16;
	s20 =	sadd.s32 $0x8880, s16;
	[dreg:$0x7] =	wrdreg s19;
	(v2sf) =	vpush v2, $0x2  }
0x7d: {  	s7 =	sadd.s32 $0x780, s16;
	s25 =	sadd.s32 $0x8800, s16;
	[dreg:$0x9] =	wrdreg s1  }
0x7e: {  	s10 =	sadd.s32 $0x600, s16;
	s18 =	sadd.s32 $0x580, s16;
	[dreg:$0xf] =	wrdreg s20;
	(v2sf) =	vpush v1, $0x2  }
0x7f: {  	s0 =	sadd.s32 $0x8580, s16;
	s11 =	sadd.s32 $0x8600, s16;
	[dreg:$0x14] =	wrdreg s25  }
0x80: {  	s25 =	sadd.s32 $0xA00, s16;
	s19 =	sadd.s32 $0x480, s16;
	s24 =	sadd.s32 $0x900, s16;
	(v2sf) =	vpush v2, $0x3  }
0x81: {  	s5 =	sadd.s32 $0x8A80, s16;
	s6 =	sadd.s32 $0x8780, s16;
	[dreg:$0xd] =	wrdreg s24  }
0x82: {  	s24 =	sadd.s32 $0xB00, s16;
	s9 =	sadd.s32 $0x700, s16;
	s4 =	sadd.s32 $0x800, s16;
	(v2sf) =	vpush v1, $0x3  }
0x83: {  	[dreg:$0x16] =	wrdreg s4;
	s4 =	sadd.s32 $0x8B00, s16;
	s2 =	sadd.s32 $0x8A00, s16  }
0x84: {  	s13 =	sadd.s32 $0xA80, s16;
	s15 =	sadd.s32 $0x8680, s16;
	s14 =	sadd.s32 $0x980, s16;
	(v2sf) =	vpush v2, $0x4  }
0x85: {  	s21 =	sadd.s32 $0x10, s21;
	s22 =	sadd.s32 $0x10, s22;
	s20 =	spop (v2sf)  }
0x86: {  	[dreg:$0x12] =	wrdreg s14;
	s20 =	sand.u32 $0x1FFFFFF0, s20;
	s14 =	spop (v2sf);
	(v2sf) =	vpush v1, $0x4  }
0x87: {  	s20 =	sadd.s32 s12, s20;
	s1 =	sand.u32 $0x1FFFFFF0, s14;
	s14 =	spop (v2sf)  }
0x88: {  	(v2sf) =	vpush v2, $0x5;
	[tilespmem:s26], [sflag:$0x1] =	stream.linear.gather [hbm4b:s20+s3], $0x80, $0x38;
	[tilespmem:$0x10600] =	vst v63  }
0x89: {  	s1 =	sadd.s32 s23, s1;
	s14 =	sand.u32 $0x1FFFFFF0, s14;
	s26 =	spop (v2sf);
	(v2sf) =	vpush v1, $0x5  }
0x8a: {  	[tilespmem:s30], [sflag:$0x2] =	stream.linear.gather [hbm4b:s1+s3], $0x80, $0x38;
	[tilespmem:$0x10600] =	vst v63  }
0x8b: {  	s14 =	sadd.s32 s12, s14;
	s26 =	sand.u32 $0x1FFFFFF0, s26;
	s30 =	spop (v2sf)  }
0x8c: {  	(v2sf) =	vpush v2, $0x6;
	[tilespmem:s19], [sflag:$0x1] =	stream.linear.gather [hbm4b:s14+s3], $0x80, $0x38;
	[tilespmem:$0x10600] =	vst v63  }
0x8d: {  	s20 =	spop (v2sf);
	s14 =	sadd.s32 s23, s26;
	s19 =	sand.u32 $0x1FFFFFF0, s30  }
0x8e: {  	(v2sf) =	vpush v1, $0x6;
	[tilespmem:s31], [sflag:$0x2] =	stream.linear.gather [hbm4b:s14+s3], $0x80, $0x38;
	[tilespmem:$0x10600] =	vst v63  }
0x8f: {  	s30 =	sand.u32 $0x1FFFFFF0, s20;
	s26 =	sadd.s32 s12, s19;
	s31 =	spop (v2sf)  }
0x90: {  	(v2sf) =	vpush v2, $0x7;
	[tilespmem:s29], [sflag:$0x1] =	stream.linear.gather [hbm4b:s26+s3], $0x80, $0x38;
	[tilespmem:$0x10600] =	vst v63  }
0x91: {  	s14 =	sadd.s32 s23, s30;
	s20 =	sand.u32 $0x1FFFFFF0, s31;
	s26 =	spop (v2sf)  }
0x92: {  	(v2sf) =	vpush v1, $0x7;
	[tilespmem:s28], [sflag:$0x2] =	stream.linear.gather [hbm4b:s14+s3], $0x80, $0x38;
	[tilespmem:$0x10600] =	vst v63  }
0x93: {  	s29 =	sadd.s32 s12, s20;
	s30 =	sand.u32 $0x1FFFFFF0, s26;
	s31 =	spop (v2sf)  }
0x94: {  	(v2sf) =	vpush v2, $0x8;
	[tilespmem:s18], [sflag:$0x1] =	stream.linear.gather [hbm4b:s29+s3], $0x80, $0x38;
	[tilespmem:$0x10600] =	vst v63  }
0x95: {  	s20 =	sadd.s32 s23, s30;
	s26 =	sand.u32 $0x1FFFFFF0, s31;
	s28 =	spop (v2sf)  }
0x96: {  	[tilespmem:s0], [sflag:$0x2] =	stream.linear.gather [hbm4b:s20+s3], $0x80, $0x38;
	[tilespmem:$0x10600] =	vst v63  }
0x97: {  	s14 =	smov.u32 s2;
	s29 =	sadd.s32 s12, s26;
	s31 =	spop (v2sf)  }
0x98: {  	(v2sf) =	vpush v1, $0x8;
	s30 =	sand.u32 $0x1FFFFFF0, s28;
	s28 =	rddreg [dreg:$0x18];
	s18 =	spop (v2sf)  }
0x99: {  	[tilespmem:s10], [sflag:$0x1] =	stream.linear.gather [hbm4b:s29+s3], $0x80, $0x38;
	[tilespmem:$0x10600] =	vst v63  }
0x9a: {  	(v2sf) =	vpush v2, $0x9;
	s1 =	sadd.s32 s23, s30;
	s10 =	sand.u32 $0x1FFFFFF0, s31;
	s20 =	sand.u32 $0x1FFFFFF0, s18  }
0x9b: {  	(v2sf) =	vpush v1, $0x9;
	s19 =	sadd.s32 s12, s10;
	s26 =	spop (v2sf);
	s29 =	sadd.s32 s23, s20  }
0x9c: {  	[tilespmem:s11], [sflag:$0x2] =	stream.linear.gather [hbm4b:s1+s3], $0x80, $0x38;
	[tilespmem:$0x10600] =	vst v63  }
0x9d: {  	s10 =	smov.u32 s5;
	s30 =	sand.u32 $0x1FFFFFF0, s26;
	s31 =	spop (v2sf)  }
0x9e: {  	[tilespmem:s28], [sflag:$0x1] =	stream.linear.gather [hbm4b:s19+s3], $0x80, $0x38;
	[tilespmem:$0x10600] =	vst v63  }
0x9f: {  	(v2sf) =	vpush v2, $0xA;
	s2 =	sadd.s32 s12, s30;
	s5 =	sand.u32 $0x1FFFFFF0, s31;
	s11 =	spop (v2sf)  }
0xa0: {  	[tilespmem:s15], [sflag:$0x2] =	stream.linear.gather [hbm4b:s29+s3], $0x80, $0x38;
	[tilespmem:$0x10600] =	vst v63  }
0xa1: {  	(v2sf) =	vpush v1, $0xA;
	s15 =	sadd.s32 s23, s5;
	s18 =	sand.u32 $0x1FFFFFF0, s11;
	s19 =	spop (v2sf)  }
0xa2: {  	[tilespmem:s9], [sflag:$0x1] =	stream.linear.gather [hbm4b:s2+s3], $0x80, $0x38;
	[tilespmem:$0x10600] =	vst v63  }
0xa3: {  	s20 =	sadd.s32 s12, s18;
	s26 =	sand.u32 $0x1FFFFFF0, s19;
	s28 =	spop (v2sf)  }
0xa4: {  	[tilespmem:s8], [sflag:$0x2] =	stream.linear.gather [hbm4b:s15+s3], $0x80, $0x38;
	[tilespmem:$0x10600] =	vst v63  }
0xa5: {  	(v2sf) =	vpush v2, $0xB;
	s18 =	rddreg [dreg:$0x14];
	s29 =	sadd.s32 s23, s26;
	s30 =	sand.u32 $0x1FFFFFF0, s28  }
0xa6: {  	[tilespmem:s7], [sflag:$0x1] =	stream.linear.gather [hbm4b:s20+s3], $0x80, $0x38;
	[tilespmem:$0x10600] =	vst v63  }
0xa7: {  	(v2sf) =	vpush v1, $0xB;
	s28 =	rddreg [dreg:$0xb];
	s2 =	sadd.s32 s12, s30;
	s31 =	spop (v2sf)  }
0xa8: {  	(v2sf) =	vpush v2, $0xC;
	[tilespmem:s6], [sflag:$0x2] =	stream.linear.gather [hbm4b:s29+s3], $0x80, $0x38;
	[tilespmem:$0x10600] =	vst v63  }
0xa9: {  	s8 =	rddreg [dreg:$0x16];
	s7 =	spop (v2sf);
	s6 =	sand.u32 $0x1FFFFFF0, s31  }
0xaa: {  	(v2sf) =	vpush v1, $0xC;
	s11 =	sand.u32 $0x1FFFFFF0, s7;
	s15 =	spop (v2sf);
	s9 =	sadd.s32 s23, s6  }
0xab: {  	[tilespmem:s8], [sflag:$0x1] =	stream.linear.gather [hbm4b:s2+s3], $0x80, $0x38;
	[tilespmem:$0x10600] =	vst v63  }
0xac: {  	s19 =	sadd.s32 s12, s11;
	s20 =	sand.u32 $0x1FFFFFF0, s15;
	s6 =	rddreg [dreg:$0xf]  }
0xad: {  	[tilespmem:s18], [sflag:$0x2] =	stream.linear.gather [hbm4b:s9+s3], $0x80, $0x38;
	[tilespmem:$0x10600] =	vst v63  }
0xae: {  	s11 =	rddreg [dreg:$0xd];
	s26 =	spop (v2sf);
	s29 =	sadd.s32 s23, s20  }
0xaf: {  	[tilespmem:s28], [sflag:$0x1] =	stream.linear.gather [hbm4b:s19+s3], $0x80, $0x38;
	[tilespmem:$0x10600] =	vst v63  }
0xb0: {  	s20 =	rddreg [dreg:$0x7];
	s30 =	sand.u32 $0x1FFFFFF0, s26;
	s31 =	spop (v2sf)  }
0xb1: {  	[tilespmem:s6], [sflag:$0x2] =	stream.linear.gather [hbm4b:s29+s3], $0x80, $0x38;
	[tilespmem:$0x10600] =	vst v63  }
0xb2: {  	s7 =	sadd.s32 s12, s30;
	s8 =	sand.u32 $0x1FFFFFF0, s31;
	s30 =	rddreg [dreg:$0x12]  }
0xb3: {  	[tilespmem:s11], [sflag:$0x1] =	stream.linear.gather [hbm4b:s7+s3], $0x80, $0x38;
	[tilespmem:$0x10600] =	vst v63  }
0xb4: {  	s31 =	rddreg [dreg:$0x9];
	s15 =	sadd.s32 s23, s8;
	s9 =	spop (v2sf)  }
0xb5: {  	(v2sf) =	vpush v2, $0xD;
	[tilespmem:s20], [sflag:$0x2] =	stream.linear.gather [hbm4b:s15+s3], $0x80, $0x38;
	[tilespmem:$0x10600] =	vst v63  }
.Ltmp0:
0xb6: {  	(v2sf) =	vpush v1, $0xD;
	s18 =	sand.u32 $0x1FFFFFF0, s9;
	s19 =	spop (v2sf);
	(pc) =	sbr.rel @p0 .LBB2_2-.Ltmp0, $4  }
0xb7: {  	(v2sf) =	vpush v2, $0xE;
	s26 =	sadd.s32 s12, s18;
	s28 =	sand.u32 $0x1FFFFFF0, s19;
	s29 =	spop (v2sf)  }
0xb8: {  	(v2sf) =	vpush v1, $0xE;
	[tilespmem:s30], [sflag:$0x1] =	stream.linear.gather [hbm4b:s26+s3], $0x80, $0x38;
	[tilespmem:$0x10600] =	vst v63  }
0xb9: {  	(v2sf) =	vpush v2, $0xF;
	s1 =	sadd.s32 s23, s28;
	s0 =	sand.u32 $0x1FFFFFF0, s29;
	s2 =	spop (v2sf)  }
0xba: {  	(v2sf) =	vpush v1, $0xF;
	[tilespmem:s31], [sflag:$0x2] =	stream.linear.gather [hbm4b:s1+s3], $0x80, $0x38;
	[tilespmem:$0x10600] =	vst v63  }
0xbb: {  	_ =	sdelay $0x3  }
0xbc: {  	s5 =	rddreg [dreg:$0x6]  }
0xbd: {  	s1 =	sand.u32 $0x1FFFFFF0, s2;
	s6 =	rddreg [dreg:$0x5];
	s0 =	sadd.s32 s5, s0  }
0xbe: {  	[tilespmem:s25], [sflag:$0x1] =	stream.linear.gather [hbm4b:s0+s3], $0x80, $0x38;
	[tilespmem:$0x10600] =	vst v63  }
0xbf: {  	s9 =	sadd.s32 s6, s1  }
0xc0: {  	[tilespmem:s14], [sflag:$0x2] =	stream.linear.gather [hbm4b:s9+s3], $0x80, $0x38;
	[tilespmem:$0x10600] =	vst v63  }
0xc1: {  	s8 =	spop (v2sf)  }
0xc2: {  	s11 =	sand.u32 $0x1FFFFFF0, s8;
	s12 =	spop (v2sf)  }
0xc3: {  	s14 =	sadd.s32 s5, s11;
	s15 =	sand.u32 $0x1FFFFFF0, s12;
	s17 =	spop (v2sf)  }
0xc4: {  	[tilespmem:s13], [sflag:$0x1] =	stream.linear.gather [hbm4b:s14+s3], $0x80, $0x38;
	[tilespmem:$0x10600] =	vst v63  }
0xc5: {  	s18 =	sadd.s32 s6, s15;
	s19 =	sand.u32 $0x1FFFFFF0, s17;
	s20 =	spop (v2sf)  }
0xc6: {  	[tilespmem:s10], [sflag:$0x2] =	stream.linear.gather [hbm4b:s18+s3], $0x80, $0x38;
	[tilespmem:$0x10600] =	vst v63  }
0xc7: {  	s21 =	sadd.s32 s5, s19;
	s22 =	sand.u32 $0x1FFFFFF0, s20;
	s23 =	spop (v2sf)  }
0xc8: {  	[tilespmem:s24], [sflag:$0x1] =	stream.linear.gather [hbm4b:s21+s3], $0x80, $0x38;
	[tilespmem:$0x10600] =	vst v63  }
0xc9: {  	s25 =	sadd.s32 s6, s22;
	s26 =	sand.u32 $0x1FFFFFF0, s23;
	s28 =	spop (v2sf)  }
0xca: {  	[tilespmem:s4], [sflag:$0x2] =	stream.linear.gather [hbm4b:s25+s3], $0x80, $0x38;
	[tilespmem:$0x10600] =	vst v63  }
0xcb: {  	s29 =	sadd.s32 $0xB80, s16;
	s1 =	sadd.s32 s5, s26;
	s2 =	sand.u32 $0x1FFFFFF0, s28  }
0xcc: {  	[tilespmem:s29], [sflag:$0x1] =	stream.linear.gather [hbm4b:s1+s3], $0x80, $0x38;
	[tilespmem:$0x10600] =	vst v63  }
0xcd: {  	s30 =	sadd.s32 $0x8B80, s16;
	s5 =	simm.s32 $0x1;
	s31 =	sadd.s32 s6, s2  }
0xce: {  	[tilespmem:s30], [sflag:$0x2] =	stream.linear.gather [hbm4b:s31+s3], $0x80, $0x38;
	[tilespmem:$0x10600] =	vst v63  }
0xcf: {  	_ =	swait.ge [sflag:s5], $0x80  }
0xd0: {  	[sflag:s5] =	ssyncset.done $0x0  }
0xd1: {  	s1 =	simm.s32 $0x2;
	[sflag:s5] =	ssyncadd.s32 $0xFFFFFF80  }
0xd2: {  	_ =	swait.ge [sflag:s1], $0x80  }
0xd3: {  	s0 =	simm.s32 $0xFF;
	s2 =	simm.s32 $0x8400;
	[sflag:s1] =	ssyncset.done $0x0  }
.LBB2_4:
0xd4: {  	p0 =	sne.s32 s0, $0x1;
	s0 =	sadd.s32 $0xFFFFFFFF, s0;
	[sflag:s1] =	ssyncadd.s32 $0xFFFFFF80  }
.Ltmp1:
0xd5: {  	_ =	swait.ge [sflag:s5], $0x80;
	(pc) =	sbr.rel @p0 .LBB2_4-.Ltmp1, $4  }
0xd6: {  	[sflag:s5] =	ssyncset.done $0x0  }
0xd7: {  	[sflag:s5] =	ssyncadd.s32 $0xFFFFFF80  }
0xd8: {  	_ =	swait.ge [sflag:s1], $0x80  }
0xd9: {  	[sflag:s1] =	ssyncset.done $0x0  }
0xda: {  	s0 =	simm.s32 $0x0  }
0xdb: {  	v1 =	vmov s0  }
0xdc: {  	v1 =	vshll.u32 v1, $0x7  }
0xdd: {  	v1 =	vor.u32 v0, v1;
	_ =	sdelay $0x1  }
0xde: {  	v2 =	vor.u32 $0x1, v1;
	_ =	sdelay $0x1  }
0xdf: {  	[sflag:s1] =	ssyncadd.s32 $0xFFFFFF80;
	v3 =	vor.u32 $0x2, v1  }
0xe0: {  	s1 =	simm.s32 $0x400;
	v4 =	vld.idx.msk [tilespmem:v1+s2+$0x0], $0xffff  }
0xe1: {  	v6 =	vor.u32 $0x3, v1;
	v5 =	vld.idx.msk [tilespmem:v1+s1+$0x0], $0xffff  }
0xe2: {  	v7 =	vld.idx.msk [tilespmem:v2+s1+$0x0], $0xffff  }
0xe3: {  	v8 =	vor.u32 $0x4, v1;
	v2 =	vld.idx.msk [tilespmem:v2+s2+$0x0], $0xffff  }
0xe4: {  	v9 =	vld.idx.msk [tilespmem:v3+s1+$0x0], $0xffff  }
0xe5: {  	v10 =	vor.u32 $0x5, v1;
	v3 =	vld.idx.msk [tilespmem:v3+s2+$0x0], $0xffff  }
0xe6: {  	v11 =	vld.idx.msk [tilespmem:v6+s1+$0x0], $0xffff;
	v4 =	vmul.f32 v4, v5  }
0xe7: {  	v5 =	vld.idx.msk [tilespmem:v6+s2+$0x0], $0xffff;
	v6 =	vor.u32 $0x6, v1  }
0xe8: {  	v12 =	vld.idx.msk [tilespmem:v8+s1+$0x0], $0xffff;
	v2 =	vmul.f32 v2, v7;
	v4 =	vadd.f32 $0.0e+00, v4  }
0xe9: {  	v25 =	vor.u32 $0x7, v1;
	v7 =	vld.idx.msk [tilespmem:v8+s2+$0x0], $0xffff  }
0xea: {  	v13 =	vld.idx.msk [tilespmem:v10+s1+$0x0], $0xffff;
	v3 =	vmul.f32 v3, v9;
	v2 =	vadd.f32 v2, v4  }
0xeb: {  	v26 =	vor.u32 $0x8, v1;
	v4 =	vld.idx.msk [tilespmem:v10+s2+$0x0], $0xffff  }
0xec: {  	v27 =	vld.idx.msk [tilespmem:v6+s1+$0x0], $0xffff;
	v2 =	vadd.f32 v3, v2;
	v3 =	vmul.f32 v5, v11  }
0xed: {  	v5 =	vld.idx.msk [tilespmem:v6+s2+$0x0], $0xffff;
	v6 =	vor.u32 $0x9, v1  }
0xee: {  	v28 =	vld.idx.msk [tilespmem:v25+s1+$0x0], $0xffff;
	v2 =	vadd.f32 v3, v2;
	v3 =	vmul.f32 v7, v12  }
0xef: {  	v29 =	vor.u32 $0xA, v1;
	v7 =	vld.idx.msk [tilespmem:v25+s2+$0x0], $0xffff  }
0xf0: {  	v30 =	vld.idx.msk [tilespmem:v26+s1+$0x0], $0xffff;
	v2 =	vadd.f32 v3, v2;
	v3 =	vmul.f32 v4, v13  }
0xf1: {  	v31 =	vor.u32 $0xB, v1;
	v4 =	vld.idx.msk [tilespmem:v26+s2+$0x0], $0xffff  }
0xf2: {  	v32 =	vld.idx.msk [tilespmem:v6+s1+$0x0], $0xffff;
	v2 =	vadd.f32 v3, v2;
	v3 =	vmul.f32 v5, v27  }
0xf3: {  	v5 =	vld.idx.msk [tilespmem:v6+s2+$0x0], $0xffff;
	v6 =	vor.u32 $0xC, v1  }
0xf4: {  	v33 =	vld.idx.msk [tilespmem:v29+s1+$0x0], $0xffff;
	v2 =	vadd.f32 v3, v2;
	v3 =	vmul.f32 v7, v28  }
0xf5: {  	v34 =	vor.u32 $0xD, v1;
	v7 =	vld.idx.msk [tilespmem:v29+s2+$0x0], $0xffff  }
0xf6: {  	v35 =	vld.idx.msk [tilespmem:v31+s1+$0x0], $0xffff;
	v2 =	vadd.f32 v3, v2;
	v3 =	vmul.f32 v4, v30  }
0xf7: {  	v36 =	vor.u32 $0xE, v1;
	v4 =	vld.idx.msk [tilespmem:v31+s2+$0x0], $0xffff  }
0xf8: {  	v37 =	vld.idx.msk [tilespmem:v6+s1+$0x0], $0xffff;
	v2 =	vadd.f32 v3, v2;
	v3 =	vmul.f32 v5, v32  }
0xf9: {  	v5 =	vld.idx.msk [tilespmem:v6+s2+$0x0], $0xffff;
	v6 =	vor.u32 $0xF, v1  }
0xfa: {  	v38 =	vld.idx.msk [tilespmem:v34+s1+$0x0], $0xffff;
	v2 =	vadd.f32 v3, v2;
	v3 =	vmul.f32 v7, v33  }
0xfb: {  	v39 =	vor.u32 $0x10, v1;
	v7 =	vld.idx.msk [tilespmem:v34+s2+$0x0], $0xffff  }
0xfc: {  	v40 =	vld.idx.msk [tilespmem:v36+s1+$0x0], $0xffff;
	v2 =	vadd.f32 v3, v2;
	v3 =	vmul.f32 v4, v35  }
0xfd: {  	v41 =	vor.u32 $0x11, v1;
	v4 =	vld.idx.msk [tilespmem:v36+s2+$0x0], $0xffff  }
0xfe: {  	v42 =	vld.idx.msk [tilespmem:v6+s1+$0x0], $0xffff;
	v2 =	vadd.f32 v3, v2;
	v3 =	vmul.f32 v5, v37  }
0xff: {  	v5 =	vld.idx.msk [tilespmem:v6+s2+$0x0], $0xffff;
	v6 =	vor.u32 $0x12, v1  }
0x100: {  	v43 =	vld.idx.msk [tilespmem:v39+s1+$0x0], $0xffff;
	v2 =	vadd.f32 v3, v2;
	v3 =	vmul.f32 v7, v38  }
0x101: {  	v44 =	vor.u32 $0x13, v1;
	v7 =	vld.idx.msk [tilespmem:v39+s2+$0x0], $0xffff  }
0x102: {  	v45 =	vld.idx.msk [tilespmem:v41+s1+$0x0], $0xffff;
	v2 =	vadd.f32 v3, v2;
	v3 =	vmul.f32 v4, v40  }
0x103: {  	v46 =	vor.u32 $0x14, v1;
	v4 =	vld.idx.msk [tilespmem:v41+s2+$0x0], $0xffff  }
0x104: {  	v47 =	vld.idx.msk [tilespmem:v6+s1+$0x0], $0xffff;
	v2 =	vadd.f32 v3, v2;
	v3 =	vmul.f32 v5, v42  }
0x105: {  	v5 =	vld.idx.msk [tilespmem:v6+s2+$0x0], $0xffff;
	v6 =	vor.u32 $0x15, v1  }
0x106: {  	v48 =	vld.idx.msk [tilespmem:v44+s1+$0x0], $0xffff;
	v2 =	vadd.f32 v3, v2;
	v3 =	vmul.f32 v7, v43  }
0x107: {  	v49 =	vor.u32 $0x16, v1;
	v7 =	vld.idx.msk [tilespmem:v44+s2+$0x0], $0xffff  }
0x108: {  	v50 =	vld.idx.msk [tilespmem:v46+s1+$0x0], $0xffff;
	v2 =	vadd.f32 v3, v2;
	v3 =	vmul.f32 v4, v45  }
0x109: {  	v51 =	vor.u32 $0x17, v1;
	v4 =	vld.idx.msk [tilespmem:v46+s2+$0x0], $0xffff  }
0x10a: {  	v52 =	vld.idx.msk [tilespmem:v6+s1+$0x0], $0xffff;
	v2 =	vadd.f32 v3, v2;
	v3 =	vmul.f32 v5, v47  }
0x10b: {  	v5 =	vld.idx.msk [tilespmem:v6+s2+$0x0], $0xffff;
	v6 =	vor.u32 $0x18, v1  }
0x10c: {  	v53 =	vld.idx.msk [tilespmem:v49+s1+$0x0], $0xffff;
	v2 =	vadd.f32 v3, v2;
	v3 =	vmul.f32 v7, v48  }
0x10d: {  	v54 =	vor.u32 $0x19, v1;
	v7 =	vld.idx.msk [tilespmem:v49+s2+$0x0], $0xffff  }
0x10e: {  	v55 =	vld.idx.msk [tilespmem:v51+s1+$0x0], $0xffff;
	v2 =	vadd.f32 v3, v2;
	v3 =	vmul.f32 v4, v50  }
0x10f: {  	v56 =	vor.u32 $0x1A, v1;
	v4 =	vld.idx.msk [tilespmem:v51+s2+$0x0], $0xffff  }
0x110: {  	v57 =	vld.idx.msk [tilespmem:v6+s1+$0x0], $0xffff;
	v2 =	vadd.f32 v3, v2;
	v3 =	vmul.f32 v5, v52  }
0x111: {  	v5 =	vld.idx.msk [tilespmem:v6+s2+$0x0], $0xffff;
	v6 =	vor.u32 $0x1B, v1  }
0x112: {  	v58 =	vld.idx.msk [tilespmem:v54+s1+$0x0], $0xffff;
	v2 =	vadd.f32 v3, v2;
	v3 =	vmul.f32 v7, v53  }
0x113: {  	v59 =	vor.u32 $0x1C, v1;
	v7 =	vld.idx.msk [tilespmem:v54+s2+$0x0], $0xffff  }
0x114: {  	v60 =	vld.idx.msk [tilespmem:v56+s1+$0x0], $0xffff;
	v2 =	vadd.f32 v3, v2;
	v3 =	vmul.f32 v4, v55  }
0x115: {  	v61 =	vor.u32 $0x1D, v1;
	v4 =	vld.idx.msk [tilespmem:v56+s2+$0x0], $0xffff  }
0x116: {  	v62 =	vld.idx.msk [tilespmem:v6+s1+$0x0], $0xffff;
	v2 =	vadd.f32 v3, v2;
	v3 =	vmul.f32 v5, v57  }
0x117: {  	v5 =	vld.idx.msk [tilespmem:v6+s2+$0x0], $0xffff;
	v6 =	vor.u32 $0x1E, v1  }
0x118: {  	v63 =	vld.idx.msk [tilespmem:v59+s1+$0x0], $0xffff;
	v2 =	vadd.f32 v3, v2;
	v3 =	vmul.f32 v7, v58  }
0x119: {  	v1 =	vor.u32 $0x1F, v1;
	v7 =	vld.idx.msk [tilespmem:v59+s2+$0x0], $0xffff  }
0x11a: {  	v15 =	vld.idx.msk [tilespmem:v61+s1+$0x0], $0xffff;
	v2 =	vadd.f32 v3, v2;
	v3 =	vmul.f32 v4, v60  }
0x11b: {  	v4 =	vld.idx.msk [tilespmem:v61+s2+$0x0], $0xffff  }
0x11c: {  	v16 =	vld.idx.msk [tilespmem:v6+s1+$0x0], $0xffff;
	v2 =	vadd.f32 v3, v2;
	v3 =	vmul.f32 v5, v62  }
0x11d: {  	v5 =	vld.idx.msk [tilespmem:v6+s2+$0x0], $0xffff  }
0x11e: {  	v6 =	vld.idx.msk [tilespmem:v1+s1+$0x0], $0xffff;
	v2 =	vadd.f32 v3, v2;
	v3 =	vmul.f32 v7, v63  }
0x11f: {  	v7 =	vld.idx.msk [tilespmem:v1+s2+$0x0], $0xffff  }
0x120: {  	v1 =	vadd.f32 v3, v2;
	v2 =	vmul.f32 v4, v15  }
0x121: {  	s30 =	simm.s32 $0x10  }
0x122: {  	v3 =	vmov s30;
	v4 =	vmul.f32 v5, v16;
	v2 =	vadd.f32 v2, v1  }
0x123: {  	v1 =	vshll.u32 v3, $0x7  }
0x124: {  	v1 =	vor.u32 v0, v1;
	v3 =	vmul.f32 v7, v6;
	v2 =	vadd.f32 v4, v2;
	_ =	sdelay $0x1  }
0x125: {  	v4 =	vor.u32 $0x1, v1;
	v2 =	vadd.f32 v3, v2  }
0x126: {  	s16 =	simm.s32 $0x10400  }
0x127: {  	v3 =	vor.u32 $0x2, v1;
	[tilespmem:s16+$0x0] =	vst v2  }
0x128: {  	v2 =	vld.idx.msk [tilespmem:v1+s2+$0x0], $0xffff  }
0x129: {  	v6 =	vor.u32 $0x3, v1;
	v5 =	vld.idx.msk [tilespmem:v1+s1+$0x0], $0xffff  }
0x12a: {  	v7 =	vld.idx.msk [tilespmem:v4+s1+$0x0], $0xffff  }
0x12b: {  	v17 =	vor.u32 $0x4, v1;
	v4 =	vld.idx.msk [tilespmem:v4+s2+$0x0], $0xffff  }
0x12c: {  	v18 =	vld.idx.msk [tilespmem:v3+s1+$0x0], $0xffff  }
0x12d: {  	v19 =	vor.u32 $0x5, v1;
	v3 =	vld.idx.msk [tilespmem:v3+s2+$0x0], $0xffff  }
0x12e: {  	v20 =	vld.idx.msk [tilespmem:v6+s1+$0x0], $0xffff;
	v2 =	vmul.f32 v2, v5  }
0x12f: {  	v5 =	vld.idx.msk [tilespmem:v6+s2+$0x0], $0xffff;
	v6 =	vor.u32 $0x6, v1  }
0x130: {  	v21 =	vld.idx.msk [tilespmem:v17+s1+$0x0], $0xffff;
	v4 =	vmul.f32 v4, v7;
	v2 =	vadd.f32 $0.0e+00, v2  }
0x131: {  	v22 =	vor.u32 $0x7, v1;
	v7 =	vld.idx.msk [tilespmem:v17+s2+$0x0], $0xffff  }
0x132: {  	v23 =	vld.idx.msk [tilespmem:v19+s1+$0x0], $0xffff;
	v3 =	vmul.f32 v3, v18;
	v2 =	vadd.f32 v4, v2  }
0x133: {  	v24 =	vor.u32 $0x8, v1;
	v4 =	vld.idx.msk [tilespmem:v19+s2+$0x0], $0xffff  }
0x134: {  	v25 =	vld.idx.msk [tilespmem:v6+s1+$0x0], $0xffff;
	v2 =	vadd.f32 v3, v2;
	v3 =	vmul.f32 v5, v20  }
0x135: {  	v5 =	vld.idx.msk [tilespmem:v6+s2+$0x0], $0xffff;
	v6 =	vor.u32 $0x9, v1  }
0x136: {  	v26 =	vld.idx.msk [tilespmem:v22+s1+$0x0], $0xffff;
	v2 =	vadd.f32 v3, v2;
	v3 =	vmul.f32 v7, v21  }
0x137: {  	v27 =	vor.u32 $0xA, v1;
	v7 =	vld.idx.msk [tilespmem:v22+s2+$0x0], $0xffff  }
0x138: {  	v28 =	vld.idx.msk [tilespmem:v24+s1+$0x0], $0xffff;
	v2 =	vadd.f32 v3, v2;
	v3 =	vmul.f32 v4, v23  }
0x139: {  	v29 =	vor.u32 $0xB, v1;
	v4 =	vld.idx.msk [tilespmem:v24+s2+$0x0], $0xffff  }
0x13a: {  	v30 =	vld.idx.msk [tilespmem:v6+s1+$0x0], $0xffff;
	v2 =	vadd.f32 v3, v2;
	v3 =	vmul.f32 v5, v25  }
0x13b: {  	v5 =	vld.idx.msk [tilespmem:v6+s2+$0x0], $0xffff;
	v6 =	vor.u32 $0xC, v1  }
0x13c: {  	v31 =	vld.idx.msk [tilespmem:v27+s1+$0x0], $0xffff;
	v2 =	vadd.f32 v3, v2;
	v3 =	vmul.f32 v7, v26  }
0x13d: {  	v32 =	vor.u32 $0xD, v1;
	v7 =	vld.idx.msk [tilespmem:v27+s2+$0x0], $0xffff  }
0x13e: {  	v33 =	vld.idx.msk [tilespmem:v29+s1+$0x0], $0xffff;
	v2 =	vadd.f32 v3, v2;
	v3 =	vmul.f32 v4, v28  }
0x13f: {  	v34 =	vor.u32 $0xE, v1;
	v4 =	vld.idx.msk [tilespmem:v29+s2+$0x0], $0xffff  }
0x140: {  	v35 =	vld.idx.msk [tilespmem:v6+s1+$0x0], $0xffff;
	v2 =	vadd.f32 v3, v2;
	v3 =	vmul.f32 v5, v30  }
0x141: {  	v5 =	vld.idx.msk [tilespmem:v6+s2+$0x0], $0xffff;
	v6 =	vor.u32 $0xF, v1  }
0x142: {  	v36 =	vld.idx.msk [tilespmem:v32+s1+$0x0], $0xffff;
	v2 =	vadd.f32 v3, v2;
	v3 =	vmul.f32 v7, v31  }
0x143: {  	v37 =	vor.u32 $0x10, v1;
	v7 =	vld.idx.msk [tilespmem:v32+s2+$0x0], $0xffff  }
0x144: {  	v38 =	vld.idx.msk [tilespmem:v34+s1+$0x0], $0xffff;
	v2 =	vadd.f32 v3, v2;
	v3 =	vmul.f32 v4, v33  }
0x145: {  	v39 =	vor.u32 $0x11, v1;
	v4 =	vld.idx.msk [tilespmem:v34+s2+$0x0], $0xffff  }
0x146: {  	v40 =	vld.idx.msk [tilespmem:v6+s1+$0x0], $0xffff;
	v2 =	vadd.f32 v3, v2;
	v3 =	vmul.f32 v5, v35  }
0x147: {  	v5 =	vld.idx.msk [tilespmem:v6+s2+$0x0], $0xffff;
	v6 =	vor.u32 $0x12, v1  }
0x148: {  	v41 =	vld.idx.msk [tilespmem:v37+s1+$0x0], $0xffff;
	v2 =	vadd.f32 v3, v2;
	v3 =	vmul.f32 v7, v36  }
0x149: {  	v42 =	vor.u32 $0x13, v1;
	v7 =	vld.idx.msk [tilespmem:v37+s2+$0x0], $0xffff  }
0x14a: {  	v43 =	vld.idx.msk [tilespmem:v39+s1+$0x0], $0xffff;
	v2 =	vadd.f32 v3, v2;
	v3 =	vmul.f32 v4, v38  }
0x14b: {  	v44 =	vor.u32 $0x14, v1;
	v4 =	vld.idx.msk [tilespmem:v39+s2+$0x0], $0xffff  }
0x14c: {  	v45 =	vld.idx.msk [tilespmem:v6+s1+$0x0], $0xffff;
	v2 =	vadd.f32 v3, v2;
	v3 =	vmul.f32 v5, v40  }
0x14d: {  	v5 =	vld.idx.msk [tilespmem:v6+s2+$0x0], $0xffff;
	v6 =	vor.u32 $0x15, v1  }
0x14e: {  	v46 =	vld.idx.msk [tilespmem:v42+s1+$0x0], $0xffff;
	v2 =	vadd.f32 v3, v2;
	v3 =	vmul.f32 v7, v41  }
0x14f: {  	v47 =	vor.u32 $0x16, v1;
	v7 =	vld.idx.msk [tilespmem:v42+s2+$0x0], $0xffff  }
0x150: {  	v48 =	vld.idx.msk [tilespmem:v44+s1+$0x0], $0xffff;
	v2 =	vadd.f32 v3, v2;
	v3 =	vmul.f32 v4, v43  }
0x151: {  	v49 =	vor.u32 $0x17, v1;
	v4 =	vld.idx.msk [tilespmem:v44+s2+$0x0], $0xffff  }
0x152: {  	v50 =	vld.idx.msk [tilespmem:v6+s1+$0x0], $0xffff;
	v2 =	vadd.f32 v3, v2;
	v3 =	vmul.f32 v5, v45  }
0x153: {  	v5 =	vld.idx.msk [tilespmem:v6+s2+$0x0], $0xffff;
	v6 =	vor.u32 $0x18, v1  }
0x154: {  	v51 =	vld.idx.msk [tilespmem:v47+s1+$0x0], $0xffff;
	v2 =	vadd.f32 v3, v2;
	v3 =	vmul.f32 v7, v46  }
0x155: {  	v52 =	vor.u32 $0x19, v1;
	v7 =	vld.idx.msk [tilespmem:v47+s2+$0x0], $0xffff  }
0x156: {  	v53 =	vld.idx.msk [tilespmem:v49+s1+$0x0], $0xffff;
	v2 =	vadd.f32 v3, v2;
	v3 =	vmul.f32 v4, v48  }
0x157: {  	v54 =	vor.u32 $0x1A, v1;
	v4 =	vld.idx.msk [tilespmem:v49+s2+$0x0], $0xffff  }
0x158: {  	v55 =	vld.idx.msk [tilespmem:v6+s1+$0x0], $0xffff;
	v2 =	vadd.f32 v3, v2;
	v3 =	vmul.f32 v5, v50  }
0x159: {  	v5 =	vld.idx.msk [tilespmem:v6+s2+$0x0], $0xffff;
	v6 =	vor.u32 $0x1B, v1  }
0x15a: {  	v56 =	vld.idx.msk [tilespmem:v52+s1+$0x0], $0xffff;
	v2 =	vadd.f32 v3, v2;
	v3 =	vmul.f32 v7, v51  }
0x15b: {  	v57 =	vor.u32 $0x1C, v1;
	v7 =	vld.idx.msk [tilespmem:v52+s2+$0x0], $0xffff  }
0x15c: {  	v58 =	vld.idx.msk [tilespmem:v54+s1+$0x0], $0xffff;
	v2 =	vadd.f32 v3, v2;
	v3 =	vmul.f32 v4, v53  }
0x15d: {  	v4 =	vld.idx.msk [tilespmem:v54+s2+$0x0], $0xffff  }
0x15e: {  	v60 =	vld.idx.msk [tilespmem:v6+s1+$0x0], $0xffff;
	v2 =	vadd.f32 v3, v2;
	v3 =	vmul.f32 v5, v55  }
0x15f: {  	v59 =	vor.u32 $0x1D, v1;
	v5 =	vld.idx.msk [tilespmem:v6+s2+$0x0], $0xffff  }
0x160: {  	v61 =	vld.idx.msk [tilespmem:v57+s1+$0x0], $0xffff;
	v2 =	vadd.f32 v3, v2;
	v3 =	vmul.f32 v7, v56  }
0x161: {  	v6 =	vor.u32 $0x1E, v1;
	v7 =	vld.idx.msk [tilespmem:v57+s2+$0x0], $0xffff  }
0x162: {  	v2 =	vadd.f32 v3, v2;
	v3 =	vmul.f32 v4, v58  }
0x163: {  	v1 =	vor.u32 $0x1F, v1  }
0x164: {  	v62 =	vld.idx.msk [tilespmem:v59+s1+$0x0], $0xffff;
	v2 =	vadd.f32 v3, v2;
	v3 =	vmul.f32 v5, v60  }
0x165: {  	v4 =	vld.idx.msk [tilespmem:v59+s2+$0x0], $0xffff  }
0x166: {  	v63 =	vld.idx.msk [tilespmem:v6+s1+$0x0], $0xffff;
	v2 =	vadd.f32 v3, v2;
	v3 =	vmul.f32 v7, v61  }
0x167: {  	v5 =	vld.idx.msk [tilespmem:v6+s2+$0x0], $0xffff  }
0x168: {  	v6 =	vadd.f32 v3, v2;
	v2 =	vld.idx.msk [tilespmem:v1+s1+$0x0], $0xffff  }
0x169: {  	v3 =	vld.idx.msk [tilespmem:v1+s2+$0x0], $0xffff  }
0x16a: {  	v4 =	vmul.f32 v4, v62  }
0x16b: {  	s31 =	simm.s32 $0x20  }
0x16c: {  	v7 =	vmov s31;
	v5 =	vmul.f32 v5, v63;
	v4 =	vadd.f32 v4, v6  }
0x16d: {  	s17 =	simm.s32 $0x30;
	v1 =	vshll.u32 v7, $0x7  }
.LBB2_6:
0x16e: {  	p0 =	sne.s32 s17, $0xF0;
	v1 =	vor.u32 v0, v1;
	v4 =	vadd.f32 v5, v4;
	v2 =	vmul.f32 v3, v2;
	_ =	sdelay $0x1  }
0x16f: {  	v3 =	vor.u32 $0x1, v1;
	v2 =	vadd.f32 v2, v4  }
0x170: {  	s16 =	sadd.s32 $0x10, s16  }
0x171: {  	v4 =	vor.u32 $0x2, v1;
	[tilespmem:s16+$0x0] =	vst v2  }
0x172: {  	v2 =	vld.idx.msk [tilespmem:v1+s2+$0x0], $0xffff  }
0x173: {  	v6 =	vor.u32 $0x3, v1;
	v5 =	vld.idx.msk [tilespmem:v1+s1+$0x0], $0xffff  }
0x174: {  	v7 =	vld.idx.msk [tilespmem:v3+s1+$0x0], $0xffff  }
0x175: {  	v8 =	vor.u32 $0x4, v1;
	v3 =	vld.idx.msk [tilespmem:v3+s2+$0x0], $0xffff  }
0x176: {  	v9 =	vld.idx.msk [tilespmem:v4+s1+$0x0], $0xffff  }
0x177: {  	v10 =	vor.u32 $0x5, v1;
	v4 =	vld.idx.msk [tilespmem:v4+s2+$0x0], $0xffff  }
0x178: {  	v11 =	vld.idx.msk [tilespmem:v6+s1+$0x0], $0xffff  }
0x179: {  	v2 =	vmul.f32 v2, v5;
	v5 =	vld.idx.msk [tilespmem:v6+s2+$0x0], $0xffff;
	v6 =	vor.u32 $0x6, v1  }
0x17a: {  	v12 =	vld.idx.msk [tilespmem:v8+s1+$0x0], $0xffff  }
0x17b: {  	v2 =	vadd.f32 $0.0e+00, v2;
	v3 =	vmul.f32 v3, v7;
	v7 =	vld.idx.msk [tilespmem:v8+s2+$0x0], $0xffff;
	v8 =	vor.u32 $0x7, v1  }
0x17c: {  	v13 =	vld.idx.msk [tilespmem:v10+s1+$0x0], $0xffff  }
0x17d: {  	v2 =	vadd.f32 v3, v2;
	v3 =	vmul.f32 v4, v9;
	v9 =	vor.u32 $0x8, v1;
	v4 =	vld.idx.msk [tilespmem:v10+s2+$0x0], $0xffff  }
0x17e: {  	v10 =	vld.idx.msk [tilespmem:v6+s1+$0x0], $0xffff  }
0x17f: {  	v2 =	vadd.f32 v3, v2;
	v3 =	vmul.f32 v5, v11;
	v5 =	vld.idx.msk [tilespmem:v6+s2+$0x0], $0xffff;
	v6 =	vor.u32 $0x9, v1  }
0x180: {  	v11 =	vld.idx.msk [tilespmem:v8+s1+$0x0], $0xffff  }
0x181: {  	v2 =	vadd.f32 v3, v2;
	v3 =	vmul.f32 v7, v12;
	v7 =	vld.idx.msk [tilespmem:v8+s2+$0x0], $0xffff;
	v8 =	vor.u32 $0xA, v1  }
0x182: {  	v12 =	vld.idx.msk [tilespmem:v9+s1+$0x0], $0xffff  }
0x183: {  	v2 =	vadd.f32 v3, v2;
	v3 =	vmul.f32 v4, v13;
	v4 =	vld.idx.msk [tilespmem:v9+s2+$0x0], $0xffff;
	v9 =	vor.u32 $0xB, v1  }
0x184: {  	v13 =	vld.idx.msk [tilespmem:v6+s1+$0x0], $0xffff  }
0x185: {  	v2 =	vadd.f32 v3, v2;
	v3 =	vmul.f32 v5, v10;
	v5 =	vld.idx.msk [tilespmem:v6+s2+$0x0], $0xffff;
	v6 =	vor.u32 $0xC, v1  }
0x186: {  	v10 =	vld.idx.msk [tilespmem:v8+s1+$0x0], $0xffff  }
0x187: {  	v2 =	vadd.f32 v3, v2;
	v3 =	vmul.f32 v7, v11;
	v7 =	vld.idx.msk [tilespmem:v8+s2+$0x0], $0xffff;
	v8 =	vor.u32 $0xD, v1  }
0x188: {  	v11 =	vld.idx.msk [tilespmem:v9+s1+$0x0], $0xffff  }
0x189: {  	v2 =	vadd.f32 v3, v2;
	v3 =	vmul.f32 v4, v12;
	v4 =	vld.idx.msk [tilespmem:v9+s2+$0x0], $0xffff;
	v9 =	vor.u32 $0xE, v1  }
0x18a: {  	v12 =	vld.idx.msk [tilespmem:v6+s1+$0x0], $0xffff  }
0x18b: {  	v2 =	vadd.f32 v3, v2;
	v3 =	vmul.f32 v5, v13;
	v5 =	vld.idx.msk [tilespmem:v6+s2+$0x0], $0xffff;
	v6 =	vor.u32 $0xF, v1  }
0x18c: {  	v13 =	vld.idx.msk [tilespmem:v8+s1+$0x0], $0xffff  }
0x18d: {  	v2 =	vadd.f32 v3, v2;
	v3 =	vmul.f32 v7, v10;
	v7 =	vld.idx.msk [tilespmem:v8+s2+$0x0], $0xffff;
	v8 =	vor.u32 $0x10, v1  }
0x18e: {  	v10 =	vld.idx.msk [tilespmem:v9+s1+$0x0], $0xffff  }
0x18f: {  	v2 =	vadd.f32 v3, v2;
	v3 =	vmul.f32 v4, v11;
	v4 =	vld.idx.msk [tilespmem:v9+s2+$0x0], $0xffff;
	v9 =	vor.u32 $0x11, v1  }
0x190: {  	v11 =	vld.idx.msk [tilespmem:v6+s1+$0x0], $0xffff  }
0x191: {  	v2 =	vadd.f32 v3, v2;
	v3 =	vmul.f32 v5, v12;
	v5 =	vld.idx.msk [tilespmem:v6+s2+$0x0], $0xffff;
	v6 =	vor.u32 $0x12, v1  }
0x192: {  	v12 =	vld.idx.msk [tilespmem:v8+s1+$0x0], $0xffff  }
0x193: {  	v2 =	vadd.f32 v3, v2;
	v3 =	vmul.f32 v7, v13;
	v7 =	vld.idx.msk [tilespmem:v8+s2+$0x0], $0xffff;
	v8 =	vor.u32 $0x13, v1  }
0x194: {  	v13 =	vld.idx.msk [tilespmem:v9+s1+$0x0], $0xffff  }
0x195: {  	v2 =	vadd.f32 v3, v2;
	v3 =	vmul.f32 v4, v10;
	v4 =	vld.idx.msk [tilespmem:v9+s2+$0x0], $0xffff;
	v9 =	vor.u32 $0x14, v1  }
0x196: {  	v10 =	vld.idx.msk [tilespmem:v6+s1+$0x0], $0xffff  }
0x197: {  	v2 =	vadd.f32 v3, v2;
	v3 =	vmul.f32 v5, v11;
	v5 =	vld.idx.msk [tilespmem:v6+s2+$0x0], $0xffff;
	v6 =	vor.u32 $0x15, v1  }
0x198: {  	v11 =	vld.idx.msk [tilespmem:v8+s1+$0x0], $0xffff  }
0x199: {  	v2 =	vadd.f32 v3, v2;
	v3 =	vmul.f32 v7, v12;
	v7 =	vld.idx.msk [tilespmem:v8+s2+$0x0], $0xffff;
	v8 =	vor.u32 $0x16, v1  }
0x19a: {  	v12 =	vld.idx.msk [tilespmem:v9+s1+$0x0], $0xffff  }
0x19b: {  	v2 =	vadd.f32 v3, v2;
	v3 =	vmul.f32 v4, v13;
	v4 =	vld.idx.msk [tilespmem:v9+s2+$0x0], $0xffff;
	v9 =	vor.u32 $0x17, v1  }
0x19c: {  	v13 =	vld.idx.msk [tilespmem:v6+s1+$0x0], $0xffff  }
0x19d: {  	v2 =	vadd.f32 v3, v2;
	v3 =	vmul.f32 v5, v10;
	v5 =	vld.idx.msk [tilespmem:v6+s2+$0x0], $0xffff;
	v6 =	vor.u32 $0x18, v1  }
0x19e: {  	v10 =	vld.idx.msk [tilespmem:v8+s1+$0x0], $0xffff  }
0x19f: {  	v2 =	vadd.f32 v3, v2;
	v3 =	vmul.f32 v7, v11;
	v7 =	vld.idx.msk [tilespmem:v8+s2+$0x0], $0xffff;
	v8 =	vor.u32 $0x19, v1  }
0x1a0: {  	v11 =	vld.idx.msk [tilespmem:v9+s1+$0x0], $0xffff  }
0x1a1: {  	v2 =	vadd.f32 v3, v2;
	v3 =	vmul.f32 v4, v12;
	v4 =	vld.idx.msk [tilespmem:v9+s2+$0x0], $0xffff;
	v9 =	vor.u32 $0x1A, v1  }
0x1a2: {  	v12 =	vld.idx.msk [tilespmem:v6+s1+$0x0], $0xffff  }
0x1a3: {  	v2 =	vadd.f32 v3, v2;
	v3 =	vmul.f32 v5, v13;
	v5 =	vld.idx.msk [tilespmem:v6+s2+$0x0], $0xffff;
	v6 =	vor.u32 $0x1B, v1  }
0x1a4: {  	v13 =	vld.idx.msk [tilespmem:v8+s1+$0x0], $0xffff  }
0x1a5: {  	v2 =	vadd.f32 v3, v2;
	v3 =	vmul.f32 v7, v10;
	v7 =	vld.idx.msk [tilespmem:v8+s2+$0x0], $0xffff;
	v8 =	vor.u32 $0x1C, v1  }
0x1a6: {  	v10 =	vld.idx.msk [tilespmem:v9+s1+$0x0], $0xffff  }
0x1a7: {  	v2 =	vadd.f32 v3, v2;
	v3 =	vmul.f32 v4, v11;
	v4 =	vld.idx.msk [tilespmem:v9+s2+$0x0], $0xffff;
	v9 =	vor.u32 $0x1D, v1  }
0x1a8: {  	v11 =	vld.idx.msk [tilespmem:v6+s1+$0x0], $0xffff  }
0x1a9: {  	v2 =	vadd.f32 v3, v2;
	v3 =	vmul.f32 v5, v12;
	v5 =	vld.idx.msk [tilespmem:v6+s2+$0x0], $0xffff;
	v6 =	vor.u32 $0x1E, v1  }
0x1aa: {  	v12 =	vld.idx.msk [tilespmem:v8+s1+$0x0], $0xffff  }
0x1ab: {  	v1 =	vor.u32 $0x1F, v1;
	v2 =	vadd.f32 v3, v2;
	v3 =	vmul.f32 v7, v13;
	v7 =	vld.idx.msk [tilespmem:v8+s2+$0x0], $0xffff  }
0x1ac: {  	v8 =	vld.idx.msk [tilespmem:v9+s1+$0x0], $0xffff  }
0x1ad: {  	v2 =	vadd.f32 v3, v2;
	v3 =	vmul.f32 v4, v10;
	v4 =	vld.idx.msk [tilespmem:v9+s2+$0x0], $0xffff  }
0x1ae: {  	v9 =	vld.idx.msk [tilespmem:v6+s1+$0x0], $0xffff  }
0x1af: {  	v3 =	vadd.f32 v3, v2;
	v5 =	vmul.f32 v5, v11;
	v6 =	vld.idx.msk [tilespmem:v6+s2+$0x0], $0xffff  }
0x1b0: {  	v2 =	vld.idx.msk [tilespmem:v1+s1+$0x0], $0xffff  }
0x1b1: {  	v5 =	vadd.f32 v5, v3;
	v7 =	vmul.f32 v7, v12;
	v3 =	vld.idx.msk [tilespmem:v1+s2+$0x0], $0xffff  }
.Ltmp2:
0x1b2: {  	(pc) =	sbr.rel @p0 .LBB2_6-.Ltmp2, $3  }
0x1b3: {  	v1 =	vadd.f32 v7, v5;
	v4 =	vmul.f32 v4, v8;
	_ =	sdelay $0x1  }
0x1b4: {  	v7 =	vmov s17;
	v4 =	vadd.f32 v4, v1;
	v5 =	vmul.f32 v6, v9  }
0x1b5: {  	s17 =	sadd.s32 $0x10, s17;
	v1 =	vshll.u32 v7, $0x7  }
0x1b6: {  	v1 =	vor.u32 v0, v1;
	v4 =	vadd.f32 v5, v4;
	v2 =	vmul.f32 v3, v2;
	_ =	sdelay $0x1  }
0x1b7: {  	v3 =	vor.u32 $0x1, v1;
	v2 =	vadd.f32 v2, v4  }
0x1b8: {  	s0 =	sadd.s32 $0x10, s16  }
0x1b9: {  	v31 =	vor.u32 $0x2, v1;
	[tilespmem:s0+$0x0] =	vst v2  }
0x1ba: {  	v2 =	vld.idx.msk [tilespmem:v1+s2+$0x0], $0xffff  }
0x1bb: {  	v6 =	vor.u32 $0x3, v1;
	v32 =	vld.idx.msk [tilespmem:v1+s1+$0x0], $0xffff  }
0x1bc: {  	v7 =	vld.idx.msk [tilespmem:v3+s1+$0x0], $0xffff  }
0x1bd: {  	v8 =	vor.u32 $0x4, v1;
	v3 =	vld.idx.msk [tilespmem:v3+s2+$0x0], $0xffff  }
0x1be: {  	v9 =	vld.idx.msk [tilespmem:v31+s1+$0x0], $0xffff  }
0x1bf: {  	v10 =	vor.u32 $0x5, v1;
	v4 =	vld.idx.msk [tilespmem:v31+s2+$0x0], $0xffff  }
0x1c0: {  	v11 =	vld.idx.msk [tilespmem:v6+s1+$0x0], $0xffff;
	v2 =	vmul.f32 v2, v32  }
0x1c1: {  	v34 =	vor.u32 $0x6, v1;
	v33 =	vld.idx.msk [tilespmem:v6+s2+$0x0], $0xffff  }
0x1c2: {  	v12 =	vld.idx.msk [tilespmem:v8+s1+$0x0], $0xffff;
	v3 =	vmul.f32 v3, v7;
	v2 =	vadd.f32 $0.0e+00, v2  }
0x1c3: {  	v36 =	vor.u32 $0x7, v1;
	v35 =	vld.idx.msk [tilespmem:v8+s2+$0x0], $0xffff  }
0x1c4: {  	v13 =	vld.idx.msk [tilespmem:v10+s1+$0x0], $0xffff;
	v2 =	vadd.f32 v3, v2;
	v3 =	vmul.f32 v4, v9  }
0x1c5: {  	v38 =	vor.u32 $0x8, v1;
	v37 =	vld.idx.msk [tilespmem:v10+s2+$0x0], $0xffff  }
0x1c6: {  	v39 =	vld.idx.msk [tilespmem:v34+s1+$0x0], $0xffff;
	v2 =	vadd.f32 v3, v2;
	v3 =	vmul.f32 v33, v11  }
0x1c7: {  	v41 =	vor.u32 $0x9, v1;
	v40 =	vld.idx.msk [tilespmem:v34+s2+$0x0], $0xffff  }
0x1c8: {  	v42 =	vld.idx.msk [tilespmem:v36+s1+$0x0], $0xffff;
	v2 =	vadd.f32 v3, v2;
	v3 =	vmul.f32 v35, v12  }
0x1c9: {  	v44 =	vor.u32 $0xA, v1;
	v43 =	vld.idx.msk [tilespmem:v36+s2+$0x0], $0xffff  }
0x1ca: {  	v45 =	vld.idx.msk [tilespmem:v38+s1+$0x0], $0xffff;
	v2 =	vadd.f32 v3, v2;
	v3 =	vmul.f32 v37, v13  }
0x1cb: {  	v47 =	vor.u32 $0xB, v1;
	v46 =	vld.idx.msk [tilespmem:v38+s2+$0x0], $0xffff  }
0x1cc: {  	v48 =	vld.idx.msk [tilespmem:v41+s1+$0x0], $0xffff;
	v2 =	vadd.f32 v3, v2;
	v3 =	vmul.f32 v40, v39  }
0x1cd: {  	v50 =	vor.u32 $0xC, v1;
	v49 =	vld.idx.msk [tilespmem:v41+s2+$0x0], $0xffff  }
0x1ce: {  	v51 =	vld.idx.msk [tilespmem:v44+s1+$0x0], $0xffff;
	v2 =	vadd.f32 v3, v2;
	v3 =	vmul.f32 v43, v42  }
0x1cf: {  	v53 =	vor.u32 $0xD, v1;
	v52 =	vld.idx.msk [tilespmem:v44+s2+$0x0], $0xffff  }
0x1d0: {  	v54 =	vld.idx.msk [tilespmem:v47+s1+$0x0], $0xffff;
	v2 =	vadd.f32 v3, v2;
	v3 =	vmul.f32 v46, v45  }
0x1d1: {  	v56 =	vor.u32 $0xE, v1;
	v55 =	vld.idx.msk [tilespmem:v47+s2+$0x0], $0xffff  }
0x1d2: {  	v57 =	vld.idx.msk [tilespmem:v50+s1+$0x0], $0xffff;
	v2 =	vadd.f32 v3, v2;
	v3 =	vmul.f32 v49, v48  }
0x1d3: {  	v59 =	vor.u32 $0xF, v1;
	v58 =	vld.idx.msk [tilespmem:v50+s2+$0x0], $0xffff  }
0x1d4: {  	v60 =	vld.idx.msk [tilespmem:v53+s1+$0x0], $0xffff;
	v2 =	vadd.f32 v3, v2;
	v3 =	vmul.f32 v52, v51  }
0x1d5: {  	v62 =	vor.u32 $0x10, v1;
	v61 =	vld.idx.msk [tilespmem:v53+s2+$0x0], $0xffff  }
0x1d6: {  	v63 =	vld.idx.msk [tilespmem:v56+s1+$0x0], $0xffff;
	v2 =	vadd.f32 v3, v2;
	v3 =	vmul.f32 v55, v54  }
0x1d7: {  	v17 =	vor.u32 $0x11, v1;
	v16 =	vld.idx.msk [tilespmem:v56+s2+$0x0], $0xffff  }
0x1d8: {  	v18 =	vld.idx.msk [tilespmem:v59+s1+$0x0], $0xffff;
	v2 =	vadd.f32 v3, v2;
	v3 =	vmul.f32 v58, v57  }
0x1d9: {  	v20 =	vor.u32 $0x12, v1;
	v19 =	vld.idx.msk [tilespmem:v59+s2+$0x0], $0xffff  }
0x1da: {  	v21 =	vld.idx.msk [tilespmem:v62+s1+$0x0], $0xffff;
	v2 =	vadd.f32 v3, v2;
	v3 =	vmul.f32 v61, v60  }
0x1db: {  	v23 =	vor.u32 $0x13, v1;
	v22 =	vld.idx.msk [tilespmem:v62+s2+$0x0], $0xffff  }
0x1dc: {  	v24 =	vld.idx.msk [tilespmem:v17+s1+$0x0], $0xffff;
	v2 =	vadd.f32 v3, v2;
	v3 =	vmul.f32 v16, v63  }
0x1dd: {  	v26 =	vor.u32 $0x14, v1;
	v25 =	vld.idx.msk [tilespmem:v17+s2+$0x0], $0xffff  }
0x1de: {  	v27 =	vld.idx.msk [tilespmem:v20+s1+$0x0], $0xffff;
	v2 =	vadd.f32 v3, v2;
	v3 =	vmul.f32 v19, v18  }
0x1df: {  	v29 =	vor.u32 $0x15, v1;
	v28 =	vld.idx.msk [tilespmem:v20+s2+$0x0], $0xffff  }
0x1e0: {  	v30 =	vld.idx.msk [tilespmem:v23+s1+$0x0], $0xffff;
	v2 =	vadd.f32 v3, v2;
	v3 =	vmul.f32 v22, v21  }
0x1e1: {  	v31 =	vld.idx.msk [tilespmem:v23+s2+$0x0], $0xffff;
	v32 =	vor.u32 $0x16, v1  }
0x1e2: {  	v34 =	vld.idx.msk [tilespmem:v26+s2+$0x0], $0xffff;
	v2 =	vadd.f32 v3, v2;
	v3 =	vmul.f32 v25, v24  }
0x1e3: {  	v33 =	vld.idx.msk [tilespmem:v26+s1+$0x0], $0xffff;
	v35 =	vor.u32 $0x17, v1  }
0x1e4: {  	v36 =	vld.idx.msk [tilespmem:v29+s1+$0x0], $0xffff;
	v2 =	vadd.f32 v3, v2;
	v3 =	vmul.f32 v28, v27  }
0x1e5: {  	v38 =	vor.u32 $0x18, v1;
	v37 =	vld.idx.msk [tilespmem:v29+s2+$0x0], $0xffff  }
0x1e6: {  	v39 =	vld.idx.msk [tilespmem:v32+s1+$0x0], $0xffff;
	v2 =	vadd.f32 v3, v2;
	v3 =	vmul.f32 v31, v30  }
0x1e7: {  	v41 =	vor.u32 $0x19, v1;
	v40 =	vld.idx.msk [tilespmem:v32+s2+$0x0], $0xffff  }
0x1e8: {  	v42 =	vld.idx.msk [tilespmem:v35+s1+$0x0], $0xffff;
	v2 =	vadd.f32 v3, v2;
	v3 =	vmul.f32 v34, v33  }
0x1e9: {  	v44 =	vor.u32 $0x1A, v1;
	v43 =	vld.idx.msk [tilespmem:v35+s2+$0x0], $0xffff  }
0x1ea: {  	v45 =	vld.idx.msk [tilespmem:v38+s1+$0x0], $0xffff;
	v2 =	vadd.f32 v3, v2;
	v3 =	vmul.f32 v37, v36  }
0x1eb: {  	v47 =	vor.u32 $0x1B, v1;
	v46 =	vld.idx.msk [tilespmem:v38+s2+$0x0], $0xffff  }
0x1ec: {  	v48 =	vld.idx.msk [tilespmem:v41+s1+$0x0], $0xffff;
	v2 =	vadd.f32 v3, v2;
	v3 =	vmul.f32 v40, v39  }
0x1ed: {  	v50 =	vor.u32 $0x1C, v1;
	v49 =	vld.idx.msk [tilespmem:v41+s2+$0x0], $0xffff  }
0x1ee: {  	v51 =	vld.idx.msk [tilespmem:v44+s1+$0x0], $0xffff;
	v2 =	vadd.f32 v3, v2;
	v3 =	vmul.f32 v43, v42  }
0x1ef: {  	v53 =	vor.u32 $0x1D, v1;
	v52 =	vld.idx.msk [tilespmem:v44+s2+$0x0], $0xffff  }
0x1f0: {  	v54 =	vld.idx.msk [tilespmem:v47+s1+$0x0], $0xffff;
	v2 =	vadd.f32 v3, v2;
	v3 =	vmul.f32 v46, v45  }
0x1f1: {  	v56 =	vor.u32 $0x1E, v1;
	v55 =	vld.idx.msk [tilespmem:v47+s2+$0x0], $0xffff  }
0x1f2: {  	v57 =	vld.idx.msk [tilespmem:v50+s1+$0x0], $0xffff;
	v2 =	vadd.f32 v3, v2;
	v3 =	vmul.f32 v49, v48  }
0x1f3: {  	v1 =	vor.u32 $0x1F, v1;
	v58 =	vld.idx.msk [tilespmem:v50+s2+$0x0], $0xffff  }
0x1f4: {  	v59 =	vld.idx.msk [tilespmem:v53+s1+$0x0], $0xffff;
	v2 =	vadd.f32 v3, v2;
	v3 =	vmul.f32 v52, v51  }
0x1f5: {  	v60 =	vld.idx.msk [tilespmem:v53+s2+$0x0], $0xffff  }
0x1f6: {  	v62 =	vld.idx.msk [tilespmem:v56+s2+$0x0], $0xffff;
	v2 =	vadd.f32 v3, v2;
	v3 =	vmul.f32 v55, v54  }
0x1f7: {  	v61 =	vld.idx.msk [tilespmem:v56+s1+$0x0], $0xffff  }
0x1f8: {  	v63 =	vld.idx.msk [tilespmem:v1+s1+$0x0], $0xffff;
	v2 =	vadd.f32 v3, v2;
	v3 =	vmul.f32 v58, v57  }
0x1f9: {  	v1 =	vld.idx.msk [tilespmem:v1+s2+$0x0], $0xffff  }
0x1fa: {  	v2 =	vadd.f32 v3, v2;
	v3 =	vmul.f32 v60, v59;
	_ =	sdelay $0x1  }
0x1fb: {  	v2 =	vadd.f32 v3, v2;
	v3 =	vmul.f32 v62, v61;
	_ =	sdelay $0x1  }
0x1fc: {  	v1 =	vmul.f32 v1, v63;
	v2 =	vadd.f32 v3, v2;
	_ =	sdelay $0x1  }
0x1fd: {  	v1 =	vadd.f32 v1, v2  }
0x1fe: {  	s0 =	sadd.s32 $0x10, s0  }
0x1ff: {  	s23 =	simm.s32 $0x100;
	[tilespmem:s0+$0x0] =	vst v1  }
0x200: {  	s24 =	simm.s32 $0x300;
	v1 =	vld [tilespmem:s23+$0x0]  }
0x201: {  	v3 =	vld [tilespmem:s24+$0x0];
	_ =	sdelay $0x3  }
0x202: {  	v2 =	vshll.u32 v1, $0x4  }
0x203: {  	v1 =	vshll.u32 v3, $0x4;
	(v2sf) =	vpush v2, $0x0  }
0x204: {  	(v2sf) =	vpush v1, $0x0  }
0x205: {  	(v2sf) =	vpush v2, $0x1;
	_ =	sdelay $0x1  }
0x206: {  	(v2sf) =	vpush v1, $0x1;
	_ =	sdelay $0x3  }
0x207: {  	(v2sf) =	vpush v2, $0x2;
	_ =	sdelay $0x1  }
0x208: {  	(v2sf) =	vpush v1, $0x2  }
0x209: {  	s17 =	simm.s32 $0x2000;
	s16 =	simm.s32 $0x0;
	s25 =	simm.s32 $0x8400;
	(v2sf) =	vpush v2, $0x3  }
0x20a: {  	s5 =	simm.s32 $0x680;
	s6 =	simm.s32 $0x400;
	s12 =	rddreg [dreg:$0x6]  }
0x20b: {  	s8 =	simm.s32 $0x600;
	s9 =	simm.s32 $0x580;
	s4 =	rddreg [dreg:$0x5]  }
0x20c: {  	s29 =	simm.s32 $0x480;
	s13 =	simm.s32 $0x500;
	s18 =	simm.s32 $0x8500  }
0x20d: {  	s2 =	simm.s32 $0x880;
	s0 =	simm.s32 $0x8900;
	s7 =	spop (v2sf);
	(v2sf) =	vpush v1, $0x3  }
0x20e: {  	s23 =	simm.s32 $0x8600;
	s7 =	sand.u32 $0x1FFFFFF0, s7;
	s10 =	spop (v2sf)  }
0x20f: {  	(v2sf) =	vpush v2, $0x4;
	s7 =	sadd.s32 s12, s7;
	s26 =	sand.u32 $0x1FFFFFF0, s10;
	s28 =	spop (v2sf)  }
0x210: {  	(v2sf) =	vpush v1, $0x4;
	[tilespmem:s6], [sflag:$0x1] =	stream.linear.gather [hbm4b:s7+s3], $0x80, $0x38;
	[tilespmem:$0x10600] =	vst v63  }
0x211: {  	s7 =	sadd.s32 s4, s26;
	s10 =	sand.u32 $0x1FFFFFF0, s28;
	s11 =	spop (v2sf)  }
0x212: {  	(v2sf) =	vpush v2, $0x5;
	[tilespmem:s25], [sflag:$0x2] =	stream.linear.gather [hbm4b:s7+s3], $0x80, $0x38;
	[tilespmem:$0x10600] =	vst v63  }
0x213: {  	s6 =	simm.s32 $0x8580;
	s30 =	sadd.s32 s12, s10;
	s31 =	sand.u32 $0x1FFFFFF0, s11;
	(v2sf) =	vpush v1, $0x5  }
0x214: {  	[tilespmem:s29], [sflag:$0x1] =	stream.linear.gather [hbm4b:s30+s3], $0x80, $0x38;
	[tilespmem:$0x10600] =	vst v63  }
0x215: {  	s11 =	spop (v2sf);
	s7 =	simm.s32 $0x8480;
	s10 =	sadd.s32 s4, s31;
	(v2sf) =	vpush v2, $0x6  }
0x216: {  	[tilespmem:s7], [sflag:$0x2] =	stream.linear.gather [hbm4b:s10+s3], $0x80, $0x38;
	[tilespmem:$0x10600] =	vst v63  }
0x217: {  	s14 =	spop (v2sf);
	s31 =	simm.s32 $0x700;
	s7 =	sand.u32 $0x1FFFFFF0, s11  }
0x218: {  	s15 =	spop (v2sf);
	s10 =	sand.u32 $0x1FFFFFF0, s14;
	s7 =	sadd.s32 s12, s7  }
0x219: {  	(v2sf) =	vpush v1, $0x6;
	[tilespmem:s13], [sflag:$0x1] =	stream.linear.gather [hbm4b:s7+s3], $0x80, $0x38;
	[tilespmem:$0x10600] =	vst v63  }
0x21a: {  	s20 =	sand.u32 $0x1FFFFFF0, s15;
	s29 =	simm.s32 $0x8680;
	s19 =	sadd.s32 s4, s10  }
0x21b: {  	[tilespmem:s18], [sflag:$0x2] =	stream.linear.gather [hbm4b:s19+s3], $0x80, $0x38;
	[tilespmem:$0x10600] =	vst v63  }
0x21c: {  	s22 =	sadd.s32 s12, s20;
	s20 =	simm.s32 $0x8700;
	s21 =	spop (v2sf)  }
0x21d: {  	(v2sf) =	vpush v2, $0x7;
	[tilespmem:s9], [sflag:$0x1] =	stream.linear.gather [hbm4b:s22+s3], $0x80, $0x38;
	[tilespmem:$0x10600] =	vst v63  }
0x21e: {  	s11 =	simm.s32 $0x8A00;
	s1 =	sand.u32 $0x1FFFFFF0, s21;
	s24 =	spop (v2sf)  }
0x21f: {  	s13 =	simm.s32 $0xA80;
	(v2sf) =	vpush v1, $0x7;
	s1 =	sadd.s32 s4, s1;
	s25 =	spop (v2sf)  }
0x220: {  	(v2sf) =	vpush v2, $0x8;
	[tilespmem:s6], [sflag:$0x2] =	stream.linear.gather [hbm4b:s1+s3], $0x80, $0x38;
	[tilespmem:$0x10600] =	vst v63  }
0x221: {  	s9 =	sand.u32 $0x1FFFFFF0, s24;
	s28 =	sand.u32 $0x1FFFFFF0, s25;
	s30 =	spop (v2sf)  }
0x222: {  	s26 =	sadd.s32 s12, s9;
	(v2sf) =	vpush v1, $0x8;
	s6 =	sadd.s32 s4, s28;
	s9 =	spop (v2sf)  }
0x223: {  	(v2sf) =	vpush v2, $0x9;
	[tilespmem:s8], [sflag:$0x1] =	stream.linear.gather [hbm4b:s26+s3], $0x80, $0x38;
	[tilespmem:$0x10600] =	vst v63  }
0x224: {  	s8 =	sand.u32 $0x1FFFFFF0, s30;
	s10 =	spop (v2sf);
	s26 =	simm.s32 $0x8780  }
0x225: {  	(v2sf) =	vpush v1, $0x9;
	[tilespmem:s23], [sflag:$0x2] =	stream.linear.gather [hbm4b:s6+s3], $0x80, $0x38;
	[tilespmem:$0x10600] =	vst v63  }
0x226: {  	s7 =	sadd.s32 s12, s8;
	s8 =	sand.u32 $0x1FFFFFF0, s9;
	s15 =	sand.u32 $0x1FFFFFF0, s10;
	(v2sf) =	vpush v2, $0xA  }
0x227: {  	[tilespmem:s5], [sflag:$0x1] =	stream.linear.gather [hbm4b:s7+s3], $0x80, $0x38;
	[tilespmem:$0x10600] =	vst v63  }
0x228: {  	s9 =	simm.s32 $0x8A80;
	s18 =	spop (v2sf);
	s14 =	sadd.s32 s4, s8;
	(v2sf) =	vpush v1, $0xA  }
0x229: {  	[tilespmem:s29], [sflag:$0x2] =	stream.linear.gather [hbm4b:s14+s3], $0x80, $0x38;
	[tilespmem:$0x10600] =	vst v63  }
0x22a: {  	s10 =	simm.s32 $0x8880;
	s19 =	sadd.s32 s12, s15;
	s1 =	sand.u32 $0x1FFFFFF0, s18  }
0x22b: {  	[tilespmem:s31], [sflag:$0x1] =	stream.linear.gather [hbm4b:s19+s3], $0x80, $0x38;
	[tilespmem:$0x10600] =	vst v63  }
0x22c: {  	s23 =	simm.s32 $0x780;
	s1 =	sadd.s32 s4, s1;
	s21 =	spop (v2sf)  }
0x22d: {  	[tilespmem:s20], [sflag:$0x2] =	stream.linear.gather [hbm4b:s1+s3], $0x80, $0x38;
	[tilespmem:$0x10600] =	vst v63  }
0x22e: {  	s15 =	simm.s32 $0x900;
	(v2sf) =	vpush v2, $0xB;
	s7 =	sand.u32 $0x1FFFFFF0, s21;
	s22 =	spop (v2sf)  }
0x22f: {  	s5 =	simm.s32 $0x8980;
	s24 =	sadd.s32 s12, s7;
	s28 =	spop (v2sf)  }
0x230: {  	(v2sf) =	vpush v1, $0xB;
	[tilespmem:s23], [sflag:$0x1] =	stream.linear.gather [hbm4b:s24+s3], $0x80, $0x38;
	[tilespmem:$0x10600] =	vst v63  }
0x231: {  	s29 =	simm.s32 $0x800;
	s25 =	sand.u32 $0x1FFFFFF0, s22;
	s30 =	spop (v2sf)  }
0x232: {  	s7 =	sadd.s32 s4, s25;
	s6 =	sand.u32 $0x1FFFFFF0, s28;
	s31 =	spop (v2sf)  }
0x233: {  	(v2sf) =	vpush v2, $0xC;
	[tilespmem:s26], [sflag:$0x2] =	stream.linear.gather [hbm4b:s7+s3], $0x80, $0x38;
	[tilespmem:$0x10600] =	vst v63  }
0x234: {  	s6 =	sadd.s32 s12, s6;
	s7 =	sand.u32 $0x1FFFFFF0, s30;
	s14 =	spop (v2sf)  }
0x235: {  	(v2sf) =	vpush v1, $0xC;
	s8 =	sand.u32 $0x1FFFFFF0, s31;
	s26 =	simm.s32 $0x980;
	s18 =	spop (v2sf)  }
0x236: {  	[tilespmem:s29], [sflag:$0x1] =	stream.linear.gather [hbm4b:s6+s3], $0x80, $0x38;
	[tilespmem:$0x10600] =	vst v63  }
0x237: {  	s7 =	sadd.s32 s4, s7;
	s6 =	simm.s32 $0x8800;
	s19 =	spop (v2sf)  }
0x238: {  	[tilespmem:s6], [sflag:$0x2] =	stream.linear.gather [hbm4b:s7+s3], $0x80, $0x38;
	[tilespmem:$0x10600] =	vst v63  }
0x239: {  	s21 =	sand.u32 $0x1FFFFFF0, s19;
	s7 =	sadd.s32 s12, s8;
	s6 =	sand.u32 $0x1FFFFFF0, s14  }
0x23a: {  	[tilespmem:s2], [sflag:$0x1] =	stream.linear.gather [hbm4b:s7+s3], $0x80, $0x38;
	[tilespmem:$0x10600] =	vst v63  }
0x23b: {  	s23 =	sadd.s32 s4, s21;
	s6 =	sadd.s32 s4, s6;
	s7 =	sand.u32 $0x1FFFFFF0, s18  }
0x23c: {  	[tilespmem:s10], [sflag:$0x2] =	stream.linear.gather [hbm4b:s6+s3], $0x80, $0x38;
	[tilespmem:$0x10600] =	vst v63  }
0x23d: {  	s21 =	simm.s32 $0x110;
	s20 =	sadd.s32 s12, s7;
	s22 =	spop (v2sf)  }
0x23e: {  	[tilespmem:s15], [sflag:$0x1] =	stream.linear.gather [hbm4b:s20+s3], $0x80, $0x38;
	[tilespmem:$0x10600] =	vst v63  }
0x23f: {  	s24 =	sand.u32 $0x1FFFFFF0, s22;
	s25 =	spop (v2sf);
	s22 =	simm.s32 $0x310  }
0x240: {  	(v2sf) =	vpush v2, $0xD;
	[tilespmem:s0], [sflag:$0x2] =	stream.linear.gather [hbm4b:s23+s3], $0x80, $0x38;
	[tilespmem:$0x10600] =	vst v63  }
0x241: {  	(v2sf) =	vpush v1, $0xD;
	s28 =	sadd.s32 s12, s24;
	s29 =	sand.u32 $0x1FFFFFF0, s25;
	s25 =	simm.s32 $0xA00  }
0x242: {  	(v2sf) =	vpush v2, $0xE;
	s24 =	simm.s32 $0xB00;
	s23 =	simm.s32 $0x8B00;
	s31 =	spop (v2sf)  }
0x243: {  	(v2sf) =	vpush v1, $0xE;
	[tilespmem:s26], [sflag:$0x1] =	stream.linear.gather [hbm4b:s28+s3], $0x80, $0x38;
	[tilespmem:$0x10600] =	vst v63  }
0x244: {  	s30 =	sadd.s32 s4, s29;
	(v2sf) =	vpush v2, $0xF;
	s0 =	sand.u32 $0x1FFFFFF0, s31;
	s2 =	spop (v2sf)  }
0x245: {  	(v2sf) =	vpush v1, $0xF;
	[tilespmem:s5], [sflag:$0x2] =	stream.linear.gather [hbm4b:s30+s3], $0x80, $0x38;
	[tilespmem:$0x10600] =	vst v63  }
.LBB2_8:
0x246: {  	_ =	sdelay $0x3  }
0x247: {  	s4 =	rddreg [dreg:$0x6]  }
0x248: {  	s1 =	sand.u32 $0x1FFFFFF0, s2;
	s12 =	rddreg [dreg:$0x5];
	s0 =	sadd.s32 s4, s0  }
0x249: {  	[tilespmem:s25], [sflag:$0x1] =	stream.linear.gather [hbm4b:s0+s3], $0x80, $0x38;
	[tilespmem:$0x10600] =	vst v63  }
0x24a: {  	s6 =	sadd.s32 s12, s1  }
0x24b: {  	[tilespmem:s11], [sflag:$0x2] =	stream.linear.gather [hbm4b:s6+s3], $0x80, $0x38;
	[tilespmem:$0x10600] =	vst v63  }
0x24c: {  	s5 =	spop (v2sf)  }
0x24d: {  	s7 =	sand.u32 $0x1FFFFFF0, s5;
	s8 =	spop (v2sf)  }
0x24e: {  	s10 =	sadd.s32 s4, s7;
	s11 =	sand.u32 $0x1FFFFFF0, s8;
	s14 =	spop (v2sf)  }
0x24f: {  	[tilespmem:s13], [sflag:$0x1] =	stream.linear.gather [hbm4b:s10+s3], $0x80, $0x38;
	[tilespmem:$0x10600] =	vst v63  }
0x250: {  	s15 =	sadd.s32 s12, s11;
	s18 =	sand.u32 $0x1FFFFFF0, s14;
	s19 =	spop (v2sf)  }
0x251: {  	[tilespmem:s9], [sflag:$0x2] =	stream.linear.gather [hbm4b:s15+s3], $0x80, $0x38;
	[tilespmem:$0x10600] =	vst v63  }
0x252: {  	s20 =	sadd.s32 s4, s18;
	s25 =	sand.u32 $0x1FFFFFF0, s19;
	s26 =	spop (v2sf)  }
0x253: {  	[tilespmem:s24], [sflag:$0x1] =	stream.linear.gather [hbm4b:s20+s3], $0x80, $0x38;
	[tilespmem:$0x10600] =	vst v63  }
0x254: {  	s28 =	sadd.s32 s12, s25;
	s29 =	sand.u32 $0x1FFFFFF0, s26;
	s30 =	spop (v2sf)  }
0x255: {  	[tilespmem:s23], [sflag:$0x2] =	stream.linear.gather [hbm4b:s28+s3], $0x80, $0x38;
	[tilespmem:$0x10600] =	vst v63  }
0x256: {  	s31 =	sadd.s32 $0xB80, s16;
	s1 =	sadd.s32 s4, s29;
	s2 =	sand.u32 $0x1FFFFFF0, s30  }
0x257: {  	[tilespmem:s31], [sflag:$0x1] =	stream.linear.gather [hbm4b:s1+s3], $0x80, $0x38;
	[tilespmem:$0x10600] =	vst v63  }
0x258: {  	s5 =	sadd.s32 $0x8B80, s16;
	s6 =	sadd.s32 s12, s2  }
0x259: {  	[tilespmem:s5], [sflag:$0x2] =	stream.linear.gather [hbm4b:s6+s3], $0x80, $0x38;
	[tilespmem:$0x10600] =	vst v63  }
0x25a: {  	v1 =	vld [tilespmem:s21+$0x0]  }
0x25b: {  	v3 =	vld [tilespmem:s22+$0x0];
	_ =	sdelay $0x3  }
0x25c: {  	v2 =	vshll.u32 v1, $0x4  }
0x25d: {  	s7 =	smov.u32 s17;
	v1 =	vshll.u32 v3, $0x4;
	(v2sf) =	vpush v2, $0x0  }
0x25e: {  	p0 =	sne.s32 s17, $0x1E000;
	s17 =	sadd.s32 $0x2000, s17;
	s16 =	sshra.s32 s7, $0x2;
	(v2sf) =	vpush v1, $0x0  }
0x25f: {  	s0 =	sadd.s32 $0x880, s16;
	s14 =	sadd.s32 $0x400, s16;
	s10 =	sadd.s32 $0x600, s16;
	(v2sf) =	vpush v2, $0x1  }
0x260: {  	s8 =	sadd.s32 $0x8900, s16;
	s18 =	sadd.s32 $0x580, s16;
	s11 =	sadd.s32 $0x8600, s16  }
0x261: {  	s13 =	sadd.s32 $0x8980, s16;
	s19 =	sadd.s32 $0x8880, s16;
	[dreg:$0xc] =	wrdreg s0;
	(v2sf) =	vpush v1, $0x1  }
0x262: {  	s7 =	sadd.s32 $0x780, s16;
	[dreg:$0x8] =	wrdreg s8;
	s0 =	sadd.s32 $0x8580, s16  }
0x263: {  	s9 =	sadd.s32 $0xA80, s16;
	s15 =	sadd.s32 $0x8680, s16;
	[dreg:$0xa] =	wrdreg s13;
	(v2sf) =	vpush v2, $0x2  }
0x264: {  	s8 =	sadd.s32 $0x8700, s16;
	[dreg:$0x10] =	wrdreg s19;
	s25 =	sadd.s32 $0xA00, s16  }
0x265: {  	s26 =	sadd.s32 $0x480, s16;
	s13 =	sadd.s32 $0x980, s16;
	s30 =	sadd.s32 $0x8400, s16;
	(v2sf) =	vpush v1, $0x2  }
0x266: {  	s29 =	sadd.s32 $0x500, s16;
	[dreg:$0x11] =	wrdreg s9;
	s9 =	sadd.s32 $0x8A80, s16  }
0x267: {  	[dreg:$0x13] =	wrdreg s13;
	s13 =	simm.s32 $0x0;
	s20 =	sadd.s32 $0x900, s16;
	(v2sf) =	vpush v2, $0x3  }
0x268: {  	s2 =	sadd.s32 $0x700, s16;
	s24 =	sadd.s32 $0x800, s16;
	[dreg:$0xe] =	wrdreg s20  }
0x269: {  	[dreg:$0x17] =	wrdreg s24;
	s24 =	sadd.s32 $0xB00, s16;
	s23 =	sadd.s32 $0x8800, s16;
	(v2sf) =	vpush v1, $0x3  }
0x26a: {  	s28 =	sadd.s32 $0x8500, s16;
	[dreg:$0x15] =	wrdreg s23;
	s23 =	sadd.s32 $0x8B00, s16  }
0x26b: {  	s1 =	sadd.s32 $0x8A00, s16;
	s31 =	sadd.s32 $0x8480, s16;
	s5 =	sadd.s32 $0x680, s16;
	(v2sf) =	vpush v2, $0x4  }
0x26c: {  	s6 =	sadd.s32 $0x8780, s16;
	s21 =	sadd.s32 $0x10, s21;
	s19 =	spop (v2sf)  }
0x26d: {  	s22 =	sadd.s32 $0x10, s22;
	s19 =	sand.u32 $0x1FFFFFF0, s19;
	s20 =	spop (v2sf);
	(v2sf) =	vpush v1, $0x4  }
0x26e: {  	s19 =	sadd.s32 s4, s19;
	s20 =	sand.u32 $0x1FFFFFF0, s20;
	s3 =	spop (v2sf)  }
0x26f: {  	(v2sf) =	vpush v2, $0x5;
	[tilespmem:s14], [sflag:$0x1] =	stream.linear.gather [hbm4b:s19+s13], $0x80, $0x38;
	[tilespmem:$0x10600] =	vst v63  }
0x270: {  	s19 =	sadd.s32 s12, s20;
	s3 =	sand.u32 $0x1FFFFFF0, s3;
	s20 =	spop (v2sf)  }
0x271: {  	(v2sf) =	vpush v1, $0x5;
	[tilespmem:s30], [sflag:$0x2] =	stream.linear.gather [hbm4b:s19+s13], $0x80, $0x38;
	[tilespmem:$0x10600] =	vst v63  }
0x272: {  	s3 =	sadd.s32 s4, s3;
	s20 =	sand.u32 $0x1FFFFFF0, s20;
	s30 =	spop (v2sf)  }
0x273: {  	(v2sf) =	vpush v2, $0x6;
	[tilespmem:s26], [sflag:$0x1] =	stream.linear.gather [hbm4b:s3+s13], $0x80, $0x38;
	[tilespmem:$0x10600] =	vst v63  }
0x274: {  	s20 =	sadd.s32 s12, s20;
	s26 =	sand.u32 $0x1FFFFFF0, s30;
	s30 =	spop (v2sf)  }
0x275: {  	(v2sf) =	vpush v1, $0x6;
	[tilespmem:s31], [sflag:$0x2] =	stream.linear.gather [hbm4b:s20+s13], $0x80, $0x38;
	[tilespmem:$0x10600] =	vst v63  }
0x276: {  	s14 =	sadd.s32 s4, s26;
	s26 =	spop (v2sf);
	(v2sf) =	vpush v2, $0x7;
	s20 =	sand.u32 $0x1FFFFFF0, s30  }
0x277: {  	[tilespmem:s29], [sflag:$0x1] =	stream.linear.gather [hbm4b:s14+s13], $0x80, $0x38;
	[tilespmem:$0x10600] =	vst v63  }
0x278: {  	s30 =	sand.u32 $0x1FFFFFF0, s26;
	s31 =	spop (v2sf);
	(v2sf) =	vpush v1, $0x7;
	s29 =	sadd.s32 s12, s20  }
0x279: {  	[tilespmem:s28], [sflag:$0x2] =	stream.linear.gather [hbm4b:s29+s13], $0x80, $0x38;
	[tilespmem:$0x10600] =	vst v63  }
0x27a: {  	s26 =	sand.u32 $0x1FFFFFF0, s31;
	s20 =	sadd.s32 s4, s30;
	s28 =	spop (v2sf)  }
0x27b: {  	[tilespmem:s18], [sflag:$0x1] =	stream.linear.gather [hbm4b:s20+s13], $0x80, $0x38;
	[tilespmem:$0x10600] =	vst v63  }
0x27c: {  	(v2sf) =	vpush v2, $0x8;
	s29 =	sadd.s32 s12, s26;
	s30 =	sand.u32 $0x1FFFFFF0, s28;
	s31 =	spop (v2sf)  }
0x27d: {  	[tilespmem:s0], [sflag:$0x2] =	stream.linear.gather [hbm4b:s29+s13], $0x80, $0x38;
	[tilespmem:$0x10600] =	vst v63  }
0x27e: {  	s14 =	sadd.s32 s4, s30;
	(v2sf) =	vpush v1, $0x8;
	s19 =	sand.u32 $0x1FFFFFF0, s31;
	s20 =	spop (v2sf)  }
0x27f: {  	(v2sf) =	vpush v2, $0x9;
	[tilespmem:s10], [sflag:$0x1] =	stream.linear.gather [hbm4b:s14+s13], $0x80, $0x38;
	[tilespmem:$0x10600] =	vst v63  }
0x280: {  	s26 =	sadd.s32 s12, s19;
	s28 =	sand.u32 $0x1FFFFFF0, s20;
	s29 =	spop (v2sf)  }
0x281: {  	(v2sf) =	vpush v1, $0x9;
	[tilespmem:s11], [sflag:$0x2] =	stream.linear.gather [hbm4b:s26+s13], $0x80, $0x38;
	[tilespmem:$0x10600] =	vst v63  }
0x282: {  	s30 =	sadd.s32 s4, s28;
	s11 =	smov.u32 s1;
	s1 =	spop (v2sf)  }
0x283: {  	[tilespmem:s5], [sflag:$0x1] =	stream.linear.gather [hbm4b:s30+s13], $0x80, $0x38;
	[tilespmem:$0x10600] =	vst v63  }
0x284: {  	s31 =	sand.u32 $0x1FFFFFF0, s29;
	s10 =	spop (v2sf);
	s5 =	sand.u32 $0x1FFFFFF0, s1  }
0x285: {  	s3 =	sadd.s32 s12, s31;
	s18 =	spop (v2sf);
	s14 =	sadd.s32 s4, s5  }
0x286: {  	(v2sf) =	vpush v2, $0xA;
	[tilespmem:s15], [sflag:$0x2] =	stream.linear.gather [hbm4b:s3+s13], $0x80, $0x38;
	[tilespmem:$0x10600] =	vst v63  }
0x287: {  	s20 =	sand.u32 $0x1FFFFFF0, s18;
	s26 =	spop (v2sf);
	s15 =	sand.u32 $0x1FFFFFF0, s10  }
0x288: {  	(v2sf) =	vpush v1, $0xA;
	[tilespmem:s2], [sflag:$0x1] =	stream.linear.gather [hbm4b:s14+s13], $0x80, $0x38;
	[tilespmem:$0x10600] =	vst v63  }
0x289: {  	s18 =	rddreg [dreg:$0x15];
	s29 =	sand.u32 $0x1FFFFFF0, s26;
	s19 =	sadd.s32 s12, s15  }
0x28a: {  	[tilespmem:s8], [sflag:$0x2] =	stream.linear.gather [hbm4b:s19+s13], $0x80, $0x38;
	[tilespmem:$0x10600] =	vst v63  }
0x28b: {  	s28 =	sadd.s32 s4, s20;
	s31 =	sadd.s32 s12, s29;
	s30 =	spop (v2sf)  }
0x28c: {  	(v2sf) =	vpush v2, $0xB;
	[tilespmem:s7], [sflag:$0x1] =	stream.linear.gather [hbm4b:s28+s13], $0x80, $0x38;
	[tilespmem:$0x10600] =	vst v63  }
0x28d: {  	s1 =	sand.u32 $0x1FFFFFF0, s30;
	s8 =	rddreg [dreg:$0x17];
	s2 =	spop (v2sf)  }
0x28e: {  	(v2sf) =	vpush v1, $0xB;
	s3 =	sadd.s32 s4, s1;
	s28 =	rddreg [dreg:$0xc];
	s7 =	spop (v2sf)  }
0x28f: {  	(v2sf) =	vpush v2, $0xC;
	[tilespmem:s6], [sflag:$0x2] =	stream.linear.gather [hbm4b:s31+s13], $0x80, $0x38;
	[tilespmem:$0x10600] =	vst v63  }
0x290: {  	s6 =	sand.u32 $0x1FFFFFF0, s2;
	s14 =	sand.u32 $0x1FFFFFF0, s7;
	s15 =	spop (v2sf)  }
0x291: {  	(v2sf) =	vpush v1, $0xC;
	s10 =	sadd.s32 s12, s6;
	s19 =	sadd.s32 s4, s14;
	s6 =	rddreg [dreg:$0x10]  }
0x292: {  	[tilespmem:s8], [sflag:$0x1] =	stream.linear.gather [hbm4b:s3+s13], $0x80, $0x38;
	[tilespmem:$0x10600] =	vst v63  }
0x293: {  	s20 =	sand.u32 $0x1FFFFFF0, s15;
	s14 =	rddreg [dreg:$0xe];
	s3 =	simm.s32 $0x0  }
0x294: {  	[tilespmem:s18], [sflag:$0x2] =	stream.linear.gather [hbm4b:s10+s13], $0x80, $0x38;
	[tilespmem:$0x10600] =	vst v63  }
0x295: {  	s29 =	sadd.s32 s12, s20;
	s20 =	rddreg [dreg:$0x8];
	s26 =	spop (v2sf)  }
0x296: {  	[tilespmem:s28], [sflag:$0x1] =	stream.linear.gather [hbm4b:s19+s3], $0x80, $0x38;
	[tilespmem:$0x10600] =	vst v63  }
0x297: {  	s13 =	rddreg [dreg:$0x11];
	s30 =	sand.u32 $0x1FFFFFF0, s26;
	s31 =	spop (v2sf)  }
0x298: {  	[tilespmem:s6], [sflag:$0x2] =	stream.linear.gather [hbm4b:s29+s3], $0x80, $0x38;
	[tilespmem:$0x10600] =	vst v63  }
0x299: {  	s7 =	sadd.s32 s4, s30;
	s8 =	sand.u32 $0x1FFFFFF0, s31;
	s30 =	rddreg [dreg:$0x13]  }
0x29a: {  	[tilespmem:s14], [sflag:$0x1] =	stream.linear.gather [hbm4b:s7+s3], $0x80, $0x38;
	[tilespmem:$0x10600] =	vst v63  }
0x29b: {  	s10 =	spop (v2sf);
	s31 =	rddreg [dreg:$0xa];
	s15 =	sadd.s32 s12, s8  }
0x29c: {  	(v2sf) =	vpush v2, $0xD;
	[tilespmem:s20], [sflag:$0x2] =	stream.linear.gather [hbm4b:s15+s3], $0x80, $0x38;
	[tilespmem:$0x10600] =	vst v63  }
.Ltmp3:
0x29d: {  	(v2sf) =	vpush v1, $0xD;
	s18 =	sand.u32 $0x1FFFFFF0, s10;
	s19 =	spop (v2sf);
	(pc) =	sbr.rel @p0 .LBB2_8-.Ltmp3, $4  }
0x29e: {  	(v2sf) =	vpush v2, $0xE;
	s26 =	sadd.s32 s4, s18;
	s28 =	sand.u32 $0x1FFFFFF0, s19;
	s29 =	spop (v2sf)  }
0x29f: {  	(v2sf) =	vpush v1, $0xE;
	[tilespmem:s30], [sflag:$0x1] =	stream.linear.gather [hbm4b:s26+s3], $0x80, $0x38;
	[tilespmem:$0x10600] =	vst v63  }
0x2a0: {  	(v2sf) =	vpush v2, $0xF;
	s1 =	sadd.s32 s12, s28;
	s0 =	sand.u32 $0x1FFFFFF0, s29;
	s2 =	spop (v2sf)  }
0x2a1: {  	(v2sf) =	vpush v1, $0xF;
	[tilespmem:s31], [sflag:$0x2] =	stream.linear.gather [hbm4b:s1+s3], $0x80, $0x38;
	[tilespmem:$0x10600] =	vst v63  }
0x2a2: {  	_ =	sdelay $0x3  }
0x2a3: {  	s4 =	rddreg [dreg:$0x6]  }
0x2a4: {  	s1 =	sand.u32 $0x1FFFFFF0, s2;
	s5 =	rddreg [dreg:$0x5];
	s0 =	sadd.s32 s4, s0  }
0x2a5: {  	[tilespmem:s25], [sflag:$0x1] =	stream.linear.gather [hbm4b:s0+s3], $0x80, $0x38;
	[tilespmem:$0x10600] =	vst v63  }
0x2a6: {  	s7 =	sadd.s32 s5, s1  }
0x2a7: {  	[tilespmem:s11], [sflag:$0x2] =	stream.linear.gather [hbm4b:s7+s3], $0x80, $0x38;
	[tilespmem:$0x10600] =	vst v63  }
0x2a8: {  	s6 =	spop (v2sf)  }
0x2a9: {  	s8 =	sand.u32 $0x1FFFFFF0, s6;
	s10 =	spop (v2sf)  }
0x2aa: {  	s12 =	sadd.s32 s4, s8;
	s14 =	sand.u32 $0x1FFFFFF0, s10;
	s15 =	spop (v2sf)  }
0x2ab: {  	[tilespmem:s13], [sflag:$0x1] =	stream.linear.gather [hbm4b:s12+s3], $0x80, $0x38;
	[tilespmem:$0x10600] =	vst v63  }
0x2ac: {  	s17 =	sadd.s32 s5, s14;
	s18 =	sand.u32 $0x1FFFFFF0, s15;
	s19 =	spop (v2sf)  }
0x2ad: {  	[tilespmem:s9], [sflag:$0x2] =	stream.linear.gather [hbm4b:s17+s3], $0x80, $0x38;
	[tilespmem:$0x10600] =	vst v63  }
0x2ae: {  	s20 =	sadd.s32 s4, s18;
	s21 =	sand.u32 $0x1FFFFFF0, s19;
	s22 =	spop (v2sf)  }
0x2af: {  	[tilespmem:s24], [sflag:$0x1] =	stream.linear.gather [hbm4b:s20+s3], $0x80, $0x38;
	[tilespmem:$0x10600] =	vst v63  }
0x2b0: {  	s25 =	sadd.s32 s5, s21;
	s26 =	sand.u32 $0x1FFFFFF0, s22;
	s28 =	spop (v2sf)  }
0x2b1: {  	[tilespmem:s23], [sflag:$0x2] =	stream.linear.gather [hbm4b:s25+s3], $0x80, $0x38;
	[tilespmem:$0x10600] =	vst v63  }
0x2b2: {  	s29 =	sadd.s32 $0xB80, s16;
	s1 =	sadd.s32 s4, s26;
	s2 =	sand.u32 $0x1FFFFFF0, s28  }
0x2b3: {  	[tilespmem:s29], [sflag:$0x1] =	stream.linear.gather [hbm4b:s1+s3], $0x80, $0x38;
	[tilespmem:$0x10600] =	vst v63  }
0x2b4: {  	s30 =	sadd.s32 $0x8B80, s16;
	s31 =	sadd.s32 s5, s2;
	s2 =	simm.s32 $0x1  }
0x2b5: {  	[tilespmem:s30], [sflag:$0x2] =	stream.linear.gather [hbm4b:s31+s3], $0x80, $0x38;
	[tilespmem:$0x10600] =	vst v63  }
0x2b6: {  	_ =	swait.ge [sflag:s2], $0x80  }
0x2b7: {  	[sflag:s2] =	ssyncset.done $0x0  }
0x2b8: {  	s1 =	simm.s32 $0x2;
	[sflag:s2] =	ssyncadd.s32 $0xFFFFFF80  }
0x2b9: {  	_ =	swait.ge [sflag:s1], $0x80  }
0x2ba: {  	s0 =	simm.s32 $0xFF;
	[sflag:s1] =	ssyncset.done $0x0  }
.LBB2_10:
0x2bb: {  	p0 =	sne.s32 s0, $0x1;
	s0 =	sadd.s32 $0xFFFFFFFF, s0;
	[sflag:s1] =	ssyncadd.s32 $0xFFFFFF80  }
.Ltmp4:
0x2bc: {  	_ =	swait.ge [sflag:s2], $0x80;
	(pc) =	sbr.rel @p0 .LBB2_10-.Ltmp4, $4  }
0x2bd: {  	[sflag:s2] =	ssyncset.done $0x0  }
0x2be: {  	[sflag:s2] =	ssyncadd.s32 $0xFFFFFF80  }
0x2bf: {  	_ =	swait.ge [sflag:s1], $0x80  }
0x2c0: {  	[sflag:s1] =	ssyncset.done $0x0  }
0x2c1: {  	s17 =	simm.s32 $0x0  }
0x2c2: {  	v1 =	vmov s17  }
0x2c3: {  	v1 =	vshll.u32 v1, $0x7  }
0x2c4: {  	v1 =	vor.u32 v0, v1;
	_ =	sdelay $0x1  }
0x2c5: {  	v2 =	vor.u32 $0x1, v1;
	_ =	sdelay $0x1  }
0x2c6: {  	[sflag:s1] =	ssyncadd.s32 $0xFFFFFF80;
	s5 =	simm.s32 $0x8400;
	v3 =	vor.u32 $0x2, v1  }
0x2c7: {  	s1 =	simm.s32 $0x400;
	v4 =	vld.idx.msk [tilespmem:v1+s5+$0x0], $0xffff  }
0x2c8: {  	v6 =	vor.u32 $0x3, v1;
	v5 =	vld.idx.msk [tilespmem:v1+s1+$0x0], $0xffff  }
0x2c9: {  	v7 =	vld.idx.msk [tilespmem:v2+s1+$0x0], $0xffff  }
0x2ca: {  	v8 =	vor.u32 $0x4, v1;
	v2 =	vld.idx.msk [tilespmem:v2+s5+$0x0], $0xffff  }
0x2cb: {  	v9 =	vld.idx.msk [tilespmem:v3+s1+$0x0], $0xffff  }
0x2cc: {  	v10 =	vor.u32 $0x5, v1;
	v3 =	vld.idx.msk [tilespmem:v3+s5+$0x0], $0xffff  }
0x2cd: {  	v11 =	vld.idx.msk [tilespmem:v6+s1+$0x0], $0xffff;
	v4 =	vmul.f32 v4, v5  }
0x2ce: {  	v5 =	vld.idx.msk [tilespmem:v6+s5+$0x0], $0xffff;
	v6 =	vor.u32 $0x6, v1  }
0x2cf: {  	v12 =	vld.idx.msk [tilespmem:v8+s1+$0x0], $0xffff;
	v2 =	vmul.f32 v2, v7;
	v4 =	vadd.f32 $0.0e+00, v4  }
0x2d0: {  	v23 =	vor.u32 $0x7, v1;
	v7 =	vld.idx.msk [tilespmem:v8+s5+$0x0], $0xffff  }
0x2d1: {  	v13 =	vld.idx.msk [tilespmem:v10+s1+$0x0], $0xffff;
	v3 =	vmul.f32 v3, v9;
	v2 =	vadd.f32 v2, v4  }
0x2d2: {  	v24 =	vor.u32 $0x8, v1;
	v4 =	vld.idx.msk [tilespmem:v10+s5+$0x0], $0xffff  }
0x2d3: {  	v25 =	vld.idx.msk [tilespmem:v6+s1+$0x0], $0xffff;
	v2 =	vadd.f32 v3, v2;
	v3 =	vmul.f32 v5, v11  }
0x2d4: {  	v5 =	vld.idx.msk [tilespmem:v6+s5+$0x0], $0xffff;
	v6 =	vor.u32 $0x9, v1  }
0x2d5: {  	v26 =	vld.idx.msk [tilespmem:v23+s1+$0x0], $0xffff;
	v2 =	vadd.f32 v3, v2;
	v3 =	vmul.f32 v7, v12  }
0x2d6: {  	v27 =	vor.u32 $0xA, v1;
	v7 =	vld.idx.msk [tilespmem:v23+s5+$0x0], $0xffff  }
0x2d7: {  	v28 =	vld.idx.msk [tilespmem:v24+s1+$0x0], $0xffff;
	v2 =	vadd.f32 v3, v2;
	v3 =	vmul.f32 v4, v13  }
0x2d8: {  	v29 =	vor.u32 $0xB, v1;
	v4 =	vld.idx.msk [tilespmem:v24+s5+$0x0], $0xffff  }
0x2d9: {  	v30 =	vld.idx.msk [tilespmem:v6+s1+$0x0], $0xffff;
	v2 =	vadd.f32 v3, v2;
	v3 =	vmul.f32 v5, v25  }
0x2da: {  	v5 =	vld.idx.msk [tilespmem:v6+s5+$0x0], $0xffff;
	v6 =	vor.u32 $0xC, v1  }
0x2db: {  	v31 =	vld.idx.msk [tilespmem:v27+s1+$0x0], $0xffff;
	v2 =	vadd.f32 v3, v2;
	v3 =	vmul.f32 v7, v26  }
0x2dc: {  	v32 =	vor.u32 $0xD, v1;
	v7 =	vld.idx.msk [tilespmem:v27+s5+$0x0], $0xffff  }
0x2dd: {  	v33 =	vld.idx.msk [tilespmem:v29+s1+$0x0], $0xffff;
	v2 =	vadd.f32 v3, v2;
	v3 =	vmul.f32 v4, v28  }
0x2de: {  	v34 =	vor.u32 $0xE, v1;
	v4 =	vld.idx.msk [tilespmem:v29+s5+$0x0], $0xffff  }
0x2df: {  	v35 =	vld.idx.msk [tilespmem:v6+s1+$0x0], $0xffff;
	v2 =	vadd.f32 v3, v2;
	v3 =	vmul.f32 v5, v30  }
0x2e0: {  	v5 =	vld.idx.msk [tilespmem:v6+s5+$0x0], $0xffff;
	v6 =	vor.u32 $0xF, v1  }
0x2e1: {  	v36 =	vld.idx.msk [tilespmem:v32+s1+$0x0], $0xffff;
	v2 =	vadd.f32 v3, v2;
	v3 =	vmul.f32 v7, v31  }
0x2e2: {  	v37 =	vor.u32 $0x10, v1;
	v7 =	vld.idx.msk [tilespmem:v32+s5+$0x0], $0xffff  }
0x2e3: {  	v38 =	vld.idx.msk [tilespmem:v34+s1+$0x0], $0xffff;
	v2 =	vadd.f32 v3, v2;
	v3 =	vmul.f32 v4, v33  }
0x2e4: {  	v39 =	vor.u32 $0x11, v1;
	v4 =	vld.idx.msk [tilespmem:v34+s5+$0x0], $0xffff  }
0x2e5: {  	v40 =	vld.idx.msk [tilespmem:v6+s1+$0x0], $0xffff;
	v2 =	vadd.f32 v3, v2;
	v3 =	vmul.f32 v5, v35  }
0x2e6: {  	v5 =	vld.idx.msk [tilespmem:v6+s5+$0x0], $0xffff;
	v6 =	vor.u32 $0x12, v1  }
0x2e7: {  	v41 =	vld.idx.msk [tilespmem:v37+s1+$0x0], $0xffff;
	v2 =	vadd.f32 v3, v2;
	v3 =	vmul.f32 v7, v36  }
0x2e8: {  	v42 =	vor.u32 $0x13, v1;
	v7 =	vld.idx.msk [tilespmem:v37+s5+$0x0], $0xffff  }
0x2e9: {  	v43 =	vld.idx.msk [tilespmem:v39+s1+$0x0], $0xffff;
	v2 =	vadd.f32 v3, v2;
	v3 =	vmul.f32 v4, v38  }
0x2ea: {  	v44 =	vor.u32 $0x14, v1;
	v4 =	vld.idx.msk [tilespmem:v39+s5+$0x0], $0xffff  }
0x2eb: {  	v45 =	vld.idx.msk [tilespmem:v6+s1+$0x0], $0xffff;
	v2 =	vadd.f32 v3, v2;
	v3 =	vmul.f32 v5, v40  }
0x2ec: {  	v5 =	vld.idx.msk [tilespmem:v6+s5+$0x0], $0xffff;
	v6 =	vor.u32 $0x15, v1  }
0x2ed: {  	v46 =	vld.idx.msk [tilespmem:v42+s1+$0x0], $0xffff;
	v2 =	vadd.f32 v3, v2;
	v3 =	vmul.f32 v7, v41  }
0x2ee: {  	v47 =	vor.u32 $0x16, v1;
	v7 =	vld.idx.msk [tilespmem:v42+s5+$0x0], $0xffff  }
0x2ef: {  	v48 =	vld.idx.msk [tilespmem:v44+s1+$0x0], $0xffff;
	v2 =	vadd.f32 v3, v2;
	v3 =	vmul.f32 v4, v43  }
0x2f0: {  	v49 =	vor.u32 $0x17, v1;
	v4 =	vld.idx.msk [tilespmem:v44+s5+$0x0], $0xffff  }
0x2f1: {  	v50 =	vld.idx.msk [tilespmem:v6+s1+$0x0], $0xffff;
	v2 =	vadd.f32 v3, v2;
	v3 =	vmul.f32 v5, v45  }
0x2f2: {  	v5 =	vld.idx.msk [tilespmem:v6+s5+$0x0], $0xffff;
	v6 =	vor.u32 $0x18, v1  }
0x2f3: {  	v51 =	vld.idx.msk [tilespmem:v47+s1+$0x0], $0xffff;
	v2 =	vadd.f32 v3, v2;
	v3 =	vmul.f32 v7, v46  }
0x2f4: {  	v52 =	vor.u32 $0x19, v1;
	v7 =	vld.idx.msk [tilespmem:v47+s5+$0x0], $0xffff  }
0x2f5: {  	v53 =	vld.idx.msk [tilespmem:v49+s1+$0x0], $0xffff;
	v2 =	vadd.f32 v3, v2;
	v3 =	vmul.f32 v4, v48  }
0x2f6: {  	v54 =	vor.u32 $0x1A, v1;
	v4 =	vld.idx.msk [tilespmem:v49+s5+$0x0], $0xffff  }
0x2f7: {  	v55 =	vld.idx.msk [tilespmem:v6+s1+$0x0], $0xffff;
	v2 =	vadd.f32 v3, v2;
	v3 =	vmul.f32 v5, v50  }
0x2f8: {  	v5 =	vld.idx.msk [tilespmem:v6+s5+$0x0], $0xffff;
	v6 =	vor.u32 $0x1B, v1  }
0x2f9: {  	v56 =	vld.idx.msk [tilespmem:v52+s1+$0x0], $0xffff;
	v2 =	vadd.f32 v3, v2;
	v3 =	vmul.f32 v7, v51  }
0x2fa: {  	v57 =	vor.u32 $0x1C, v1;
	v7 =	vld.idx.msk [tilespmem:v52+s5+$0x0], $0xffff  }
0x2fb: {  	v58 =	vld.idx.msk [tilespmem:v54+s1+$0x0], $0xffff;
	v2 =	vadd.f32 v3, v2;
	v3 =	vmul.f32 v4, v53  }
0x2fc: {  	v4 =	vld.idx.msk [tilespmem:v54+s5+$0x0], $0xffff  }
0x2fd: {  	v60 =	vld.idx.msk [tilespmem:v6+s1+$0x0], $0xffff;
	v2 =	vadd.f32 v3, v2;
	v3 =	vmul.f32 v5, v55  }
0x2fe: {  	v59 =	vor.u32 $0x1D, v1;
	v5 =	vld.idx.msk [tilespmem:v6+s5+$0x0], $0xffff  }
0x2ff: {  	v61 =	vld.idx.msk [tilespmem:v57+s1+$0x0], $0xffff;
	v2 =	vadd.f32 v3, v2;
	v3 =	vmul.f32 v7, v56  }
0x300: {  	v6 =	vor.u32 $0x1E, v1;
	v7 =	vld.idx.msk [tilespmem:v57+s5+$0x0], $0xffff  }
0x301: {  	v2 =	vadd.f32 v3, v2;
	v3 =	vmul.f32 v4, v58  }
0x302: {  	v1 =	vor.u32 $0x1F, v1  }
0x303: {  	v62 =	vld.idx.msk [tilespmem:v59+s1+$0x0], $0xffff;
	v2 =	vadd.f32 v3, v2;
	v3 =	vmul.f32 v5, v60  }
0x304: {  	v4 =	vld.idx.msk [tilespmem:v59+s5+$0x0], $0xffff  }
0x305: {  	v63 =	vld.idx.msk [tilespmem:v6+s1+$0x0], $0xffff;
	v2 =	vadd.f32 v3, v2;
	v3 =	vmul.f32 v7, v61  }
0x306: {  	v5 =	vld.idx.msk [tilespmem:v6+s5+$0x0], $0xffff  }
0x307: {  	v6 =	vadd.f32 v3, v2;
	v2 =	vld.idx.msk [tilespmem:v1+s1+$0x0], $0xffff  }
0x308: {  	v3 =	vld.idx.msk [tilespmem:v1+s5+$0x0], $0xffff  }
0x309: {  	v4 =	vmul.f32 v4, v62  }
0x30a: {  	s16 =	simm.s32 $0x10  }
0x30b: {  	v7 =	vmov s16;
	v5 =	vmul.f32 v5, v63;
	v4 =	vadd.f32 v4, v6  }
0x30c: {  	s18 =	simm.s32 $0x20;
	s2 =	simm.s32 $0x3;
	v1 =	vshll.u32 v7, $0x7  }
.LBB2_12:
0x30d: {  	p0 =	sne.s32 s18, $0xF0;
	v1 =	vor.u32 v0, v1;
	v4 =	vadd.f32 v5, v4;
	v2 =	vmul.f32 v3, v2;
	_ =	sdelay $0x1  }
0x30e: {  	v3 =	vor.u32 $0x1, v1;
	v2 =	vadd.f32 v2, v4  }
0x30f: {  	s0 =	sand.u32 $0xF0, s17;
	s17 =	smov.u32 s16;
	s16 =	smov.u32 s18  }
0x310: {  	v4 =	vor.u32 $0x2, v1;
	[tilespmem:s0+$0x10500] =	vst v2  }
0x311: {  	v2 =	vld.idx.msk [tilespmem:v1+s5+$0x0], $0xffff  }
0x312: {  	v6 =	vor.u32 $0x3, v1;
	v5 =	vld.idx.msk [tilespmem:v1+s1+$0x0], $0xffff  }
0x313: {  	v7 =	vld.idx.msk [tilespmem:v3+s1+$0x0], $0xffff  }
0x314: {  	v8 =	vor.u32 $0x4, v1;
	v3 =	vld.idx.msk [tilespmem:v3+s5+$0x0], $0xffff  }
0x315: {  	v9 =	vld.idx.msk [tilespmem:v4+s1+$0x0], $0xffff  }
0x316: {  	v10 =	vor.u32 $0x5, v1;
	v4 =	vld.idx.msk [tilespmem:v4+s5+$0x0], $0xffff  }
0x317: {  	v11 =	vld.idx.msk [tilespmem:v6+s1+$0x0], $0xffff  }
0x318: {  	v2 =	vmul.f32 v2, v5;
	v5 =	vld.idx.msk [tilespmem:v6+s5+$0x0], $0xffff;
	v6 =	vor.u32 $0x6, v1  }
0x319: {  	v12 =	vld.idx.msk [tilespmem:v8+s1+$0x0], $0xffff  }
0x31a: {  	v2 =	vadd.f32 $0.0e+00, v2;
	v3 =	vmul.f32 v3, v7;
	v7 =	vld.idx.msk [tilespmem:v8+s5+$0x0], $0xffff;
	v8 =	vor.u32 $0x7, v1  }
0x31b: {  	v13 =	vld.idx.msk [tilespmem:v10+s1+$0x0], $0xffff  }
0x31c: {  	v2 =	vadd.f32 v3, v2;
	v3 =	vmul.f32 v4, v9;
	v9 =	vor.u32 $0x8, v1;
	v4 =	vld.idx.msk [tilespmem:v10+s5+$0x0], $0xffff  }
0x31d: {  	v10 =	vld.idx.msk [tilespmem:v6+s1+$0x0], $0xffff  }
0x31e: {  	v2 =	vadd.f32 v3, v2;
	v3 =	vmul.f32 v5, v11;
	v5 =	vld.idx.msk [tilespmem:v6+s5+$0x0], $0xffff;
	v6 =	vor.u32 $0x9, v1  }
0x31f: {  	v11 =	vld.idx.msk [tilespmem:v8+s1+$0x0], $0xffff  }
0x320: {  	v2 =	vadd.f32 v3, v2;
	v3 =	vmul.f32 v7, v12;
	v7 =	vld.idx.msk [tilespmem:v8+s5+$0x0], $0xffff;
	v8 =	vor.u32 $0xA, v1  }
0x321: {  	v12 =	vld.idx.msk [tilespmem:v9+s1+$0x0], $0xffff  }
0x322: {  	v2 =	vadd.f32 v3, v2;
	v3 =	vmul.f32 v4, v13;
	v4 =	vld.idx.msk [tilespmem:v9+s5+$0x0], $0xffff;
	v9 =	vor.u32 $0xB, v1  }
0x323: {  	v13 =	vld.idx.msk [tilespmem:v6+s1+$0x0], $0xffff  }
0x324: {  	v2 =	vadd.f32 v3, v2;
	v3 =	vmul.f32 v5, v10;
	v5 =	vld.idx.msk [tilespmem:v6+s5+$0x0], $0xffff;
	v6 =	vor.u32 $0xC, v1  }
0x325: {  	v10 =	vld.idx.msk [tilespmem:v8+s1+$0x0], $0xffff  }
0x326: {  	v2 =	vadd.f32 v3, v2;
	v3 =	vmul.f32 v7, v11;
	v7 =	vld.idx.msk [tilespmem:v8+s5+$0x0], $0xffff;
	v8 =	vor.u32 $0xD, v1  }
0x327: {  	v11 =	vld.idx.msk [tilespmem:v9+s1+$0x0], $0xffff  }
0x328: {  	v2 =	vadd.f32 v3, v2;
	v3 =	vmul.f32 v4, v12;
	v4 =	vld.idx.msk [tilespmem:v9+s5+$0x0], $0xffff;
	v9 =	vor.u32 $0xE, v1  }
0x329: {  	v12 =	vld.idx.msk [tilespmem:v6+s1+$0x0], $0xffff  }
0x32a: {  	v2 =	vadd.f32 v3, v2;
	v3 =	vmul.f32 v5, v13;
	v5 =	vld.idx.msk [tilespmem:v6+s5+$0x0], $0xffff;
	v6 =	vor.u32 $0xF, v1  }
0x32b: {  	v13 =	vld.idx.msk [tilespmem:v8+s1+$0x0], $0xffff  }
0x32c: {  	v2 =	vadd.f32 v3, v2;
	v3 =	vmul.f32 v7, v10;
	v7 =	vld.idx.msk [tilespmem:v8+s5+$0x0], $0xffff;
	v8 =	vor.u32 $0x10, v1  }
0x32d: {  	v10 =	vld.idx.msk [tilespmem:v9+s1+$0x0], $0xffff  }
0x32e: {  	v2 =	vadd.f32 v3, v2;
	v3 =	vmul.f32 v4, v11;
	v4 =	vld.idx.msk [tilespmem:v9+s5+$0x0], $0xffff;
	v9 =	vor.u32 $0x11, v1  }
0x32f: {  	v11 =	vld.idx.msk [tilespmem:v6+s1+$0x0], $0xffff  }
0x330: {  	v2 =	vadd.f32 v3, v2;
	v3 =	vmul.f32 v5, v12;
	v5 =	vld.idx.msk [tilespmem:v6+s5+$0x0], $0xffff;
	v6 =	vor.u32 $0x12, v1  }
0x331: {  	v12 =	vld.idx.msk [tilespmem:v8+s1+$0x0], $0xffff  }
0x332: {  	v2 =	vadd.f32 v3, v2;
	v3 =	vmul.f32 v7, v13;
	v7 =	vld.idx.msk [tilespmem:v8+s5+$0x0], $0xffff;
	v8 =	vor.u32 $0x13, v1  }
0x333: {  	v13 =	vld.idx.msk [tilespmem:v9+s1+$0x0], $0xffff  }
0x334: {  	v2 =	vadd.f32 v3, v2;
	v3 =	vmul.f32 v4, v10;
	v4 =	vld.idx.msk [tilespmem:v9+s5+$0x0], $0xffff;
	v9 =	vor.u32 $0x14, v1  }
0x335: {  	v10 =	vld.idx.msk [tilespmem:v6+s1+$0x0], $0xffff  }
0x336: {  	v2 =	vadd.f32 v3, v2;
	v3 =	vmul.f32 v5, v11;
	v5 =	vld.idx.msk [tilespmem:v6+s5+$0x0], $0xffff;
	v6 =	vor.u32 $0x15, v1  }
0x337: {  	v11 =	vld.idx.msk [tilespmem:v8+s1+$0x0], $0xffff  }
0x338: {  	v2 =	vadd.f32 v3, v2;
	v3 =	vmul.f32 v7, v12;
	v7 =	vld.idx.msk [tilespmem:v8+s5+$0x0], $0xffff;
	v8 =	vor.u32 $0x16, v1  }
0x339: {  	v12 =	vld.idx.msk [tilespmem:v9+s1+$0x0], $0xffff  }
0x33a: {  	v2 =	vadd.f32 v3, v2;
	v3 =	vmul.f32 v4, v13;
	v4 =	vld.idx.msk [tilespmem:v9+s5+$0x0], $0xffff;
	v9 =	vor.u32 $0x17, v1  }
0x33b: {  	v13 =	vld.idx.msk [tilespmem:v6+s1+$0x0], $0xffff  }
0x33c: {  	v2 =	vadd.f32 v3, v2;
	v3 =	vmul.f32 v5, v10;
	v5 =	vld.idx.msk [tilespmem:v6+s5+$0x0], $0xffff;
	v6 =	vor.u32 $0x18, v1  }
0x33d: {  	v10 =	vld.idx.msk [tilespmem:v8+s1+$0x0], $0xffff  }
0x33e: {  	v2 =	vadd.f32 v3, v2;
	v3 =	vmul.f32 v7, v11;
	v7 =	vld.idx.msk [tilespmem:v8+s5+$0x0], $0xffff;
	v8 =	vor.u32 $0x19, v1  }
0x33f: {  	v11 =	vld.idx.msk [tilespmem:v9+s1+$0x0], $0xffff  }
0x340: {  	v2 =	vadd.f32 v3, v2;
	v3 =	vmul.f32 v4, v12;
	v4 =	vld.idx.msk [tilespmem:v9+s5+$0x0], $0xffff;
	v9 =	vor.u32 $0x1A, v1  }
0x341: {  	v12 =	vld.idx.msk [tilespmem:v6+s1+$0x0], $0xffff  }
0x342: {  	v2 =	vadd.f32 v3, v2;
	v3 =	vmul.f32 v5, v13;
	v5 =	vld.idx.msk [tilespmem:v6+s5+$0x0], $0xffff;
	v6 =	vor.u32 $0x1B, v1  }
0x343: {  	v13 =	vld.idx.msk [tilespmem:v8+s1+$0x0], $0xffff  }
0x344: {  	v2 =	vadd.f32 v3, v2;
	v3 =	vmul.f32 v7, v10;
	v7 =	vld.idx.msk [tilespmem:v8+s5+$0x0], $0xffff;
	v8 =	vor.u32 $0x1C, v1  }
0x345: {  	v10 =	vld.idx.msk [tilespmem:v9+s1+$0x0], $0xffff  }
0x346: {  	v2 =	vadd.f32 v3, v2;
	v3 =	vmul.f32 v4, v11;
	v4 =	vld.idx.msk [tilespmem:v9+s5+$0x0], $0xffff;
	v9 =	vor.u32 $0x1D, v1  }
0x347: {  	v11 =	vld.idx.msk [tilespmem:v6+s1+$0x0], $0xffff  }
0x348: {  	v2 =	vadd.f32 v3, v2;
	v3 =	vmul.f32 v5, v12;
	v5 =	vld.idx.msk [tilespmem:v6+s5+$0x0], $0xffff;
	v6 =	vor.u32 $0x1E, v1  }
0x349: {  	v12 =	vld.idx.msk [tilespmem:v8+s1+$0x0], $0xffff  }
0x34a: {  	v1 =	vor.u32 $0x1F, v1;
	v2 =	vadd.f32 v3, v2;
	v3 =	vmul.f32 v7, v13;
	v7 =	vld.idx.msk [tilespmem:v8+s5+$0x0], $0xffff  }
0x34b: {  	v8 =	vld.idx.msk [tilespmem:v9+s1+$0x0], $0xffff  }
0x34c: {  	v2 =	vadd.f32 v3, v2;
	v3 =	vmul.f32 v4, v10;
	v4 =	vld.idx.msk [tilespmem:v9+s5+$0x0], $0xffff  }
0x34d: {  	v9 =	vld.idx.msk [tilespmem:v6+s1+$0x0], $0xffff  }
0x34e: {  	v3 =	vadd.f32 v3, v2;
	v5 =	vmul.f32 v5, v11;
	v6 =	vld.idx.msk [tilespmem:v6+s5+$0x0], $0xffff  }
0x34f: {  	v2 =	vld.idx.msk [tilespmem:v1+s1+$0x0], $0xffff  }
0x350: {  	v5 =	vadd.f32 v5, v3;
	v7 =	vmul.f32 v7, v12;
	v3 =	vld.idx.msk [tilespmem:v1+s5+$0x0], $0xffff  }
.Ltmp5:
0x351: {  	(pc) =	sbr.rel @p0 .LBB2_12-.Ltmp5, $3  }
0x352: {  	v1 =	vadd.f32 v7, v5;
	v4 =	vmul.f32 v4, v8;
	_ =	sdelay $0x1  }
0x353: {  	v7 =	vmov s18;
	v4 =	vadd.f32 v4, v1;
	v5 =	vmul.f32 v6, v9  }
0x354: {  	s18 =	sadd.s32 $0x10, s18;
	v1 =	vshll.u32 v7, $0x7  }
0x355: {  	v1 =	vor.u32 v0, v1;
	v4 =	vadd.f32 v5, v4;
	v2 =	vmul.f32 v3, v2;
	_ =	sdelay $0x1  }
0x356: {  	v3 =	vor.u32 $0x1, v1;
	v2 =	vadd.f32 v2, v4  }
0x357: {  	s0 =	sand.u32 $0xF0, s17  }
0x358: {  	v31 =	vor.u32 $0x2, v1;
	[tilespmem:s0+$0x10500] =	vst v2  }
0x359: {  	v2 =	vld.idx.msk [tilespmem:v1+s5+$0x0], $0xffff  }
0x35a: {  	v6 =	vor.u32 $0x3, v1;
	v32 =	vld.idx.msk [tilespmem:v1+s1+$0x0], $0xffff  }
0x35b: {  	v7 =	vld.idx.msk [tilespmem:v3+s1+$0x0], $0xffff  }
0x35c: {  	v8 =	vor.u32 $0x4, v1;
	v3 =	vld.idx.msk [tilespmem:v3+s5+$0x0], $0xffff  }
0x35d: {  	v9 =	vld.idx.msk [tilespmem:v31+s1+$0x0], $0xffff  }
0x35e: {  	v10 =	vor.u32 $0x5, v1;
	v4 =	vld.idx.msk [tilespmem:v31+s5+$0x0], $0xffff  }
0x35f: {  	v11 =	vld.idx.msk [tilespmem:v6+s1+$0x0], $0xffff;
	v2 =	vmul.f32 v2, v32  }
0x360: {  	v34 =	vor.u32 $0x6, v1;
	v33 =	vld.idx.msk [tilespmem:v6+s5+$0x0], $0xffff  }
0x361: {  	v12 =	vld.idx.msk [tilespmem:v8+s1+$0x0], $0xffff;
	v3 =	vmul.f32 v3, v7;
	v2 =	vadd.f32 $0.0e+00, v2  }
0x362: {  	v36 =	vor.u32 $0x7, v1;
	v35 =	vld.idx.msk [tilespmem:v8+s5+$0x0], $0xffff  }
0x363: {  	v13 =	vld.idx.msk [tilespmem:v10+s1+$0x0], $0xffff;
	v2 =	vadd.f32 v3, v2;
	v3 =	vmul.f32 v4, v9  }
0x364: {  	v38 =	vor.u32 $0x8, v1;
	v37 =	vld.idx.msk [tilespmem:v10+s5+$0x0], $0xffff  }
0x365: {  	v39 =	vld.idx.msk [tilespmem:v34+s1+$0x0], $0xffff;
	v2 =	vadd.f32 v3, v2;
	v3 =	vmul.f32 v33, v11  }
0x366: {  	v41 =	vor.u32 $0x9, v1;
	v40 =	vld.idx.msk [tilespmem:v34+s5+$0x0], $0xffff  }
0x367: {  	v42 =	vld.idx.msk [tilespmem:v36+s1+$0x0], $0xffff;
	v2 =	vadd.f32 v3, v2;
	v3 =	vmul.f32 v35, v12  }
0x368: {  	v44 =	vor.u32 $0xA, v1;
	v43 =	vld.idx.msk [tilespmem:v36+s5+$0x0], $0xffff  }
0x369: {  	v45 =	vld.idx.msk [tilespmem:v38+s1+$0x0], $0xffff;
	v2 =	vadd.f32 v3, v2;
	v3 =	vmul.f32 v37, v13  }
0x36a: {  	v47 =	vor.u32 $0xB, v1;
	v46 =	vld.idx.msk [tilespmem:v38+s5+$0x0], $0xffff  }
0x36b: {  	v48 =	vld.idx.msk [tilespmem:v41+s1+$0x0], $0xffff;
	v2 =	vadd.f32 v3, v2;
	v3 =	vmul.f32 v40, v39  }
0x36c: {  	v50 =	vor.u32 $0xC, v1;
	v49 =	vld.idx.msk [tilespmem:v41+s5+$0x0], $0xffff  }
0x36d: {  	v51 =	vld.idx.msk [tilespmem:v44+s1+$0x0], $0xffff;
	v2 =	vadd.f32 v3, v2;
	v3 =	vmul.f32 v43, v42  }
0x36e: {  	v53 =	vor.u32 $0xD, v1;
	v52 =	vld.idx.msk [tilespmem:v44+s5+$0x0], $0xffff  }
0x36f: {  	v54 =	vld.idx.msk [tilespmem:v47+s1+$0x0], $0xffff;
	v2 =	vadd.f32 v3, v2;
	v3 =	vmul.f32 v46, v45  }
0x370: {  	v56 =	vor.u32 $0xE, v1;
	v55 =	vld.idx.msk [tilespmem:v47+s5+$0x0], $0xffff  }
0x371: {  	v57 =	vld.idx.msk [tilespmem:v50+s1+$0x0], $0xffff;
	v2 =	vadd.f32 v3, v2;
	v3 =	vmul.f32 v49, v48  }
0x372: {  	v59 =	vor.u32 $0xF, v1;
	v58 =	vld.idx.msk [tilespmem:v50+s5+$0x0], $0xffff  }
0x373: {  	v60 =	vld.idx.msk [tilespmem:v53+s1+$0x0], $0xffff;
	v2 =	vadd.f32 v3, v2;
	v3 =	vmul.f32 v52, v51  }
0x374: {  	v62 =	vor.u32 $0x10, v1;
	v61 =	vld.idx.msk [tilespmem:v53+s5+$0x0], $0xffff  }
0x375: {  	v63 =	vld.idx.msk [tilespmem:v56+s1+$0x0], $0xffff;
	v2 =	vadd.f32 v3, v2;
	v3 =	vmul.f32 v55, v54  }
0x376: {  	v17 =	vor.u32 $0x11, v1;
	v16 =	vld.idx.msk [tilespmem:v56+s5+$0x0], $0xffff  }
0x377: {  	v18 =	vld.idx.msk [tilespmem:v59+s1+$0x0], $0xffff;
	v2 =	vadd.f32 v3, v2;
	v3 =	vmul.f32 v58, v57  }
0x378: {  	v20 =	vor.u32 $0x12, v1;
	v19 =	vld.idx.msk [tilespmem:v59+s5+$0x0], $0xffff  }
0x379: {  	v21 =	vld.idx.msk [tilespmem:v62+s1+$0x0], $0xffff;
	v2 =	vadd.f32 v3, v2;
	v3 =	vmul.f32 v61, v60  }
0x37a: {  	v23 =	vor.u32 $0x13, v1;
	v22 =	vld.idx.msk [tilespmem:v62+s5+$0x0], $0xffff  }
0x37b: {  	v24 =	vld.idx.msk [tilespmem:v17+s1+$0x0], $0xffff;
	v2 =	vadd.f32 v3, v2;
	v3 =	vmul.f32 v16, v63  }
0x37c: {  	v26 =	vor.u32 $0x14, v1;
	v25 =	vld.idx.msk [tilespmem:v17+s5+$0x0], $0xffff  }
0x37d: {  	v27 =	vld.idx.msk [tilespmem:v20+s1+$0x0], $0xffff;
	v2 =	vadd.f32 v3, v2;
	v3 =	vmul.f32 v19, v18  }
0x37e: {  	v29 =	vor.u32 $0x15, v1;
	v28 =	vld.idx.msk [tilespmem:v20+s5+$0x0], $0xffff  }
0x37f: {  	v30 =	vld.idx.msk [tilespmem:v23+s1+$0x0], $0xffff;
	v2 =	vadd.f32 v3, v2;
	v3 =	vmul.f32 v22, v21  }
0x380: {  	v31 =	vld.idx.msk [tilespmem:v23+s5+$0x0], $0xffff;
	v32 =	vor.u32 $0x16, v1  }
0x381: {  	v34 =	vld.idx.msk [tilespmem:v26+s5+$0x0], $0xffff;
	v2 =	vadd.f32 v3, v2;
	v3 =	vmul.f32 v25, v24  }
0x382: {  	v33 =	vld.idx.msk [tilespmem:v26+s1+$0x0], $0xffff;
	v35 =	vor.u32 $0x17, v1  }
0x383: {  	v36 =	vld.idx.msk [tilespmem:v29+s1+$0x0], $0xffff;
	v2 =	vadd.f32 v3, v2;
	v3 =	vmul.f32 v28, v27  }
0x384: {  	v38 =	vor.u32 $0x18, v1;
	v37 =	vld.idx.msk [tilespmem:v29+s5+$0x0], $0xffff  }
0x385: {  	v39 =	vld.idx.msk [tilespmem:v32+s1+$0x0], $0xffff;
	v2 =	vadd.f32 v3, v2;
	v3 =	vmul.f32 v31, v30  }
0x386: {  	v41 =	vor.u32 $0x19, v1;
	v40 =	vld.idx.msk [tilespmem:v32+s5+$0x0], $0xffff  }
0x387: {  	v42 =	vld.idx.msk [tilespmem:v35+s1+$0x0], $0xffff;
	v2 =	vadd.f32 v3, v2;
	v3 =	vmul.f32 v34, v33  }
0x388: {  	v44 =	vor.u32 $0x1A, v1;
	v43 =	vld.idx.msk [tilespmem:v35+s5+$0x0], $0xffff  }
0x389: {  	v45 =	vld.idx.msk [tilespmem:v38+s1+$0x0], $0xffff;
	v2 =	vadd.f32 v3, v2;
	v3 =	vmul.f32 v37, v36  }
0x38a: {  	v47 =	vor.u32 $0x1B, v1;
	v46 =	vld.idx.msk [tilespmem:v38+s5+$0x0], $0xffff  }
0x38b: {  	v48 =	vld.idx.msk [tilespmem:v41+s1+$0x0], $0xffff;
	v2 =	vadd.f32 v3, v2;
	v3 =	vmul.f32 v40, v39  }
0x38c: {  	v50 =	vor.u32 $0x1C, v1;
	v49 =	vld.idx.msk [tilespmem:v41+s5+$0x0], $0xffff  }
0x38d: {  	v51 =	vld.idx.msk [tilespmem:v44+s1+$0x0], $0xffff;
	v2 =	vadd.f32 v3, v2;
	v3 =	vmul.f32 v43, v42  }
0x38e: {  	v53 =	vor.u32 $0x1D, v1;
	v52 =	vld.idx.msk [tilespmem:v44+s5+$0x0], $0xffff  }
0x38f: {  	v54 =	vld.idx.msk [tilespmem:v47+s1+$0x0], $0xffff;
	v2 =	vadd.f32 v3, v2;
	v3 =	vmul.f32 v46, v45  }
0x390: {  	v56 =	vor.u32 $0x1E, v1;
	v55 =	vld.idx.msk [tilespmem:v47+s5+$0x0], $0xffff  }
0x391: {  	v57 =	vld.idx.msk [tilespmem:v50+s1+$0x0], $0xffff;
	v2 =	vadd.f32 v3, v2;
	v3 =	vmul.f32 v49, v48  }
0x392: {  	v1 =	vor.u32 $0x1F, v1;
	v58 =	vld.idx.msk [tilespmem:v50+s5+$0x0], $0xffff  }
0x393: {  	v59 =	vld.idx.msk [tilespmem:v53+s1+$0x0], $0xffff;
	v2 =	vadd.f32 v3, v2;
	v3 =	vmul.f32 v52, v51  }
0x394: {  	v60 =	vld.idx.msk [tilespmem:v53+s5+$0x0], $0xffff  }
0x395: {  	v62 =	vld.idx.msk [tilespmem:v56+s5+$0x0], $0xffff;
	v2 =	vadd.f32 v3, v2;
	v3 =	vmul.f32 v55, v54  }
0x396: {  	v61 =	vld.idx.msk [tilespmem:v56+s1+$0x0], $0xffff  }
0x397: {  	v63 =	vld.idx.msk [tilespmem:v1+s1+$0x0], $0xffff;
	v2 =	vadd.f32 v3, v2;
	v3 =	vmul.f32 v58, v57  }
0x398: {  	v1 =	vld.idx.msk [tilespmem:v1+s5+$0x0], $0xffff  }
0x399: {  	v2 =	vadd.f32 v3, v2;
	v3 =	vmul.f32 v60, v59;
	_ =	sdelay $0x1  }
0x39a: {  	v2 =	vadd.f32 v3, v2;
	v3 =	vmul.f32 v62, v61;
	_ =	sdelay $0x1  }
0x39b: {  	v1 =	vmul.f32 v1, v63;
	v2 =	vadd.f32 v3, v2;
	_ =	sdelay $0x1  }
0x39c: {  	v1 =	vadd.f32 v1, v2  }
0x39d: {  	s26 =	sand.u32 $0xF0, s16  }
0x39e: {  	s28 =	rddreg [dreg:$0x1b];
	s29 =	simm.s32 $0x10400;
	[tilespmem:s26+$0x10500] =	vst v1  }
0x39f: {  	[hbm4b:s28+s3] =	stream.linear.scatter [tilespmem:s29], [sflag:$0x3], $0x200, $0x38;
	[tilespmem:$0x10600] =	vst v63  }
0x3a0: {  	_ =	swait.ge [sflag:s2], $0x200  }
0x3a1: {  	s30 =	rddreg [dreg:$0x1d]  }
0x3a2: {  	s31 =	rddreg [dreg:$0x1c];
	s1 =	sadd.s32 $0x1, s30  }
0x3a3: {  	p0 =	sne.s32 s1, s31  }
.Ltmp6:
0x3a4: {  	_ = 	snop;
	(pc) =	sbr.rel @p0 .LBB2_1-.Ltmp6, $3  }
0x3a5: {  	_ =	sdelay $0x1  }
0x3a6: {  	[sflag:s2] =	ssyncset.done $0x0  }
0x3a7: {  	[sflag:s2] =	ssyncadd.s32 $0xFFFFFE00  }
0x3a8: {  	_ =	sfence.sel $0x180000  }
0x3a9: {  	[bflag:$0x0] =	sbarrier.arrive $0xFFFF  }
0x3aa: {  	_ =	strace $0x90000047  }
0x3ab: {  	s0 =	stileid.u32;
	[bflag:$0x2] =	sbarrier.arrive $0xFFFF  }
0x3ac: {  	p0 =	sne.s32 s0, $0x0;
	s0 =	rddreg [dreg:$0x4]  }
0x3ad: {  	s0 =	sadd.s32 @!p0 $0x100000, s0  }
0x3ae: {  	[sflag:s0] =	ssyncadd.tile.s32 @!p0 $0x1;
	_ =	shalt  }
.Lfunc_end2:
_tile_overlayer_lowered:
.L_overlay_start_2:
0x3af: {  	(tag) =	ssettag $0x2  }
0x3b0: {  	s0 =	rddreg [dreg:$0x0];
	s2 =	stileid.u32  }
0x3b1: {  	s1 =	rddreg [dreg:$0x1];
	p0 =	sne.s32 s2, $0x0  }
0x3b2: {  	s3 =	rddreg [dreg:$0x2];
	[bflag:$0x3] =	sbarrier.arrive $0xFFFF;
	s2 =	simm.s32 @!p0 $0x1C03  }
0x3b3: {  	[timem:s3], [sflag:s2] =	dma.local @!p0 [hbm:s0], s1  }
0x3b4: {  	s0 =	simm.s32 @!p0 $0x3  }
0x3b5: {  	_ =	swait.ge @!p0 [sflag:s0], s1  }
0x3b6: {  	s1 =	ssub.s32 @!p0 $0x0, s1;
	[sflag:s0] =	ssyncset.done @!p0 $0x0  }
0x3b7: {  	[sflag:s0] =	ssyncadd.s32 @!p0 s1  }
0x3b8: {  	[bflag:$0x3] =	sbarrier.arrive $0xFFFF  }
0x3b9: {  	_ =	shalt  }

</sc_bundles>
